<compile_context>
chip_gen: v7x
topology: tpu7x:2x2x1
jax: 0.10.2.dev20260603
libtpu: 0.0.44.dev20260713+nightly
codegen_flags: <defaults>
</compile_context>

<pallas_src>
import functools

import jax
import jax.numpy as jnp
from jax import lax
from jax.experimental import pallas as pl
from jax.experimental.pallas import tpu as pltpu
from jax.experimental.pallas import tpu_sc as plsc

N = 10000
E = 160000
D = 256
DH = 128

NC = 2
NS = 16
BLK = 128
KB = 2 * -(-E // (NS * BLK * 2))
KB2 = KB // 2
EPAD = NS * KB * BLK
ACC_R = 10112
DEG_R = 10240
DUMMY = N + 8


def _sc_layer_body(with_deg, tabA, tabB, pk_h, z2, z1, ones_h,
                   aggA_o, aggB_o, deg0_o, deg1_o, acc, dacc, pk_v, sidx,
                   didx, rows_v, ones_v, gsem, ssem, dsem):
  c = lax.axis_index("c")
  s = lax.axis_index("s")

  pltpu.sync_copy(pk_h.at[s], pk_v)

  rz = ACC_R // NS
  pltpu.sync_copy(z2, acc.at[pl.ds(s * rz, rz)])
  if with_deg:
    dz = DEG_R // NS
    pltpu.sync_copy(z1, dacc.at[pl.ds(s * dz, dz)])
    pltpu.sync_copy(ones_h, ones_v)
  plsc.subcore_barrier()

  def unpack_idx(jb, buf):
    row = pk_v.at[jb]
    for i in range(BLK // 16):
      p = row[pl.ds(i * 16, 16)]
      sidx[buf, pl.ds(i * 16, 16)] = p & 0xFFFF
      didx[buf, pl.ds(i * 16, 16)] = lax.shift_right_logical(p, 16)

  def edge_loop(tab, do_deg):
    unpack_idx(0, 0)
    pltpu.async_copy(tab.at[sidx.at[0]], rows_v.at[0], gsem.at[0])

    def step(j, carry):
      buf = lax.rem(j, 2)
      obuf = 1 - buf

      @pl.when(j >= 1)
      def _():
        pltpu.make_async_copy(rows_v.at[obuf], acc.at[didx.at[obuf]],
                              ssem).wait()
        if do_deg:
          @pl.when(obuf == c)
          def _():
            pltpu.make_async_copy(ones_v, dacc.at[didx.at[obuf]],
                                  dsem).wait()

      @pl.when(j + 1 < KB)
      def _():
        unpack_idx(j + 1, obuf)
        pltpu.async_copy(tab.at[sidx.at[obuf]], rows_v.at[obuf],
                         gsem.at[obuf])

      pltpu.make_async_copy(tab.at[sidx.at[buf]], rows_v.at[buf],
                            gsem.at[buf]).wait()
      pltpu.async_copy(rows_v.at[buf], acc.at[didx.at[buf]], ssem, add=True)
      if do_deg:
        @pl.when(buf == c)
        def _():
          pltpu.async_copy(ones_v, dacc.at[didx.at[buf]], dsem, add=True)
      return carry

    lax.fori_loop(0, KB, step, 0)
    fbuf = (KB - 1) % 2
    pltpu.make_async_copy(rows_v.at[fbuf], acc.at[didx.at[fbuf]],
                          ssem).wait()
    if do_deg:
      @pl.when(c == fbuf)
      def _():
        pltpu.make_async_copy(ones_v, dacc.at[didx.at[fbuf]], dsem).wait()

  @pl.when(c == 0)
  def _():
    edge_loop(tabA, with_deg)

  @pl.when(c == 1)
  def _():
    edge_loop(tabB, with_deg)

  plsc.subcore_barrier()

  r0 = s * (ACC_R // NS)
  nr = ACC_R // NS

  d0 = s * (DEG_R // NS)
  nd = DEG_R // NS

  @pl.when(c == 0)
  def _():
    pltpu.sync_copy(acc.at[pl.ds(r0, nr)], aggA_o.at[pl.ds(r0, nr)])
    if with_deg:
      pltpu.sync_copy(dacc.at[pl.ds(d0, nd)], deg0_o.at[pl.ds(d0, nd)])

  @pl.when(c == 1)
  def _():
    pltpu.sync_copy(acc.at[pl.ds(r0, nr)], aggB_o.at[pl.ds(r0, nr)])
    if with_deg:
      pltpu.sync_copy(dacc.at[pl.ds(d0, nd)], deg1_o.at[pl.ds(d0, nd)])


def _make_sc_layer(with_deg):
  mesh = plsc.VectorSubcoreMesh(core_axis_name="c", subcore_axis_name="s",
                                num_cores=NC, num_subcores=NS)
  return pl.kernel(
      functools.partial(_sc_layer_body, with_deg),
      out_type=(
          jax.ShapeDtypeStruct((ACC_R, DH), jnp.float32),
          jax.ShapeDtypeStruct((ACC_R, DH), jnp.float32),
          jax.ShapeDtypeStruct((DEG_R,), jnp.float32),
          jax.ShapeDtypeStruct((DEG_R,), jnp.float32),
      ),
      mesh=mesh,
      scratch_types=[
          pltpu.VMEM_SHARED((ACC_R, DH), jnp.float32),
          pltpu.VMEM_SHARED((DEG_R,), jnp.float32),
          pltpu.VMEM((KB, BLK), jnp.int32),
          pltpu.VMEM((2, BLK), jnp.int32),
          pltpu.VMEM((2, BLK), jnp.int32),
          pltpu.VMEM((2, BLK, DH), jnp.float32),
          pltpu.VMEM((BLK,), jnp.float32),
          pltpu.SemaphoreType.DMA((2,)),
          pltpu.SemaphoreType.DMA,
          pltpu.SemaphoreType.DMA,
      ],
      name="sage_segment_sum" + ("_deg" if with_deg else ""),
  )


_sc_layer_deg = _make_sc_layer(True)
_sc_layer = _make_sc_layer(False)



BM = 512
GRID_M = -(-N // BM)


def _tc1_body(x_ref, w_ref, b_ref, xs_ref, xnA_ref, xnB_ref):
  y = jnp.dot(x_ref[...].astype(jnp.bfloat16), w_ref[...],
              preferred_element_type=jnp.float32)
  xs_ref[...] = y[:, :D] + b_ref[...]
  xnA_ref[...] = y[:, D:D + DH]
  xnB_ref[...] = y[:, D + DH:]


def _tc2_body(xs_ref, aA_ref, aB_ref, d0_ref, d1_ref, w_ref, b_ref,
              hs_ref, hnA_ref, hnB_ref):
  invd = 1.0 / jnp.maximum(d0_ref[...] + d1_ref[...], 1.0)
  agg = jnp.concatenate([aA_ref[...], aB_ref[...]], axis=1) * invd
  h = jnp.maximum(xs_ref[...] + agg, 0.0)
  y = jnp.dot(h.astype(jnp.bfloat16), w_ref[...],
              preferred_element_type=jnp.float32)
  hs_ref[...] = y[:, :D] + b_ref[...]
  hnA_ref[...] = y[:, D:D + DH]
  hnB_ref[...] = y[:, D + DH:]


def _tc3_body(hs_ref, aA_ref, aB_ref, d0_ref, d1_ref, o_ref):
  invd = 1.0 / jnp.maximum(d0_ref[...] + d1_ref[...], 1.0)
  agg = jnp.concatenate([aA_ref[...], aB_ref[...]], axis=1) * invd
  o_ref[...] = hs_ref[...] + agg


def _row_spec(cols):
  return pl.BlockSpec((BM, cols), lambda i: (i, 0))


_W_SPEC = pl.BlockSpec((D, 2 * D), lambda i: (0, 0))
_B_SPEC = pl.BlockSpec((1, D), lambda i: (0, 0))
_D_SPEC = pl.BlockSpec((BM, 1), lambda i: (i, 0))

_tc1 = pl.pallas_call(
    _tc1_body,
    grid=(GRID_M,),
    in_specs=[_row_spec(D), _W_SPEC, _B_SPEC],
    out_specs=[_row_spec(D), _row_spec(DH), _row_spec(DH)],
    out_shape=[
        jax.ShapeDtypeStruct((N, D), jnp.float32),
        jax.ShapeDtypeStruct((N, DH), jnp.float32),
        jax.ShapeDtypeStruct((N, DH), jnp.float32),
    ],
    compiler_params=pltpu.CompilerParams(
        dimension_semantics=("parallel",)),
)

_tc2 = pl.pallas_call(
    _tc2_body,
    grid=(GRID_M,),
    in_specs=[_row_spec(D), _row_spec(DH), _row_spec(DH), _D_SPEC, _D_SPEC,
              _W_SPEC, _B_SPEC],
    out_specs=[_row_spec(D), _row_spec(DH), _row_spec(DH)],
    out_shape=[
        jax.ShapeDtypeStruct((N, D), jnp.float32),
        jax.ShapeDtypeStruct((N, DH), jnp.float32),
        jax.ShapeDtypeStruct((N, DH), jnp.float32),
    ],
    compiler_params=pltpu.CompilerParams(
        dimension_semantics=("parallel",)),
)

_tc3 = pl.pallas_call(
    _tc3_body,
    grid=(GRID_M,),
    in_specs=[_row_spec(D), _row_spec(DH), _row_spec(DH), _D_SPEC, _D_SPEC],
    out_specs=_row_spec(D),
    out_shape=jax.ShapeDtypeStruct((N, D), jnp.float32),
    compiler_params=pltpu.CompilerParams(
        dimension_semantics=("parallel",)),
)


@jax.jit
def kernel(x, edge_index, W1_self, W1_neigh, b1, W2_self, W2_neigh, b2):
  W1 = jnp.concatenate([W1_self, W1_neigh], axis=1).astype(jnp.bfloat16)
  W2 = jnp.concatenate([W2_self, W2_neigh], axis=1).astype(jnp.bfloat16)

  src = edge_index[0]
  dst = edge_index[1]
  pad = EPAD - E
  packed = jnp.concatenate([
      (dst << 16) | src,
      jnp.full((pad,), DUMMY << 16, jnp.int32),
  ]).reshape(NS, KB, BLK)

  z2 = jnp.zeros((ACC_R // NS, DH), jnp.float32)
  z1 = jnp.zeros((DEG_R // NS,), jnp.float32)
  ones = jnp.ones((BLK,), jnp.float32)

  xs, xnA, xnB = _tc1(x, W1, b1.reshape(1, D))
  aggA, aggB, deg0, deg1 = _sc_layer_deg(xnA, xnB, packed, z2, z1, ones)
  d0 = deg0.reshape(DEG_R, 1)
  d1 = deg1.reshape(DEG_R, 1)

  hs, hnA, hnB = _tc2(xs, aggA, aggB, d0, d1, W2, b2.reshape(1, D))
  a2A, a2B, _, _ = _sc_layer(hnA, hnB, packed, z2, z1, ones)
  out = _tc3(hs, a2A, a2B, d0, d1)
  return out

# --- scband reference (transcript-rebuilt; emitter-appended) ---
"""Pipeline reference for scband-graph-user-encoder-23673859736420 (READ-ONLY COPY).

The authoritative reference and input builder live on the scoring server;
editing this copy changes nothing except your own understanding.
"""

import jax, jax.numpy as jnp
import numpy as np

N = 10000
E = 160000
D_IN = 256
HIDDEN = 256
D_OUT = 256


def setup_inputs(seed: int = 0) -> dict:
    key = jax.random.key(seed)
    ks = jax.random.split(key, 9)
    x = jax.random.normal(ks[0], (N, D_IN), dtype=jnp.float32)
    edge_index = jax.random.randint(ks[1], (2, E), 0, N, dtype=jnp.int32)
    s1 = 1.0 / np.sqrt(D_IN)
    s2 = 1.0 / np.sqrt(HIDDEN)
    W1_self = jax.random.normal(ks[2], (D_IN, HIDDEN), dtype=jnp.float32) * s1
    W1_neigh = jax.random.normal(ks[3], (D_IN, HIDDEN), dtype=jnp.float32) * s1
    b1 = jax.random.normal(ks[4], (HIDDEN,), dtype=jnp.float32) * 0.01
    W2_self = jax.random.normal(ks[5], (HIDDEN, D_OUT), dtype=jnp.float32) * s2
    W2_neigh = jax.random.normal(ks[6], (HIDDEN, D_OUT), dtype=jnp.float32) * s2
    b2 = jax.random.normal(ks[7], (D_OUT,), dtype=jnp.float32) * 0.01
    return {
        "x": x,
        "edge_index": edge_index,
        "W1_self": W1_self,
        "W1_neigh": W1_neigh,
        "b1": b1,
        "W2_self": W2_self,
        "W2_neigh": W2_neigh,
        "b2": b2,
    }


def reference(x, edge_index, W1_self, W1_neigh, b1, W2_self, W2_neigh, b2):
    # GraphSAGE (mean aggregation) two-layer encoder:
    #   h = relu(SAGE(x)); out = SAGE(h)
    # SAGE(h) = h @ W_self + mean_{j in N(i)} h_j @ W_neigh + b
    src = edge_index[0]
    dst = edge_index[1]
    deg = jax.ops.segment_sum(jnp.ones((E,), dtype=jnp.float32), dst, num_segments=N)
    deg = jnp.maximum(deg, 1.0)

    def sage(h, Ws, Wn, b):
        msgs = jnp.take(h, src, axis=0)              # gather source features [E, d]
        agg = jax.ops.segment_sum(msgs, dst, num_segments=N)  # scatter-add by dst
        agg = agg / deg[:, None]                      # mean aggregation
        return h @ Ws + agg @ Wn + b

    h = jax.nn.relu(sage(x, W1_self, W1_neigh, b1))
    out = sage(h, W2_self, W2_neigh, b2)
    return out

if __name__ == "__main__":
    import jax
    _d = setup_inputs()
    print(jax.jit(kernel)(*tuple(_d.values())))

</pallas_src>

<mosaic_0001>
#map = affine_map<(d0, d1) -> (0, 0)>
#map1 = affine_map<(d0, d1) -> (0, 0, 0)>
#map2 = affine_map<(d0, d1) -> (0)>
module attributes {stable_mosaic.version = 14 : i64} {
  func.func @sage_segment_sum_deg(%arg0: i32, %arg1: i32, %arg2: memref<10000x128xf32, #tpu.memory_space<hbm>>, %arg3: memref<10000x128xf32, #tpu.memory_space<hbm>>, %arg4: memref<16x80x128xi32, #tpu.memory_space<hbm>>, %arg5: memref<632x128xf32, #tpu.memory_space<hbm>>, %arg6: memref<640xf32, #tpu.memory_space<hbm>>, %arg7: memref<128xf32, #tpu.memory_space<hbm>>, %arg8: memref<10112x128xf32, #tpu.memory_space<hbm>>, %arg9: memref<10112x128xf32, #tpu.memory_space<hbm>>, %arg10: memref<10240xf32, #tpu.memory_space<hbm>>, %arg11: memref<10240xf32, #tpu.memory_space<hbm>>, %arg12: memref<10112x128xf32, #tpu.memory_space<vmem_shared>>, %arg13: memref<10240xf32, #tpu.memory_space<vmem_shared>>, %arg14: memref<80x128xi32, #tpu.memory_space<vmem>>, %arg15: memref<2x128xi32, #tpu.memory_space<vmem>>, %arg16: memref<2x128xi32, #tpu.memory_space<vmem>>, %arg17: memref<2x128x128xf32, #tpu.memory_space<vmem>>, %arg18: memref<128xf32, #tpu.memory_space<vmem>>, %arg19: memref<2x!tpu.dma_semaphore, #tpu.memory_space<semaphore_mem>>, %arg20: memref<!tpu.dma_semaphore, #tpu.memory_space<semaphore_mem>>, %arg21: memref<!tpu.dma_semaphore, #tpu.memory_space<semaphore_mem>>) attributes {dimension_semantics = [#tpu.dimension_semantics<core_parallel>, #tpu.dimension_semantics<subcore_parallel>], iteration_bounds = array<i64: 2, 16>, scalar_prefetch = 0 : i64, scratch_operands = 10 : i64, tpu.core_type = #tpu.core_type<sc_vector_subcore>, window_params = [{transform_indices = #map}, {transform_indices = #map}, {transform_indices = #map1}, {transform_indices = #map}, {transform_indices = #map2}, {transform_indices = #map2}, {transform_indices = #map}, {transform_indices = #map}, {transform_indices = #map2}, {transform_indices = #map2}]} {
    "tpu.region"() ({
      %run_scoped3A = tpu.sem_alloc : memref<!tpu.dma_semaphore, #tpu.memory_space<semaphore_mem>>
      %dma_start3A = arith.constant 0 : i32
      %dma_start3A_25 = arith.constant 0 : i32
      %dma_start3A_26 = tpu.memref_slice %arg4[%arg1, %dma_start3A, %dma_start3A_25] : memref<16x80x128xi32, #tpu.memory_space<hbm>> -> memref<1x80x128xi32, #tpu.memory_space<hbm>>
      %dma_start3A_27 = tpu.memref_squeeze %dma_start3A_26 : memref<1x80x128xi32, #tpu.memory_space<hbm>> -> memref<80x128xi32, #tpu.memory_space<hbm>>
      %dma_start3A_28 = arith.constant 0 : i32
      %dma_start3A_29 = arith.constant 0 : i32
      %dma_start3A_30 = tpu.memref_slice %arg4[%arg1, %dma_start3A_28, %dma_start3A_29] : memref<16x80x128xi32, #tpu.memory_space<hbm>> -> memref<1x80x128xi32, #tpu.memory_space<hbm>>
      %dma_start3A_31 = tpu.memref_squeeze %dma_start3A_30 : memref<1x80x128xi32, #tpu.memory_space<hbm>> -> memref<80x128xi32, #tpu.memory_space<hbm>>
      tpu.enqueue_dma source(%dma_start3A_31 : memref<80x128xi32, #tpu.memory_space<hbm>>) target(%arg14 : memref<80x128xi32, #tpu.memory_space<vmem>>) target_semaphore(%run_scoped3A : memref<!tpu.dma_semaphore, #tpu.memory_space<semaphore_mem>>)
      %dma_wait3A = arith.constant 0 : i32
      %dma_wait3A_32 = arith.constant 0 : i32
      %dma_wait3A_33 = tpu.memref_slice %arg4[%arg1, %dma_wait3A, %dma_wait3A_32] : memref<16x80x128xi32, #tpu.memory_space<hbm>> -> memref<1x80x128xi32, #tpu.memory_space<hbm>>
      %dma_wait3A_34 = tpu.memref_squeeze %dma_wait3A_33 : memref<1x80x128xi32, #tpu.memory_space<hbm>> -> memref<80x128xi32, #tpu.memory_space<hbm>>
      %dma_wait3A_35 = arith.constant 0 : i32
      %dma_wait3A_36 = arith.constant 0 : i32
      %dma_wait3A_37 = tpu.memref_slice %arg4[%arg1, %dma_wait3A_35, %dma_wait3A_36] : memref<16x80x128xi32, #tpu.memory_space<hbm>> -> memref<1x80x128xi32, #tpu.memory_space<hbm>>
      %dma_wait3A_38 = tpu.memref_squeeze %dma_wait3A_37 : memref<1x80x128xi32, #tpu.memory_space<hbm>> -> memref<80x128xi32, #tpu.memory_space<hbm>>
      tpu.wait_dma2 semaphore(%run_scoped3A : memref<!tpu.dma_semaphore, #tpu.memory_space<semaphore_mem>>) src(%dma_wait3A_38 : memref<80x128xi32, #tpu.memory_space<hbm>>) dst(%arg14 : memref<80x128xi32, #tpu.memory_space<vmem>>)
      tpu.yield
    }) : () -> ()
    %mul3A = arith.constant 632 : i32
    %mul3A_0 = arith.muli %arg1, %mul3A : i32
    "tpu.region"() ({
      %run_scoped3A = tpu.sem_alloc : memref<!tpu.dma_semaphore, #tpu.memory_space<semaphore_mem>>
      %dma_start3A = arith.constant 0 : i32
      %dma_start3A_25 = tpu.memref_slice %arg12[%mul3A_0, %dma_start3A] : memref<10112x128xf32, #tpu.memory_space<vmem_shared>> -> memref<632x128xf32, #tpu.memory_space<vmem_shared>>
      tpu.enqueue_dma source(%arg5 : memref<632x128xf32, #tpu.memory_space<hbm>>) target(%dma_start3A_25 : memref<632x128xf32, #tpu.memory_space<vmem_shared>>) target_semaphore(%run_scoped3A : memref<!tpu.dma_semaphore, #tpu.memory_space<semaphore_mem>>)
      %dma_wait3A = arith.constant 0 : i32
      %dma_wait3A_26 = tpu.memref_slice %arg12[%mul3A_0, %dma_wait3A] : memref<10112x128xf32, #tpu.memory_space<vmem_shared>> -> memref<632x128xf32, #tpu.memory_space<vmem_shared>>
      tpu.wait_dma2 semaphore(%run_scoped3A : memref<!tpu.dma_semaphore, #tpu.memory_space<semaphore_mem>>) src(%arg5 : memref<632x128xf32, #tpu.memory_space<hbm>>) dst(%dma_wait3A_26 : memref<632x128xf32, #tpu.memory_space<vmem_shared>>)
      tpu.yield
    }) : () -> ()
    %mul3A_1 = arith.constant 640 : i32
    %mul3A_2 = arith.muli %arg1, %mul3A_1 : i32
    "tpu.region"() ({
      %run_scoped3A = tpu.sem_alloc : memref<!tpu.dma_semaphore, #tpu.memory_space<semaphore_mem>>
      %dma_start3A = tpu.memref_slice %arg13[%mul3A_2] : memref<10240xf32, #tpu.memory_space<vmem_shared>> -> memref<640xf32, #tpu.memory_space<vmem_shared>>
      tpu.enqueue_dma source(%arg6 : memref<640xf32, #tpu.memory_space<hbm>>) target(%dma_start3A : memref<640xf32, #tpu.memory_space<vmem_shared>>) target_semaphore(%run_scoped3A : memref<!tpu.dma_semaphore, #tpu.memory_space<semaphore_mem>>)
      %dma_wait3A = tpu.memref_slice %arg13[%mul3A_2] : memref<10240xf32, #tpu.memory_space<vmem_shared>> -> memref<640xf32, #tpu.memory_space<vmem_shared>>
      tpu.wait_dma2 semaphore(%run_scoped3A : memref<!tpu.dma_semaphore, #tpu.memory_space<semaphore_mem>>) src(%arg6 : memref<640xf32, #tpu.memory_space<hbm>>) dst(%dma_wait3A : memref<640xf32, #tpu.memory_space<vmem_shared>>)
      tpu.yield
    }) : () -> ()
    "tpu.region"() ({
      %run_scoped3A = tpu.sem_alloc : memref<!tpu.dma_semaphore, #tpu.memory_space<semaphore_mem>>
      tpu.enqueue_dma source(%arg7 : memref<128xf32, #tpu.memory_space<hbm>>) target(%arg18 : memref<128xf32, #tpu.memory_space<vmem>>) target_semaphore(%run_scoped3A : memref<!tpu.dma_semaphore, #tpu.memory_space<semaphore_mem>>)
      tpu.wait_dma2 semaphore(%run_scoped3A : memref<!tpu.dma_semaphore, #tpu.memory_space<semaphore_mem>>) src(%arg7 : memref<128xf32, #tpu.memory_space<hbm>>) dst(%arg18 : memref<128xf32, #tpu.memory_space<vmem>>)
      tpu.yield
    }) : () -> ()
    %barrier3A = arith.constant 0 : index
    tpu.barrier barrier_id(%barrier3A)
    %eq3A = arith.constant 0 : i32
    %eq3A_3 = arith.cmpi eq, %arg0, %eq3A : i32
    %convert_element_type3A = arith.extui %eq3A_3 : i1 to i32
    %cond3A = arith.constant 0 : i32
    %cond3A_4 = arith.cmpi ne, %convert_element_type3A, %cond3A : i32
    scf.if %cond3A_4 {
      %get3A = arith.constant 0 : i32
      %get3A_25 = arith.constant 0 : i32
      %get3A_26 = tpu.memref_slice %arg14[%get3A, %get3A_25] : memref<80x128xi32, #tpu.memory_space<vmem>> -> memref<1x128xi32, #tpu.memory_space<vmem>>
      %get3A_27 = tpu.memref_squeeze %get3A_26 : memref<1x128xi32, #tpu.memory_space<vmem>> -> memref<128xi32, #tpu.memory_space<vmem>>
      %get3A_28 = arith.constant 0 : index
      %get3A_29 = tpu.vector_load %get3A_27[%get3A_28] {strides = array<i32>} : memref<128xi32, #tpu.memory_space<vmem>>, vector<16xi32>,
      %get3A_30 = vector.shape_cast %get3A_29 : vector<16xi32> to vector<16xi32>
      %and3A = arith.constant 65535 : i32
      %and3A_31 = vector.broadcast %and3A : i32 to vector<16xi32>
      %and3A_32 = arith.andi %get3A_30, %and3A_31 : vector<16xi32>
      %swap3A = arith.constant 0 : i32
      %swap3A_33 = arith.index_cast %swap3A : i32 to index
      %swap3A_34 = arith.constant 0 : index
      %swap3A_35 = tpu.vector_load %arg15[%swap3A_33, %swap3A_34] {strides = array<i32>} : memref<2x128xi32, #tpu.memory_space<vmem>>, vector<1x16xi32>,
      %swap3A_36 = vector.shape_cast %swap3A_35 : vector<1x16xi32> to vector<16xi32>
      %swap3A_37 = vector.shape_cast %and3A_32 : vector<16xi32> to vector<1x16xi32>
      tpu.vector_store %arg15[%swap3A_33, %swap3A_34], %swap3A_37 {strides = array<i32>} : memref<2x128xi32, #tpu.memory_space<vmem>>, vector<1x16xi32>,
      %shift_right_logical3A = arith.constant 16 : i32
      %shift_right_logical3A_38 = vector.broadcast %shift_right_logical3A : i32 to vector<16xi32>
      %shift_right_logical3A_39 = arith.shrui %get3A_30, %shift_right_logical3A_38 : vector<16xi32>
      %swap3A_40 = arith.constant 0 : i32
      %swap3A_41 = arith.index_cast %swap3A_40 : i32 to index
      %swap3A_42 = arith.constant 0 : index
      %swap3A_43 = tpu.vector_load %arg16[%swap3A_41, %swap3A_42] {strides = array<i32>} : memref<2x128xi32, #tpu.memory_space<vmem>>, vector<1x16xi32>,
      %swap3A_44 = vector.shape_cast %swap3A_43 : vector<1x16xi32> to vector<16xi32>
      %swap3A_45 = vector.shape_cast %shift_right_logical3A_39 : vector<16xi32> to vector<1x16xi32>
      tpu.vector_store %arg16[%swap3A_41, %swap3A_42], %swap3A_45 {strides = array<i32>} : memref<2x128xi32, #tpu.memory_space<vmem>>, vector<1x16xi32>,
      %get3A_46 = arith.constant 0 : i32
      %get3A_47 = arith.constant 0 : i32
      %get3A_48 = tpu.memref_slice %arg14[%get3A_46, %get3A_47] : memref<80x128xi32, #tpu.memory_space<vmem>> -> memref<1x128xi32, #tpu.memory_space<vmem>>
      %get3A_49 = tpu.memref_squeeze %get3A_48 : memref<1x128xi32, #tpu.memory_space<vmem>> -> memref<128xi32, #tpu.memory_space<vmem>>
      %get3A_50 = arith.constant 16 : index
      %get3A_51 = tpu.vector_load %get3A_49[%get3A_50] {strides = array<i32>} : memref<128xi32, #tpu.memory_space<vmem>>, vector<16xi32>,
      %get3A_52 = vector.shape_cast %get3A_51 : vector<16xi32> to vector<16xi32>
      %and3A_53 = arith.constant 65535 : i32
      %and3A_54 = vector.broadcast %and3A_53 : i32 to vector<16xi32>
      %and3A_55 = arith.andi %get3A_52, %and3A_54 : vector<16xi32>
      %swap3A_56 = arith.constant 0 : i32
      %swap3A_57 = arith.index_cast %swap3A_56 : i32 to index
      %swap3A_58 = arith.constant 16 : index
      %swap3A_59 = tpu.vector_load %arg15[%swap3A_57, %swap3A_58] {strides = array<i32>} : memref<2x128xi32, #tpu.memory_space<vmem>>, vector<1x16xi32>,
      %swap3A_60 = vector.shape_cast %swap3A_59 : vector<1x16xi32> to vector<16xi32>
      %swap3A_61 = vector.shape_cast %and3A_55 : vector<16xi32> to vector<1x16xi32>
      tpu.vector_store %arg15[%swap3A_57, %swap3A_58], %swap3A_61 {strides = array<i32>} : memref<2x128xi32, #tpu.memory_space<vmem>>, vector<1x16xi32>,
      %shift_right_logical3A_62 = arith.constant 16 : i32
      %shift_right_logical3A_63 = vector.broadcast %shift_right_logical3A_62 : i32 to vector<16xi32>
      %shift_right_logical3A_64 = arith.shrui %get3A_52, %shift_right_logical3A_63 : vector<16xi32>
      %swap3A_65 = arith.constant 0 : i32
      %swap3A_66 = arith.index_cast %swap3A_65 : i32 to index
      %swap3A_67 = arith.constant 16 : index
      %swap3A_68 = tpu.vector_load %arg16[%swap3A_66, %swap3A_67] {strides = array<i32>} : memref<2x128xi32, #tpu.memory_space<vmem>>, vector<1x16xi32>,
      %swap3A_69 = vector.shape_cast %swap3A_68 : vector<1x16xi32> to vector<16xi32>
      %swap3A_70 = vector.shape_cast %shift_right_logical3A_64 : vector<16xi32> to vector<1x16xi32>
      tpu.vector_store %arg16[%swap3A_66, %swap3A_67], %swap3A_70 {strides = array<i32>} : memref<2x128xi32, #tpu.memory_space<vmem>>, vector<1x16xi32>,
      %get3A_71 = arith.constant 0 : i32
      %get3A_72 = arith.constant 0 : i32
      %get3A_73 = tpu.memref_slice %arg14[%get3A_71, %get3A_72] : memref<80x128xi32, #tpu.memory_space<vmem>> -> memref<1x128xi32, #tpu.memory_space<vmem>>
      %get3A_74 = tpu.memref_squeeze %get3A_73 : memref<1x128xi32, #tpu.memory_space<vmem>> -> memref<128xi32, #tpu.memory_space<vmem>>
      %get3A_75 = arith.constant 32 : index
      %get3A_76 = tpu.vector_load %get3A_74[%get3A_75] {strides = array<i32>} : memref<128xi32, #tpu.memory_space<vmem>>, vector<16xi32>,
      %get3A_77 = vector.shape_cast %get3A_76 : vector<16xi32> to vector<16xi32>
      %and3A_78 = arith.constant 65535 : i32
      %and3A_79 = vector.broadcast %and3A_78 : i32 to vector<16xi32>
      %and3A_80 = arith.andi %get3A_77, %and3A_79 : vector<16xi32>
      %swap3A_81 = arith.constant 0 : i32
      %swap3A_82 = arith.index_cast %swap3A_81 : i32 to index
      %swap3A_83 = arith.constant 32 : index
      %swap3A_84 = tpu.vector_load %arg15[%swap3A_82, %swap3A_83] {strides = array<i32>} : memref<2x128xi32, #tpu.memory_space<vmem>>, vector<1x16xi32>,
      %swap3A_85 = vector.shape_cast %swap3A_84 : vector<1x16xi32> to vector<16xi32>
      %swap3A_86 = vector.shape_cast %and3A_80 : vector<16xi32> to vector<1x16xi32>
      tpu.vector_store %arg15[%swap3A_82, %swap3A_83], %swap3A_86 {strides = array<i32>} : memref<2x128xi32, #tpu.memory_space<vmem>>, vector<1x16xi32>,
      %shift_right_logical3A_87 = arith.constant 16 : i32
      %shift_right_logical3A_88 = vector.broadcast %shift_right_logical3A_87 : i32 to vector<16xi32>
      %shift_right_logical3A_89 = arith.shrui %get3A_77, %shift_right_logical3A_88 : vector<16xi32>
      %swap3A_90 = arith.constant 0 : i32
      %swap3A_91 = arith.index_cast %swap3A_90 : i32 to index
      %swap3A_92 = arith.constant 32 : index
      %swap3A_93 = tpu.vector_load %arg16[%swap3A_91, %swap3A_92] {strides = array<i32>} : memref<2x128xi32, #tpu.memory_space<vmem>>, vector<1x16xi32>,
      %swap3A_94 = vector.shape_cast %swap3A_93 : vector<1x16xi32> to vector<16xi32>
      %swap3A_95 = vector.shape_cast %shift_right_logical3A_89 : vector<16xi32> to vector<1x16xi32>
      tpu.vector_store %arg16[%swap3A_91, %swap3A_92], %swap3A_95 {strides = array<i32>} : memref<2x128xi32, #tpu.memory_space<vmem>>, vector<1x16xi32>,
      %get3A_96 = arith.constant 0 : i32
      %get3A_97 = arith.constant 0 : i32
      %get3A_98 = tpu.memref_slice %arg14[%get3A_96, %get3A_97] : memref<80x128xi32, #tpu.memory_space<vmem>> -> memref<1x128xi32, #tpu.memory_space<vmem>>
      %get3A_99 = tpu.memref_squeeze %get3A_98 : memref<1x128xi32, #tpu.memory_space<vmem>> -> memref<128xi32, #tpu.memory_space<vmem>>
      %get3A_100 = arith.constant 48 : index
      %get3A_101 = tpu.vector_load %get3A_99[%get3A_100] {strides = array<i32>} : memref<128xi32, #tpu.memory_space<vmem>>, vector<16xi32>,
      %get3A_102 = vector.shape_cast %get3A_101 : vector<16xi32> to vector<16xi32>
      %and3A_103 = arith.constant 65535 : i32
      %and3A_104 = vector.broadcast %and3A_103 : i32 to vector<16xi32>
      %and3A_105 = arith.andi %get3A_102, %and3A_104 : vector<16xi32>
      %swap3A_106 = arith.constant 0 : i32
      %swap3A_107 = arith.index_cast %swap3A_106 : i32 to index
      %swap3A_108 = arith.constant 48 : index
      %swap3A_109 = tpu.vector_load %arg15[%swap3A_107, %swap3A_108] {strides = array<i32>} : memref<2x128xi32, #tpu.memory_space<vmem>>, vector<1x16xi32>,
      %swap3A_110 = vector.shape_cast %swap3A_109 : vector<1x16xi32> to vector<16xi32>
      %swap3A_111 = vector.shape_cast %and3A_105 : vector<16xi32> to vector<1x16xi32>
      tpu.vector_store %arg15[%swap3A_107, %swap3A_108], %swap3A_111 {strides = array<i32>} : memref<2x128xi32, #tpu.memory_space<vmem>>, vector<1x16xi32>,
      %shift_right_logical3A_112 = arith.constant 16 : i32
      %shift_right_logical3A_113 = vector.broadcast %shift_right_logical3A_112 : i32 to vector<16xi32>
      %shift_right_logical3A_114 = arith.shrui %get3A_102, %shift_right_logical3A_113 : vector<16xi32>
      %swap3A_115 = arith.constant 0 : i32
      %swap3A_116 = arith.index_cast %swap3A_115 : i32 to index
      %swap3A_117 = arith.constant 48 : index
      %swap3A_118 = tpu.vector_load %arg16[%swap3A_116, %swap3A_117] {strides = array<i32>} : memref<2x128xi32, #tpu.memory_space<vmem>>, vector<1x16xi32>,
      %swap3A_119 = vector.shape_cast %swap3A_118 : vector<1x16xi32> to vector<16xi32>
      %swap3A_120 = vector.shape_cast %shift_right_logical3A_114 : vector<16xi32> to vector<1x16xi32>
      tpu.vector_store %arg16[%swap3A_116, %swap3A_117], %swap3A_120 {strides = array<i32>} : memref<2x128xi32, #tpu.memory_space<vmem>>, vector<1x16xi32>,
      %get3A_121 = arith.constant 0 : i32
      %get3A_122 = arith.constant 0 : i32
      %get3A_123 = tpu.memref_slice %arg14[%get3A_121, %get3A_122] : memref<80x128xi32, #tpu.memory_space<vmem>> -> memref<1x128xi32, #tpu.memory_space<vmem>>
      %get3A_124 = tpu.memref_squeeze %get3A_123 : memref<1x128xi32, #tpu.memory_space<vmem>> -> memref<128xi32, #tpu.memory_space<vmem>>
      %get3A_125 = arith.constant 64 : index
      %get3A_126 = tpu.vector_load %get3A_124[%get3A_125] {strides = array<i32>} : memref<128xi32, #tpu.memory_space<vmem>>, vector<16xi32>,
      %get3A_127 = vector.shape_cast %get3A_126 : vector<16xi32> to vector<16xi32>
      %and3A_128 = arith.constant 65535 : i32
      %and3A_129 = vector.broadcast %and3A_128 : i32 to vector<16xi32>
      %and3A_130 = arith.andi %get3A_127, %and3A_129 : vector<16xi32>
      %swap3A_131 = arith.constant 0 : i32
      %swap3A_132 = arith.index_cast %swap3A_131 : i32 to index
      %swap3A_133 = arith.constant 64 : index
      %swap3A_134 = tpu.vector_load %arg15[%swap3A_132, %swap3A_133] {strides = array<i32>} : memref<2x128xi32, #tpu.memory_space<vmem>>, vector<1x16xi32>,
      %swap3A_135 = vector.shape_cast %swap3A_134 : vector<1x16xi32> to vector<16xi32>
      %swap3A_136 = vector.shape_cast %and3A_130 : vector<16xi32> to vector<1x16xi32>
      tpu.vector_store %arg15[%swap3A_132, %swap3A_133], %swap3A_136 {strides = array<i32>} : memref<2x128xi32, #tpu.memory_space<vmem>>, vector<1x16xi32>,
      %shift_right_logical3A_137 = arith.constant 16 : i32
      %shift_right_logical3A_138 = vector.broadcast %shift_right_logical3A_137 : i32 to vector<16xi32>
      %shift_right_logical3A_139 = arith.shrui %get3A_127, %shift_right_logical3A_138 : vector<16xi32>
      %swap3A_140 = arith.constant 0 : i32
      %swap3A_141 = arith.index_cast %swap3A_140 : i32 to index
      %swap3A_142 = arith.constant 64 : index
      %swap3A_143 = tpu.vector_load %arg16[%swap3A_141, %swap3A_142] {strides = array<i32>} : memref<2x128xi32, #tpu.memory_space<vmem>>, vector<1x16xi32>,
      %swap3A_144 = vector.shape_cast %swap3A_143 : vector<1x16xi32> to vector<16xi32>
      %swap3A_145 = vector.shape_cast %shift_right_logical3A_139 : vector<16xi32> to vector<1x16xi32>
      tpu.vector_store %arg16[%swap3A_141, %swap3A_142], %swap3A_145 {strides = array<i32>} : memref<2x128xi32, #tpu.memory_space<vmem>>, vector<1x16xi32>,
      %get3A_146 = arith.constant 0 : i32
      %get3A_147 = arith.constant 0 : i32
      %get3A_148 = tpu.memref_slice %arg14[%get3A_146, %get3A_147] : memref<80x128xi32, #tpu.memory_space<vmem>> -> memref<1x128xi32, #tpu.memory_space<vmem>>
      %get3A_149 = tpu.memref_squeeze %get3A_148 : memref<1x128xi32, #tpu.memory_space<vmem>> -> memref<128xi32, #tpu.memory_space<vmem>>
      %get3A_150 = arith.constant 80 : index
      %get3A_151 = tpu.vector_load %get3A_149[%get3A_150] {strides = array<i32>} : memref<128xi32, #tpu.memory_space<vmem>>, vector<16xi32>,
      %get3A_152 = vector.shape_cast %get3A_151 : vector<16xi32> to vector<16xi32>
      %and3A_153 = arith.constant 65535 : i32
      %and3A_154 = vector.broadcast %and3A_153 : i32 to vector<16xi32>
      %and3A_155 = arith.andi %get3A_152, %and3A_154 : vector<16xi32>
      %swap3A_156 = arith.constant 0 : i32
      %swap3A_157 = arith.index_cast %swap3A_156 : i32 to index
      %swap3A_158 = arith.constant 80 : index
      %swap3A_159 = tpu.vector_load %arg15[%swap3A_157, %swap3A_158] {strides = array<i32>} : memref<2x128xi32, #tpu.memory_space<vmem>>, vector<1x16xi32>,
      %swap3A_160 = vector.shape_cast %swap3A_159 : vector<1x16xi32> to vector<16xi32>
      %swap3A_161 = vector.shape_cast %and3A_155 : vector<16xi32> to vector<1x16xi32>
      tpu.vector_store %arg15[%swap3A_157, %swap3A_158], %swap3A_161 {strides = array<i32>} : memref<2x128xi32, #tpu.memory_space<vmem>>, vector<1x16xi32>,
      %shift_right_logical3A_162 = arith.constant 16 : i32
      %shift_right_logical3A_163 = vector.broadcast %shift_right_logical3A_162 : i32 to vector<16xi32>
      %shift_right_logical3A_164 = arith.shrui %get3A_152, %shift_right_logical3A_163 : vector<16xi32>
      %swap3A_165 = arith.constant 0 : i32
      %swap3A_166 = arith.index_cast %swap3A_165 : i32 to index
      %swap3A_167 = arith.constant 80 : index
      %swap3A_168 = tpu.vector_load %arg16[%swap3A_166, %swap3A_167] {strides = array<i32>} : memref<2x128xi32, #tpu.memory_space<vmem>>, vector<1x16xi32>,
      %swap3A_169 = vector.shape_cast %swap3A_168 : vector<1x16xi32> to vector<16xi32>
      %swap3A_170 = vector.shape_cast %shift_right_logical3A_164 : vector<16xi32> to vector<1x16xi32>
      tpu.vector_store %arg16[%swap3A_166, %swap3A_167], %swap3A_170 {strides = array<i32>} : memref<2x128xi32, #tpu.memory_space<vmem>>, vector<1x16xi32>,
      %get3A_171 = arith.constant 0 : i32
      %get3A_172 = arith.constant 0 : i32
      %get3A_173 = tpu.memref_slice %arg14[%get3A_171, %get3A_172] : memref<80x128xi32, #tpu.memory_space<vmem>> -> memref<1x128xi32, #tpu.memory_space<vmem>>
      %get3A_174 = tpu.memref_squeeze %get3A_173 : memref<1x128xi32, #tpu.memory_space<vmem>> -> memref<128xi32, #tpu.memory_space<vmem>>
      %get3A_175 = arith.constant 96 : index
      %get3A_176 = tpu.vector_load %get3A_174[%get3A_175] {strides = array<i32>} : memref<128xi32, #tpu.memory_space<vmem>>, vector<16xi32>,
      %get3A_177 = vector.shape_cast %get3A_176 : vector<16xi32> to vector<16xi32>
      %and3A_178 = arith.constant 65535 : i32
      %and3A_179 = vector.broadcast %and3A_178 : i32 to vector<16xi32>
      %and3A_180 = arith.andi %get3A_177, %and3A_179 : vector<16xi32>
      %swap3A_181 = arith.constant 0 : i32
      %swap3A_182 = arith.index_cast %swap3A_181 : i32 to index
      %swap3A_183 = arith.constant 96 : index
      %swap3A_184 = tpu.vector_load %arg15[%swap3A_182, %swap3A_183] {strides = array<i32>} : memref<2x128xi32, #tpu.memory_space<vmem>>, vector<1x16xi32>,
      %swap3A_185 = vector.shape_cast %swap3A_184 : vector<1x16xi32> to vector<16xi32>
      %swap3A_186 = vector.shape_cast %and3A_180 : vector<16xi32> to vector<1x16xi32>
      tpu.vector_store %arg15[%swap3A_182, %swap3A_183], %swap3A_186 {strides = array<i32>} : memref<2x128xi32, #tpu.memory_space<vmem>>, vector<1x16xi32>,
      %shift_right_logical3A_187 = arith.constant 16 : i32
      %shift_right_logical3A_188 = vector.broadcast %shift_right_logical3A_187 : i32 to vector<16xi32>
      %shift_right_logical3A_189 = arith.shrui %get3A_177, %shift_right_logical3A_188 : vector<16xi32>
      %swap3A_190 = arith.constant 0 : i32
      %swap3A_191 = arith.index_cast %swap3A_190 : i32 to index
      %swap3A_192 = arith.constant 96 : index
      %swap3A_193 = tpu.vector_load %arg16[%swap3A_191, %swap3A_192] {strides = array<i32>} : memref<2x128xi32, #tpu.memory_space<vmem>>, vector<1x16xi32>,
      %swap3A_194 = vector.shape_cast %swap3A_193 : vector<1x16xi32> to vector<16xi32>
      %swap3A_195 = vector.shape_cast %shift_right_logical3A_189 : vector<16xi32> to vector<1x16xi32>
      tpu.vector_store %arg16[%swap3A_191, %swap3A_192], %swap3A_195 {strides = array<i32>} : memref<2x128xi32, #tpu.memory_space<vmem>>, vector<1x16xi32>,
      %get3A_196 = arith.constant 0 : i32
      %get3A_197 = arith.constant 0 : i32
      %get3A_198 = tpu.memref_slice %arg14[%get3A_196, %get3A_197] : memref<80x128xi32, #tpu.memory_space<vmem>> -> memref<1x128xi32, #tpu.memory_space<vmem>>
      %get3A_199 = tpu.memref_squeeze %get3A_198 : memref<1x128xi32, #tpu.memory_space<vmem>> -> memref<128xi32, #tpu.memory_space<vmem>>
      %get3A_200 = arith.constant 112 : index
      %get3A_201 = tpu.vector_load %get3A_199[%get3A_200] {strides = array<i32>} : memref<128xi32, #tpu.memory_space<vmem>>, vector<16xi32>,
      %get3A_202 = vector.shape_cast %get3A_201 : vector<16xi32> to vector<16xi32>
      %and3A_203 = arith.constant 65535 : i32
      %and3A_204 = vector.broadcast %and3A_203 : i32 to vector<16xi32>
      %and3A_205 = arith.andi %get3A_202, %and3A_204 : vector<16xi32>
      %swap3A_206 = arith.constant 0 : i32
      %swap3A_207 = arith.index_cast %swap3A_206 : i32 to index
      %swap3A_208 = arith.constant 112 : index
      %swap3A_209 = tpu.vector_load %arg15[%swap3A_207, %swap3A_208] {strides = array<i32>} : memref<2x128xi32, #tpu.memory_space<vmem>>, vector<1x16xi32>,
      %swap3A_210 = vector.shape_cast %swap3A_209 : vector<1x16xi32> to vector<16xi32>
      %swap3A_211 = vector.shape_cast %and3A_205 : vector<16xi32> to vector<1x16xi32>
      tpu.vector_store %arg15[%swap3A_207, %swap3A_208], %swap3A_211 {strides = array<i32>} : memref<2x128xi32, #tpu.memory_space<vmem>>, vector<1x16xi32>,
      %shift_right_logical3A_212 = arith.constant 16 : i32
      %shift_right_logical3A_213 = vector.broadcast %shift_right_logical3A_212 : i32 to vector<16xi32>
      %shift_right_logical3A_214 = arith.shrui %get3A_202, %shift_right_logical3A_213 : vector<16xi32>
      %swap3A_215 = arith.constant 0 : i32
      %swap3A_216 = arith.index_cast %swap3A_215 : i32 to index
      %swap3A_217 = arith.constant 112 : index
      %swap3A_218 = tpu.vector_load %arg16[%swap3A_216, %swap3A_217] {strides = array<i32>} : memref<2x128xi32, #tpu.memory_space<vmem>>, vector<1x16xi32>,
      %swap3A_219 = vector.shape_cast %swap3A_218 : vector<1x16xi32> to vector<16xi32>
      %swap3A_220 = vector.shape_cast %shift_right_logical3A_214 : vector<16xi32> to vector<1x16xi32>
      tpu.vector_store %arg16[%swap3A_216, %swap3A_217], %swap3A_220 {strides = array<i32>} : memref<2x128xi32, #tpu.memory_space<vmem>>, vector<1x16xi32>,
      %dma_start3A = arith.constant 0 : i32
      %dma_start3A_221 = arith.constant 0 : i32
      %dma_start3A_222 = arith.constant 0 : i32
      %dma_start3A_223 = arith.constant 0 : i32
      %dma_start3A_224 = arith.constant 0 : i32
      %dma_start3A_225 = tpu.memref_slice %arg17[%dma_start3A_221, %dma_start3A_223, %dma_start3A_224] : memref<2x128x128xf32, #tpu.memory_space<vmem>> -> memref<1x128x128xf32, #tpu.memory_space<vmem>>
      %dma_start3A_226 = tpu.memref_squeeze %dma_start3A_225 : memref<1x128x128xf32, #tpu.memory_space<vmem>> -> memref<128x128xf32, #tpu.memory_space<vmem>>
      %dma_start3A_227 = arith.constant 0 : i32
      %dma_start3A_228 = tpu.memref_slice %arg15[%dma_start3A, %dma_start3A_227] : memref<2x128xi32, #tpu.memory_space<vmem>> -> memref<1x128xi32, #tpu.memory_space<vmem>>
      %dma_start3A_229 = tpu.memref_squeeze %dma_start3A_228 : memref<1x128xi32, #tpu.memory_space<vmem>> -> memref<128xi32, #tpu.memory_space<vmem>>
      %dma_start3A_230 = arith.constant 0 : i32
      %dma_start3A_231 = arith.constant 0 : i32
      %dma_start3A_232 = tpu.memref_slice %arg2[%dma_start3A_230, %dma_start3A_231] : memref<10000x128xf32, #tpu.memory_space<hbm>> -> memref<10000x128xf32, #tpu.memory_space<hbm>>
      %dma_start3A_233 = tpu.memref_slice %arg19[%dma_start3A_222] : memref<2x!tpu.dma_semaphore, #tpu.memory_space<semaphore_mem>> -> memref<1x!tpu.dma_semaphore, #tpu.memory_space<semaphore_mem>>
      %dma_start3A_234 = tpu.memref_squeeze %dma_start3A_233 : memref<1x!tpu.dma_semaphore, #tpu.memory_space<semaphore_mem>> -> memref<!tpu.dma_semaphore, #tpu.memory_space<semaphore_mem>>
      tpu.enqueue_indirect_dma source(%dma_start3A_232 : memref<10000x128xf32, #tpu.memory_space<hbm>>) target(%dma_start3A_226 : memref<128x128xf32, #tpu.memory_space<vmem>>) offsets(%dma_start3A_229 : memref<128xi32, #tpu.memory_space<vmem>>) semaphore(%dma_start3A_234 : memref<!tpu.dma_semaphore, #tpu.memory_space<semaphore_mem>>)
      %scan3A = arith.constant 0 : i32
      %scan3A_235 = arith.constant 0 : i32
      %scan3A_236 = arith.constant 80 : i32
      %scan3A_237 = arith.addi %scan3A_235, %scan3A_236 : i32
      %scan3A_238 = arith.constant 1 : i32
      scf.for %scan3A_256 = %scan3A_235 to %scan3A_237 step %scan3A_238  : i32 {
        %rem3A = arith.constant 2 : i32
        %rem3A_257 = arith.remsi %scan3A_256, %rem3A : i32
        %sub3A = arith.constant 1 : i32
        %sub3A_258 = arith.subi %sub3A, %rem3A_257 : i32
        %ge3A = arith.constant 1 : i32
        %ge3A_259 = arith.cmpi sge, %scan3A_256, %ge3A : i32
        %convert_element_type3A_260 = arith.extui %ge3A_259 : i1 to i32
        %cond3A_261 = arith.constant 0 : i32
        %cond3A_262 = arith.cmpi ne, %convert_element_type3A_260, %cond3A_261 : i32
        scf.if %cond3A_262 {
          %dma_wait3A_294 = arith.constant 0 : i32
          %dma_wait3A_295 = arith.constant 0 : i32
          %dma_wait3A_296 = tpu.memref_slice %arg17[%sub3A_258, %dma_wait3A_294, %dma_wait3A_295] : memref<2x128x128xf32, #tpu.memory_space<vmem>> -> memref<1x128x128xf32, #tpu.memory_space<vmem>>
          %dma_wait3A_297 = tpu.memref_squeeze %dma_wait3A_296 : memref<1x128x128xf32, #tpu.memory_space<vmem>> -> memref<128x128xf32, #tpu.memory_space<vmem>>
          %dma_wait3A_298 = arith.constant 0 : i32
          %dma_wait3A_299 = tpu.memref_slice %arg16[%sub3A_258, %dma_wait3A_298] : memref<2x128xi32, #tpu.memory_space<vmem>> -> memref<1x128xi32, #tpu.memory_space<vmem>>
          %dma_wait3A_300 = tpu.memref_squeeze %dma_wait3A_299 : memref<1x128xi32, #tpu.memory_space<vmem>> -> memref<128xi32, #tpu.memory_space<vmem>>
          %dma_wait3A_301 = arith.constant 0 : i32
          %dma_wait3A_302 = arith.constant 0 : i32
          %dma_wait3A_303 = tpu.memref_slice %arg12[%dma_wait3A_301, %dma_wait3A_302] : memref<10112x128xf32, #tpu.memory_space<vmem_shared>> -> memref<10112x128xf32, #tpu.memory_space<vmem_shared>>
          tpu.wait_indirect_dma semaphore(%arg20 : memref<!tpu.dma_semaphore, #tpu.memory_space<semaphore_mem>>) src(%dma_wait3A_297 : memref<128x128xf32, #tpu.memory_space<vmem>>) dst(%dma_wait3A_303 : memref<10112x128xf32, #tpu.memory_space<vmem_shared>>)
          %eq3A_304 = arith.cmpi eq, %sub3A_258, %arg0 : i32
          %convert_element_type3A_305 = arith.extui %eq3A_304 : i1 to i32
          %cond3A_306 = arith.constant 0 : i32
          %cond3A_307 = arith.cmpi ne, %convert_element_type3A_305, %cond3A_306 : i32
          scf.if %cond3A_307 {
            %dma_wait3A_308 = arith.constant 0 : i32
            %dma_wait3A_309 = tpu.memref_slice %arg16[%sub3A_258, %dma_wait3A_308] : memref<2x128xi32, #tpu.memory_space<vmem>> -> memref<1x128xi32, #tpu.memory_space<vmem>>
            %dma_wait3A_310 = tpu.memref_squeeze %dma_wait3A_309 : memref<1x128xi32, #tpu.memory_space<vmem>> -> memref<128xi32, #tpu.memory_space<vmem>>
            %dma_wait3A_311 = arith.constant 0 : i32
            %dma_wait3A_312 = tpu.memref_slice %arg13[%dma_wait3A_311] : memref<10240xf32, #tpu.memory_space<vmem_shared>> -> memref<10240xf32, #tpu.memory_space<vmem_shared>>
            tpu.wait_indirect_dma semaphore(%arg21 : memref<!tpu.dma_semaphore, #tpu.memory_space<semaphore_mem>>) src(%arg18 : memref<128xf32, #tpu.memory_space<vmem>>) dst(%dma_wait3A_312 : memref<10240xf32, #tpu.memory_space<vmem_shared>>)
          } else {
          }
        } else {
        }
        %add3A = arith.constant 1 : i32
        %add3A_263 = arith.addi %scan3A_256, %add3A : i32
        %lt3A = arith.constant 80 : i32
        %lt3A_264 = arith.cmpi slt, %add3A_263, %lt3A : i32
        %convert_element_type3A_265 = arith.extui %lt3A_264 : i1 to i32
        %cond3A_266 = arith.constant 0 : i32
        %cond3A_267 = arith.cmpi ne, %convert_element_type3A_265, %cond3A_266 : i32
        scf.if %cond3A_267 {
          %add3A_294 = arith.constant 1 : i32
          %add3A_295 = arith.addi %scan3A_256, %add3A_294 : i32
          %get3A_296 = arith.constant 0 : i32
          %get3A_297 = tpu.memref_slice %arg14[%add3A_295, %get3A_296] : memref<80x128xi32, #tpu.memory_space<vmem>> -> memref<1x128xi32, #tpu.memory_space<vmem>>
          %get3A_298 = tpu.memref_squeeze %get3A_297 : memref<1x128xi32, #tpu.memory_space<vmem>> -> memref<128xi32, #tpu.memory_space<vmem>>
          %get3A_299 = arith.constant 0 : index
          %get3A_300 = tpu.vector_load %get3A_298[%get3A_299] {strides = array<i32>} : memref<128xi32, #tpu.memory_space<vmem>>, vector<16xi32>,
          %get3A_301 = vector.shape_cast %get3A_300 : vector<16xi32> to vector<16xi32>
          %and3A_302 = arith.constant 65535 : i32
          %and3A_303 = vector.broadcast %and3A_302 : i32 to vector<16xi32>
          %and3A_304 = arith.andi %get3A_301, %and3A_303 : vector<16xi32>
          %swap3A_305 = arith.index_cast %sub3A_258 : i32 to index
          %swap3A_306 = arith.constant 0 : index
          %swap3A_307 = tpu.vector_load %arg15[%swap3A_305, %swap3A_306] {strides = array<i32>} : memref<2x128xi32, #tpu.memory_space<vmem>>, vector<1x16xi32>,
          %swap3A_308 = vector.shape_cast %swap3A_307 : vector<1x16xi32> to vector<16xi32>
          %swap3A_309 = vector.shape_cast %and3A_304 : vector<16xi32> to vector<1x16xi32>
          tpu.vector_store %arg15[%swap3A_305, %swap3A_306], %swap3A_309 {strides = array<i32>} : memref<2x128xi32, #tpu.memory_space<vmem>>, vector<1x16xi32>,
          %shift_right_logical3A_310 = arith.constant 16 : i32
          %shift_right_logical3A_311 = vector.broadcast %shift_right_logical3A_310 : i32 to vector<16xi32>
          %shift_right_logical3A_312 = arith.shrui %get3A_301, %shift_right_logical3A_311 : vector<16xi32>
          %swap3A_313 = arith.index_cast %sub3A_258 : i32 to index
          %swap3A_314 = arith.constant 0 : index
          %swap3A_315 = tpu.vector_load %arg16[%swap3A_313, %swap3A_314] {strides = array<i32>} : memref<2x128xi32, #tpu.memory_space<vmem>>, vector<1x16xi32>,
          %swap3A_316 = vector.shape_cast %swap3A_315 : vector<1x16xi32> to vector<16xi32>
          %swap3A_317 = vector.shape_cast %shift_right_logical3A_312 : vector<16xi32> to vector<1x16xi32>
          tpu.vector_store %arg16[%swap3A_313, %swap3A_314], %swap3A_317 {strides = array<i32>} : memref<2x128xi32, #tpu.memory_space<vmem>>, vector<1x16xi32>,
          %get3A_318 = arith.constant 0 : i32
          %get3A_319 = tpu.memref_slice %arg14[%add3A_295, %get3A_318] : memref<80x128xi32, #tpu.memory_space<vmem>> -> memref<1x128xi32, #tpu.memory_space<vmem>>
          %get3A_320 = tpu.memref_squeeze %get3A_319 : memref<1x128xi32, #tpu.memory_space<vmem>> -> memref<128xi32, #tpu.memory_space<vmem>>
          %get3A_321 = arith.constant 16 : index
          %get3A_322 = tpu.vector_load %get3A_320[%get3A_321] {strides = array<i32>} : memref<128xi32, #tpu.memory_space<vmem>>, vector<16xi32>,
          %get3A_323 = vector.shape_cast %get3A_322 : vector<16xi32> to vector<16xi32>
          %and3A_324 = arith.constant 65535 : i32
          %and3A_325 = vector.broadcast %and3A_324 : i32 to vector<16xi32>
          %and3A_326 = arith.andi %get3A_323, %and3A_325 : vector<16xi32>
          %swap3A_327 = arith.index_cast %sub3A_258 : i32 to index
          %swap3A_328 = arith.constant 16 : index
          %swap3A_329 = tpu.vector_load %arg15[%swap3A_327, %swap3A_328] {strides = array<i32>} : memref<2x128xi32, #tpu.memory_space<vmem>>, vector<1x16xi32>,
          %swap3A_330 = vector.shape_cast %swap3A_329 : vector<1x16xi32> to vector<16xi32>
          %swap3A_331 = vector.shape_cast %and3A_326 : vector<16xi32> to vector<1x16xi32>
          tpu.vector_store %arg15[%swap3A_327, %swap3A_328], %swap3A_331 {strides = array<i32>} : memref<2x128xi32, #tpu.memory_space<vmem>>, vector<1x16xi32>,
          %shift_right_logical3A_332 = arith.constant 16 : i32
          %shift_right_logical3A_333 = vector.broadcast %shift_right_logical3A_332 : i32 to vector<16xi32>
          %shift_right_logical3A_334 = arith.shrui %get3A_323, %shift_right_logical3A_333 : vector<16xi32>
          %swap3A_335 = arith.index_cast %sub3A_258 : i32 to index
          %swap3A_336 = arith.constant 16 : index
          %swap3A_337 = tpu.vector_load %arg16[%swap3A_335, %swap3A_336] {strides = array<i32>} : memref<2x128xi32, #tpu.memory_space<vmem>>, vector<1x16xi32>,
          %swap3A_338 = vector.shape_cast %swap3A_337 : vector<1x16xi32> to vector<16xi32>
          %swap3A_339 = vector.shape_cast %shift_right_logical3A_334 : vector<16xi32> to vector<1x16xi32>
          tpu.vector_store %arg16[%swap3A_335, %swap3A_336], %swap3A_339 {strides = array<i32>} : memref<2x128xi32, #tpu.memory_space<vmem>>, vector<1x16xi32>,
          %get3A_340 = arith.constant 0 : i32
          %get3A_341 = tpu.memref_slice %arg14[%add3A_295, %get3A_340] : memref<80x128xi32, #tpu.memory_space<vmem>> -> memref<1x128xi32, #tpu.memory_space<vmem>>
          %get3A_342 = tpu.memref_squeeze %get3A_341 : memref<1x128xi32, #tpu.memory_space<vmem>> -> memref<128xi32, #tpu.memory_space<vmem>>
          %get3A_343 = arith.constant 32 : index
          %get3A_344 = tpu.vector_load %get3A_342[%get3A_343] {strides = array<i32>} : memref<128xi32, #tpu.memory_space<vmem>>, vector<16xi32>,
          %get3A_345 = vector.shape_cast %get3A_344 : vector<16xi32> to vector<16xi32>
          %and3A_346 = arith.constant 65535 : i32
          %and3A_347 = vector.broadcast %and3A_346 : i32 to vector<16xi32>
          %and3A_348 = arith.andi %get3A_345, %and3A_347 : vector<16xi32>
          %swap3A_349 = arith.index_cast %sub3A_258 : i32 to index
          %swap3A_350 = arith.constant 32 : index
          %swap3A_351 = tpu.vector_load %arg15[%swap3A_349, %swap3A_350] {strides = array<i32>} : memref<2x128xi32, #tpu.memory_space<vmem>>, vector<1x16xi32>,
          %swap3A_352 = vector.shape_cast %swap3A_351 : vector<1x16xi32> to vector<16xi32>
          %swap3A_353 = vector.shape_cast %and3A_348 : vector<16xi32> to vector<1x16xi32>
          tpu.vector_store %arg15[%swap3A_349, %swap3A_350], %swap3A_353 {strides = array<i32>} : memref<2x128xi32, #tpu.memory_space<vmem>>, vector<1x16xi32>,
          %shift_right_logical3A_354 = arith.constant 16 : i32
          %shift_right_logical3A_355 = vector.broadcast %shift_right_logical3A_354 : i32 to vector<16xi32>
          %shift_right_logical3A_356 = arith.shrui %get3A_345, %shift_right_logical3A_355 : vector<16xi32>
          %swap3A_357 = arith.index_cast %sub3A_258 : i32 to index
          %swap3A_358 = arith.constant 32 : index
          %swap3A_359 = tpu.vector_load %arg16[%swap3A_357, %swap3A_358] {strides = array<i32>} : memref<2x128xi32, #tpu.memory_space<vmem>>, vector<1x16xi32>,
          %swap3A_360 = vector.shape_cast %swap3A_359 : vector<1x16xi32> to vector<16xi32>
          %swap3A_361 = vector.shape_cast %shift_right_logical3A_356 : vector<16xi32> to vector<1x16xi32>
          tpu.vector_store %arg16[%swap3A_357, %swap3A_358], %swap3A_361 {strides = array<i32>} : memref<2x128xi32, #tpu.memory_space<vmem>>, vector<1x16xi32>,
          %get3A_362 = arith.constant 0 : i32
          %get3A_363 = tpu.memref_slice %arg14[%add3A_295, %get3A_362] : memref<80x128xi32, #tpu.memory_space<vmem>> -> memref<1x128xi32, #tpu.memory_space<vmem>>
          %get3A_364 = tpu.memref_squeeze %get3A_363 : memref<1x128xi32, #tpu.memory_space<vmem>> -> memref<128xi32, #tpu.memory_space<vmem>>
          %get3A_365 = arith.constant 48 : index
          %get3A_366 = tpu.vector_load %get3A_364[%get3A_365] {strides = array<i32>} : memref<128xi32, #tpu.memory_space<vmem>>, vector<16xi32>,
          %get3A_367 = vector.shape_cast %get3A_366 : vector<16xi32> to vector<16xi32>
          %and3A_368 = arith.constant 65535 : i32
          %and3A_369 = vector.broadcast %and3A_368 : i32 to vector<16xi32>
          %and3A_370 = arith.andi %get3A_367, %and3A_369 : vector<16xi32>
          %swap3A_371 = arith.index_cast %sub3A_258 : i32 to index
          %swap3A_372 = arith.constant 48 : index
          %swap3A_373 = tpu.vector_load %arg15[%swap3A_371, %swap3A_372] {strides = array<i32>} : memref<2x128xi32, #tpu.memory_space<vmem>>, vector<1x16xi32>,
          %swap3A_374 = vector.shape_cast %swap3A_373 : vector<1x16xi32> to vector<16xi32>
          %swap3A_375 = vector.shape_cast %and3A_370 : vector<16xi32> to vector<1x16xi32>
          tpu.vector_store %arg15[%swap3A_371, %swap3A_372], %swap3A_375 {strides = array<i32>} : memref<2x128xi32, #tpu.memory_space<vmem>>, vector<1x16xi32>,
          %shift_right_logical3A_376 = arith.constant 16 : i32
          %shift_right_logical3A_377 = vector.broadcast %shift_right_logical3A_376 : i32 to vector<16xi32>
          %shift_right_logical3A_378 = arith.shrui %get3A_367, %shift_right_logical3A_377 : vector<16xi32>
          %swap3A_379 = arith.index_cast %sub3A_258 : i32 to index
          %swap3A_380 = arith.constant 48 : index
          %swap3A_381 = tpu.vector_load %arg16[%swap3A_379, %swap3A_380] {strides = array<i32>} : memref<2x128xi32, #tpu.memory_space<vmem>>, vector<1x16xi32>,
          %swap3A_382 = vector.shape_cast %swap3A_381 : vector<1x16xi32> to vector<16xi32>
          %swap3A_383 = vector.shape_cast %shift_right_logical3A_378 : vector<16xi32> to vector<1x16xi32>
          tpu.vector_store %arg16[%swap3A_379, %swap3A_380], %swap3A_383 {strides = array<i32>} : memref<2x128xi32, #tpu.memory_space<vmem>>, vector<1x16xi32>,
          %get3A_384 = arith.constant 0 : i32
          %get3A_385 = tpu.memref_slice %arg14[%add3A_295, %get3A_384] : memref<80x128xi32, #tpu.memory_space<vmem>> -> memref<1x128xi32, #tpu.memory_space<vmem>>
          %get3A_386 = tpu.memref_squeeze %get3A_385 : memref<1x128xi32, #tpu.memory_space<vmem>> -> memref<128xi32, #tpu.memory_space<vmem>>
          %get3A_387 = arith.constant 64 : index
          %get3A_388 = tpu.vector_load %get3A_386[%get3A_387] {strides = array<i32>} : memref<128xi32, #tpu.memory_space<vmem>>, vector<16xi32>,
          %get3A_389 = vector.shape_cast %get3A_388 : vector<16xi32> to vector<16xi32>
          %and3A_390 = arith.constant 65535 : i32
          %and3A_391 = vector.broadcast %and3A_390 : i32 to vector<16xi32>
          %and3A_392 = arith.andi %get3A_389, %and3A_391 : vector<16xi32>
          %swap3A_393 = arith.index_cast %sub3A_258 : i32 to index
          %swap3A_394 = arith.constant 64 : index
          %swap3A_395 = tpu.vector_load %arg15[%swap3A_393, %swap3A_394] {strides = array<i32>} : memref<2x128xi32, #tpu.memory_space<vmem>>, vector<1x16xi32>,
          %swap3A_396 = vector.shape_cast %swap3A_395 : vector<1x16xi32> to vector<16xi32>
          %swap3A_397 = vector.shape_cast %and3A_392 : vector<16xi32> to vector<1x16xi32>
          tpu.vector_store %arg15[%swap3A_393, %swap3A_394], %swap3A_397 {strides = array<i32>} : memref<2x128xi32, #tpu.memory_space<vmem>>, vector<1x16xi32>,
          %shift_right_logical3A_398 = arith.constant 16 : i32
          %shift_right_logical3A_399 = vector.broadcast %shift_right_logical3A_398 : i32 to vector<16xi32>
          %shift_right_logical3A_400 = arith.shrui %get3A_389, %shift_right_logical3A_399 : vector<16xi32>
          %swap3A_401 = arith.index_cast %sub3A_258 : i32 to index
          %swap3A_402 = arith.constant 64 : index
          %swap3A_403 = tpu.vector_load %arg16[%swap3A_401, %swap3A_402] {strides = array<i32>} : memref<2x128xi32, #tpu.memory_space<vmem>>, vector<1x16xi32>,
          %swap3A_404 = vector.shape_cast %swap3A_403 : vector<1x16xi32> to vector<16xi32>
          %swap3A_405 = vector.shape_cast %shift_right_logical3A_400 : vector<16xi32> to vector<1x16xi32>
          tpu.vector_store %arg16[%swap3A_401, %swap3A_402], %swap3A_405 {strides = array<i32>} : memref<2x128xi32, #tpu.memory_space<vmem>>, vector<1x16xi32>,
          %get3A_406 = arith.constant 0 : i32
          %get3A_407 = tpu.memref_slice %arg14[%add3A_295, %get3A_406] : memref<80x128xi32, #tpu.memory_space<vmem>> -> memref<1x128xi32, #tpu.memory_space<vmem>>
          %get3A_408 = tpu.memref_squeeze %get3A_407 : memref<1x128xi32, #tpu.memory_space<vmem>> -> memref<128xi32, #tpu.memory_space<vmem>>
          %get3A_409 = arith.constant 80 : index
          %get3A_410 = tpu.vector_load %get3A_408[%get3A_409] {strides = array<i32>} : memref<128xi32, #tpu.memory_space<vmem>>, vector<16xi32>,
          %get3A_411 = vector.shape_cast %get3A_410 : vector<16xi32> to vector<16xi32>
          %and3A_412 = arith.constant 65535 : i32
          %and3A_413 = vector.broadcast %and3A_412 : i32 to vector<16xi32>
          %and3A_414 = arith.andi %get3A_411, %and3A_413 : vector<16xi32>
          %swap3A_415 = arith.index_cast %sub3A_258 : i32 to index
          %swap3A_416 = arith.constant 80 : index
          %swap3A_417 = tpu.vector_load %arg15[%swap3A_415, %swap3A_416] {strides = array<i32>} : memref<2x128xi32, #tpu.memory_space<vmem>>, vector<1x16xi32>,
          %swap3A_418 = vector.shape_cast %swap3A_417 : vector<1x16xi32> to vector<16xi32>
          %swap3A_419 = vector.shape_cast %and3A_414 : vector<16xi32> to vector<1x16xi32>
          tpu.vector_store %arg15[%swap3A_415, %swap3A_416], %swap3A_419 {strides = array<i32>} : memref<2x128xi32, #tpu.memory_space<vmem>>, vector<1x16xi32>,
          %shift_right_logical3A_420 = arith.constant 16 : i32
          %shift_right_logical3A_421 = vector.broadcast %shift_right_logical3A_420 : i32 to vector<16xi32>
          %shift_right_logical3A_422 = arith.shrui %get3A_411, %shift_right_logical3A_421 : vector<16xi32>
          %swap3A_423 = arith.index_cast %sub3A_258 : i32 to index
          %swap3A_424 = arith.constant 80 : index
          %swap3A_425 = tpu.vector_load %arg16[%swap3A_423, %swap3A_424] {strides = array<i32>} : memref<2x128xi32, #tpu.memory_space<vmem>>, vector<1x16xi32>,
          %swap3A_426 = vector.shape_cast %swap3A_425 : vector<1x16xi32> to vector<16xi32>
          %swap3A_427 = vector.shape_cast %shift_right_logical3A_422 : vector<16xi32> to vector<1x16xi32>
          tpu.vector_store %arg16[%swap3A_423, %swap3A_424], %swap3A_427 {strides = array<i32>} : memref<2x128xi32, #tpu.memory_space<vmem>>, vector<1x16xi32>,
          %get3A_428 = arith.constant 0 : i32
          %get3A_429 = tpu.memref_slice %arg14[%add3A_295, %get3A_428] : memref<80x128xi32, #tpu.memory_space<vmem>> -> memref<1x128xi32, #tpu.memory_space<vmem>>
          %get3A_430 = tpu.memref_squeeze %get3A_429 : memref<1x128xi32, #tpu.memory_space<vmem>> -> memref<128xi32, #tpu.memory_space<vmem>>
          %get3A_431 = arith.constant 96 : index
          %get3A_432 = tpu.vector_load %get3A_430[%get3A_431] {strides = array<i32>} : memref<128xi32, #tpu.memory_space<vmem>>, vector<16xi32>,
          %get3A_433 = vector.shape_cast %get3A_432 : vector<16xi32> to vector<16xi32>
          %and3A_434 = arith.constant 65535 : i32
          %and3A_435 = vector.broadcast %and3A_434 : i32 to vector<16xi32>
          %and3A_436 = arith.andi %get3A_433, %and3A_435 : vector<16xi32>
          %swap3A_437 = arith.index_cast %sub3A_258 : i32 to index
          %swap3A_438 = arith.constant 96 : index
          %swap3A_439 = tpu.vector_load %arg15[%swap3A_437, %swap3A_438] {strides = array<i32>} : memref<2x128xi32, #tpu.memory_space<vmem>>, vector<1x16xi32>,
          %swap3A_440 = vector.shape_cast %swap3A_439 : vector<1x16xi32> to vector<16xi32>
          %swap3A_441 = vector.shape_cast %and3A_436 : vector<16xi32> to vector<1x16xi32>
          tpu.vector_store %arg15[%swap3A_437, %swap3A_438], %swap3A_441 {strides = array<i32>} : memref<2x128xi32, #tpu.memory_space<vmem>>, vector<1x16xi32>,
          %shift_right_logical3A_442 = arith.constant 16 : i32
          %shift_right_logical3A_443 = vector.broadcast %shift_right_logical3A_442 : i32 to vector<16xi32>
          %shift_right_logical3A_444 = arith.shrui %get3A_433, %shift_right_logical3A_443 : vector<16xi32>
          %swap3A_445 = arith.index_cast %sub3A_258 : i32 to index
          %swap3A_446 = arith.constant 96 : index
          %swap3A_447 = tpu.vector_load %arg16[%swap3A_445, %swap3A_446] {strides = array<i32>} : memref<2x128xi32, #tpu.memory_space<vmem>>, vector<1x16xi32>,
          %swap3A_448 = vector.shape_cast %swap3A_447 : vector<1x16xi32> to vector<16xi32>
          %swap3A_449 = vector.shape_cast %shift_right_logical3A_444 : vector<16xi32> to vector<1x16xi32>
          tpu.vector_store %arg16[%swap3A_445, %swap3A_446], %swap3A_449 {strides = array<i32>} : memref<2x128xi32, #tpu.memory_space<vmem>>, vector<1x16xi32>,
          %get3A_450 = arith.constant 0 : i32
          %get3A_451 = tpu.memref_slice %arg14[%add3A_295, %get3A_450] : memref<80x128xi32, #tpu.memory_space<vmem>> -> memref<1x128xi32, #tpu.memory_space<vmem>>
          %get3A_452 = tpu.memref_squeeze %get3A_451 : memref<1x128xi32, #tpu.memory_space<vmem>> -> memref<128xi32, #tpu.memory_space<vmem>>
          %get3A_453 = arith.constant 112 : index
          %get3A_454 = tpu.vector_load %get3A_452[%get3A_453] {strides = array<i32>} : memref<128xi32, #tpu.memory_space<vmem>>, vector<16xi32>,
          %get3A_455 = vector.shape_cast %get3A_454 : vector<16xi32> to vector<16xi32>
          %and3A_456 = arith.constant 65535 : i32
          %and3A_457 = vector.broadcast %and3A_456 : i32 to vector<16xi32>
          %and3A_458 = arith.andi %get3A_455, %and3A_457 : vector<16xi32>
          %swap3A_459 = arith.index_cast %sub3A_258 : i32 to index
          %swap3A_460 = arith.constant 112 : index
          %swap3A_461 = tpu.vector_load %arg15[%swap3A_459, %swap3A_460] {strides = array<i32>} : memref<2x128xi32, #tpu.memory_space<vmem>>, vector<1x16xi32>,
          %swap3A_462 = vector.shape_cast %swap3A_461 : vector<1x16xi32> to vector<16xi32>
          %swap3A_463 = vector.shape_cast %and3A_458 : vector<16xi32> to vector<1x16xi32>
          tpu.vector_store %arg15[%swap3A_459, %swap3A_460], %swap3A_463 {strides = array<i32>} : memref<2x128xi32, #tpu.memory_space<vmem>>, vector<1x16xi32>,
          %shift_right_logical3A_464 = arith.constant 16 : i32
          %shift_right_logical3A_465 = vector.broadcast %shift_right_logical3A_464 : i32 to vector<16xi32>
          %shift_right_logical3A_466 = arith.shrui %get3A_455, %shift_right_logical3A_465 : vector<16xi32>
          %swap3A_467 = arith.index_cast %sub3A_258 : i32 to index
          %swap3A_468 = arith.constant 112 : index
          %swap3A_469 = tpu.vector_load %arg16[%swap3A_467, %swap3A_468] {strides = array<i32>} : memref<2x128xi32, #tpu.memory_space<vmem>>, vector<1x16xi32>,
          %swap3A_470 = vector.shape_cast %swap3A_469 : vector<1x16xi32> to vector<16xi32>
          %swap3A_471 = vector.shape_cast %shift_right_logical3A_466 : vector<16xi32> to vector<1x16xi32>
          tpu.vector_store %arg16[%swap3A_467, %swap3A_468], %swap3A_471 {strides = array<i32>} : memref<2x128xi32, #tpu.memory_space<vmem>>, vector<1x16xi32>,
          %dma_start3A_472 = arith.constant 0 : i32
          %dma_start3A_473 = arith.constant 0 : i32
          %dma_start3A_474 = tpu.memref_slice %arg17[%sub3A_258, %dma_start3A_472, %dma_start3A_473] : memref<2x128x128xf32, #tpu.memory_space<vmem>> -> memref<1x128x128xf32, #tpu.memory_space<vmem>>
          %dma_start3A_475 = tpu.memref_squeeze %dma_start3A_474 : memref<1x128x128xf32, #tpu.memory_space<vmem>> -> memref<128x128xf32, #tpu.memory_space<vmem>>
          %dma_start3A_476 = arith.constant 0 : i32
          %dma_start3A_477 = tpu.memref_slice %arg15[%sub3A_258, %dma_start3A_476] : memref<2x128xi32, #tpu.memory_space<vmem>> -> memref<1x128xi32, #tpu.memory_space<vmem>>
          %dma_start3A_478 = tpu.memref_squeeze %dma_start3A_477 : memref<1x128xi32, #tpu.memory_space<vmem>> -> memref<128xi32, #tpu.memory_space<vmem>>
          %dma_start3A_479 = arith.constant 0 : i32
          %dma_start3A_480 = arith.constant 0 : i32
          %dma_start3A_481 = tpu.memref_slice %arg2[%dma_start3A_479, %dma_start3A_480] : memref<10000x128xf32, #tpu.memory_space<hbm>> -> memref<10000x128xf32, #tpu.memory_space<hbm>>
          %dma_start3A_482 = tpu.memref_slice %arg19[%sub3A_258] : memref<2x!tpu.dma_semaphore, #tpu.memory_space<semaphore_mem>> -> memref<1x!tpu.dma_semaphore, #tpu.memory_space<semaphore_mem>>
          %dma_start3A_483 = tpu.memref_squeeze %dma_start3A_482 : memref<1x!tpu.dma_semaphore, #tpu.memory_space<semaphore_mem>> -> memref<!tpu.dma_semaphore, #tpu.memory_space<semaphore_mem>>
          tpu.enqueue_indirect_dma source(%dma_start3A_481 : memref<10000x128xf32, #tpu.memory_space<hbm>>) target(%dma_start3A_475 : memref<128x128xf32, #tpu.memory_space<vmem>>) offsets(%dma_start3A_478 : memref<128xi32, #tpu.memory_space<vmem>>) semaphore(%dma_start3A_483 : memref<!tpu.dma_semaphore, #tpu.memory_space<semaphore_mem>>)
        } else {
        }
        %dma_wait3A_268 = arith.constant 0 : i32
        %dma_wait3A_269 = arith.constant 0 : i32
        %dma_wait3A_270 = tpu.memref_slice %arg17[%rem3A_257, %dma_wait3A_268, %dma_wait3A_269] : memref<2x128x128xf32, #tpu.memory_space<vmem>> -> memref<1x128x128xf32, #tpu.memory_space<vmem>>
        %dma_wait3A_271 = tpu.memref_squeeze %dma_wait3A_270 : memref<1x128x128xf32, #tpu.memory_space<vmem>> -> memref<128x128xf32, #tpu.memory_space<vmem>>
        %dma_wait3A_272 = arith.constant 0 : i32
        %dma_wait3A_273 = tpu.memref_slice %arg15[%rem3A_257, %dma_wait3A_272] : memref<2x128xi32, #tpu.memory_space<vmem>> -> memref<1x128xi32, #tpu.memory_space<vmem>>
        %dma_wait3A_274 = tpu.memref_squeeze %dma_wait3A_273 : memref<1x128xi32, #tpu.memory_space<vmem>> -> memref<128xi32, #tpu.memory_space<vmem>>
        %dma_wait3A_275 = arith.constant 0 : i32
        %dma_wait3A_276 = arith.constant 0 : i32
        %dma_wait3A_277 = tpu.memref_slice %arg2[%dma_wait3A_275, %dma_wait3A_276] : memref<10000x128xf32, #tpu.memory_space<hbm>> -> memref<10000x128xf32, #tpu.memory_space<hbm>>
        %dma_wait3A_278 = tpu.memref_slice %arg19[%rem3A_257] : memref<2x!tpu.dma_semaphore, #tpu.memory_space<semaphore_mem>> -> memref<1x!tpu.dma_semaphore, #tpu.memory_space<semaphore_mem>>
        %dma_wait3A_279 = tpu.memref_squeeze %dma_wait3A_278 : memref<1x!tpu.dma_semaphore, #tpu.memory_space<semaphore_mem>> -> memref<!tpu.dma_semaphore, #tpu.memory_space<semaphore_mem>>
        tpu.wait_indirect_dma semaphore(%dma_wait3A_279 : memref<!tpu.dma_semaphore, #tpu.memory_space<semaphore_mem>>) src(%dma_wait3A_277 : memref<10000x128xf32, #tpu.memory_space<hbm>>) dst(%dma_wait3A_271 : memref<128x128xf32, #tpu.memory_space<vmem>>)
        %dma_start3A_280 = arith.constant 0 : i32
        %dma_start3A_281 = arith.constant 0 : i32
        %dma_start3A_282 = tpu.memref_slice %arg17[%rem3A_257, %dma_start3A_280, %dma_start3A_281] : memref<2x128x128xf32, #tpu.memory_space<vmem>> -> memref<1x128x128xf32, #tpu.memory_space<vmem>>
        %dma_start3A_283 = tpu.memref_squeeze %dma_start3A_282 : memref<1x128x128xf32, #tpu.memory_space<vmem>> -> memref<128x128xf32, #tpu.memory_space<vmem>>
        %dma_start3A_284 = arith.constant 0 : i32
        %dma_start3A_285 = tpu.memref_slice %arg16[%rem3A_257, %dma_start3A_284] : memref<2x128xi32, #tpu.memory_space<vmem>> -> memref<1x128xi32, #tpu.memory_space<vmem>>
        %dma_start3A_286 = tpu.memref_squeeze %dma_start3A_285 : memref<1x128xi32, #tpu.memory_space<vmem>> -> memref<128xi32, #tpu.memory_space<vmem>>
        %dma_start3A_287 = arith.constant 0 : i32
        %dma_start3A_288 = arith.constant 0 : i32
        %dma_start3A_289 = tpu.memref_slice %arg12[%dma_start3A_287, %dma_start3A_288] : memref<10112x128xf32, #tpu.memory_space<vmem_shared>> -> memref<10112x128xf32, #tpu.memory_space<vmem_shared>>
        tpu.enqueue_indirect_dma source(%dma_start3A_283 : memref<128x128xf32, #tpu.memory_space<vmem>>) target(%dma_start3A_289 : memref<10112x128xf32, #tpu.memory_space<vmem_shared>>) offsets(%dma_start3A_286 : memref<128xi32, #tpu.memory_space<vmem>>) semaphore(%arg20 : memref<!tpu.dma_semaphore, #tpu.memory_space<semaphore_mem>>) {add = true}
        %eq3A_290 = arith.cmpi eq, %rem3A_257, %arg0 : i32
        %convert_element_type3A_291 = arith.extui %eq3A_290 : i1 to i32
        %cond3A_292 = arith.constant 0 : i32
        %cond3A_293 = arith.cmpi ne, %convert_element_type3A_291, %cond3A_292 : i32
        scf.if %cond3A_293 {
          %dma_start3A_294 = arith.constant 0 : i32
          %dma_start3A_295 = tpu.memref_slice %arg16[%rem3A_257, %dma_start3A_294] : memref<2x128xi32, #tpu.memory_space<vmem>> -> memref<1x128xi32, #tpu.memory_space<vmem>>
          %dma_start3A_296 = tpu.memref_squeeze %dma_start3A_295 : memref<1x128xi32, #tpu.memory_space<vmem>> -> memref<128xi32, #tpu.memory_space<vmem>>
          %dma_start3A_297 = arith.constant 0 : i32
          %dma_start3A_298 = tpu.memref_slice %arg13[%dma_start3A_297] : memref<10240xf32, #tpu.memory_space<vmem_shared>> -> memref<10240xf32, #tpu.memory_space<vmem_shared>>
          tpu.enqueue_indirect_dma source(%arg18 : memref<128xf32, #tpu.memory_space<vmem>>) target(%dma_start3A_298 : memref<10240xf32, #tpu.memory_space<vmem_shared>>) offsets(%dma_start3A_296 : memref<128xi32, #tpu.memory_space<vmem>>) semaphore(%arg21 : memref<!tpu.dma_semaphore, #tpu.memory_space<semaphore_mem>>) {add = true}
        } else {
        }
      }
      %scan3A_239 = arith.constant 80 : i32
      %dma_wait3A = arith.constant 1 : i32
      %dma_wait3A_240 = arith.constant 1 : i32
      %dma_wait3A_241 = arith.constant 0 : i32
      %dma_wait3A_242 = arith.constant 0 : i32
      %dma_wait3A_243 = tpu.memref_slice %arg17[%dma_wait3A, %dma_wait3A_241, %dma_wait3A_242] : memref<2x128x128xf32, #tpu.memory_space<vmem>> -> memref<1x128x128xf32, #tpu.memory_space<vmem>>
      %dma_wait3A_244 = tpu.memref_squeeze %dma_wait3A_243 : memref<1x128x128xf32, #tpu.memory_space<vmem>> -> memref<128x128xf32, #tpu.memory_space<vmem>>
      %dma_wait3A_245 = arith.constant 0 : i32
      %dma_wait3A_246 = tpu.memref_slice %arg16[%dma_wait3A_240, %dma_wait3A_245] : memref<2x128xi32, #tpu.memory_space<vmem>> -> memref<1x128xi32, #tpu.memory_space<vmem>>
      %dma_wait3A_247 = tpu.memref_squeeze %dma_wait3A_246 : memref<1x128xi32, #tpu.memory_space<vmem>> -> memref<128xi32, #tpu.memory_space<vmem>>
      %dma_wait3A_248 = arith.constant 0 : i32
      %dma_wait3A_249 = arith.constant 0 : i32
      %dma_wait3A_250 = tpu.memref_slice %arg12[%dma_wait3A_248, %dma_wait3A_249] : memref<10112x128xf32, #tpu.memory_space<vmem_shared>> -> memref<10112x128xf32, #tpu.memory_space<vmem_shared>>
      tpu.wait_indirect_dma semaphore(%arg20 : memref<!tpu.dma_semaphore, #tpu.memory_space<semaphore_mem>>) src(%dma_wait3A_244 : memref<128x128xf32, #tpu.memory_space<vmem>>) dst(%dma_wait3A_250 : memref<10112x128xf32, #tpu.memory_space<vmem_shared>>)
      %eq3A_251 = arith.constant 1 : i32
      %eq3A_252 = arith.cmpi eq, %arg0, %eq3A_251 : i32
      %convert_element_type3A_253 = arith.extui %eq3A_252 : i1 to i32
      %cond3A_254 = arith.constant 0 : i32
      %cond3A_255 = arith.cmpi ne, %convert_element_type3A_253, %cond3A_254 : i32
      scf.if %cond3A_255 {
        %dma_wait3A_256 = arith.constant 1 : i32
        %dma_wait3A_257 = arith.constant 0 : i32
        %dma_wait3A_258 = tpu.memref_slice %arg16[%dma_wait3A_256, %dma_wait3A_257] : memref<2x128xi32, #tpu.memory_space<vmem>> -> memref<1x128xi32, #tpu.memory_space<vmem>>
        %dma_wait3A_259 = tpu.memref_squeeze %dma_wait3A_258 : memref<1x128xi32, #tpu.memory_space<vmem>> -> memref<128xi32, #tpu.memory_space<vmem>>
        %dma_wait3A_260 = arith.constant 0 : i32
        %dma_wait3A_261 = tpu.memref_slice %arg13[%dma_wait3A_260] : memref<10240xf32, #tpu.memory_space<vmem_shared>> -> memref<10240xf32, #tpu.memory_space<vmem_shared>>
        tpu.wait_indirect_dma semaphore(%arg21 : memref<!tpu.dma_semaphore, #tpu.memory_space<semaphore_mem>>) src(%arg18 : memref<128xf32, #tpu.memory_space<vmem>>) dst(%dma_wait3A_261 : memref<10240xf32, #tpu.memory_space<vmem_shared>>)
      } else {
      }
    } else {
    }
    %eq3A_5 = arith.constant 1 : i32
    %eq3A_6 = arith.cmpi eq, %arg0, %eq3A_5 : i32
    %convert_element_type3A_7 = arith.extui %eq3A_6 : i1 to i32
    %cond3A_8 = arith.constant 0 : i32
    %cond3A_9 = arith.cmpi ne, %convert_element_type3A_7, %cond3A_8 : i32
    scf.if %cond3A_9 {
      %get3A = arith.constant 0 : i32
      %get3A_25 = arith.constant 0 : i32
      %get3A_26 = tpu.memref_slice %arg14[%get3A, %get3A_25] : memref<80x128xi32, #tpu.memory_space<vmem>> -> memref<1x128xi32, #tpu.memory_space<vmem>>
      %get3A_27 = tpu.memref_squeeze %get3A_26 : memref<1x128xi32, #tpu.memory_space<vmem>> -> memref<128xi32, #tpu.memory_space<vmem>>
      %get3A_28 = arith.constant 0 : index
      %get3A_29 = tpu.vector_load %get3A_27[%get3A_28] {strides = array<i32>} : memref<128xi32, #tpu.memory_space<vmem>>, vector<16xi32>,
      %get3A_30 = vector.shape_cast %get3A_29 : vector<16xi32> to vector<16xi32>
      %and3A = arith.constant 65535 : i32
      %and3A_31 = vector.broadcast %and3A : i32 to vector<16xi32>
      %and3A_32 = arith.andi %get3A_30, %and3A_31 : vector<16xi32>
      %swap3A = arith.constant 0 : i32
      %swap3A_33 = arith.index_cast %swap3A : i32 to index
      %swap3A_34 = arith.constant 0 : index
      %swap3A_35 = tpu.vector_load %arg15[%swap3A_33, %swap3A_34] {strides = array<i32>} : memref<2x128xi32, #tpu.memory_space<vmem>>, vector<1x16xi32>,
      %swap3A_36 = vector.shape_cast %swap3A_35 : vector<1x16xi32> to vector<16xi32>
      %swap3A_37 = vector.shape_cast %and3A_32 : vector<16xi32> to vector<1x16xi32>
      tpu.vector_store %arg15[%swap3A_33, %swap3A_34], %swap3A_37 {strides = array<i32>} : memref<2x128xi32, #tpu.memory_space<vmem>>, vector<1x16xi32>,
      %shift_right_logical3A = arith.constant 16 : i32
      %shift_right_logical3A_38 = vector.broadcast %shift_right_logical3A : i32 to vector<16xi32>
      %shift_right_logical3A_39 = arith.shrui %get3A_30, %shift_right_logical3A_38 : vector<16xi32>
      %swap3A_40 = arith.constant 0 : i32
      %swap3A_41 = arith.index_cast %swap3A_40 : i32 to index
      %swap3A_42 = arith.constant 0 : index
      %swap3A_43 = tpu.vector_load %arg16[%swap3A_41, %swap3A_42] {strides = array<i32>} : memref<2x128xi32, #tpu.memory_space<vmem>>, vector<1x16xi32>,
      %swap3A_44 = vector.shape_cast %swap3A_43 : vector<1x16xi32> to vector<16xi32>
      %swap3A_45 = vector.shape_cast %shift_right_logical3A_39 : vector<16xi32> to vector<1x16xi32>
      tpu.vector_store %arg16[%swap3A_41, %swap3A_42], %swap3A_45 {strides = array<i32>} : memref<2x128xi32, #tpu.memory_space<vmem>>, vector<1x16xi32>,
      %get3A_46 = arith.constant 0 : i32
      %get3A_47 = arith.constant 0 : i32
      %get3A_48 = tpu.memref_slice %arg14[%get3A_46, %get3A_47] : memref<80x128xi32, #tpu.memory_space<vmem>> -> memref<1x128xi32, #tpu.memory_space<vmem>>
      %get3A_49 = tpu.memref_squeeze %get3A_48 : memref<1x128xi32, #tpu.memory_space<vmem>> -> memref<128xi32, #tpu.memory_space<vmem>>
      %get3A_50 = arith.constant 16 : index
      %get3A_51 = tpu.vector_load %get3A_49[%get3A_50] {strides = array<i32>} : memref<128xi32, #tpu.memory_space<vmem>>, vector<16xi32>,
      %get3A_52 = vector.shape_cast %get3A_51 : vector<16xi32> to vector<16xi32>
      %and3A_53 = arith.constant 65535 : i32
      %and3A_54 = vector.broadcast %and3A_53 : i32 to vector<16xi32>
      %and3A_55 = arith.andi %get3A_52, %and3A_54 : vector<16xi32>
      %swap3A_56 = arith.constant 0 : i32
      %swap3A_57 = arith.index_cast %swap3A_56 : i32 to index
      %swap3A_58 = arith.constant 16 : index
      %swap3A_59 = tpu.vector_load %arg15[%swap3A_57, %swap3A_58] {strides = array<i32>} : memref<2x128xi32, #tpu.memory_space<vmem>>, vector<1x16xi32>,
      %swap3A_60 = vector.shape_cast %swap3A_59 : vector<1x16xi32> to vector<16xi32>
      %swap3A_61 = vector.shape_cast %and3A_55 : vector<16xi32> to vector<1x16xi32>
      tpu.vector_store %arg15[%swap3A_57, %swap3A_58], %swap3A_61 {strides = array<i32>} : memref<2x128xi32, #tpu.memory_space<vmem>>, vector<1x16xi32>,
      %shift_right_logical3A_62 = arith.constant 16 : i32
      %shift_right_logical3A_63 = vector.broadcast %shift_right_logical3A_62 : i32 to vector<16xi32>
      %shift_right_logical3A_64 = arith.shrui %get3A_52, %shift_right_logical3A_63 : vector<16xi32>
      %swap3A_65 = arith.constant 0 : i32
      %swap3A_66 = arith.index_cast %swap3A_65 : i32 to index
      %swap3A_67 = arith.constant 16 : index
      %swap3A_68 = tpu.vector_load %arg16[%swap3A_66, %swap3A_67] {strides = array<i32>} : memref<2x128xi32, #tpu.memory_space<vmem>>, vector<1x16xi32>,
      %swap3A_69 = vector.shape_cast %swap3A_68 : vector<1x16xi32> to vector<16xi32>
      %swap3A_70 = vector.shape_cast %shift_right_logical3A_64 : vector<16xi32> to vector<1x16xi32>
      tpu.vector_store %arg16[%swap3A_66, %swap3A_67], %swap3A_70 {strides = array<i32>} : memref<2x128xi32, #tpu.memory_space<vmem>>, vector<1x16xi32>,
      %get3A_71 = arith.constant 0 : i32
      %get3A_72 = arith.constant 0 : i32
      %get3A_73 = tpu.memref_slice %arg14[%get3A_71, %get3A_72] : memref<80x128xi32, #tpu.memory_space<vmem>> -> memref<1x128xi32, #tpu.memory_space<vmem>>
      %get3A_74 = tpu.memref_squeeze %get3A_73 : memref<1x128xi32, #tpu.memory_space<vmem>> -> memref<128xi32, #tpu.memory_space<vmem>>
      %get3A_75 = arith.constant 32 : index
      %get3A_76 = tpu.vector_load %get3A_74[%get3A_75] {strides = array<i32>} : memref<128xi32, #tpu.memory_space<vmem>>, vector<16xi32>,
      %get3A_77 = vector.shape_cast %get3A_76 : vector<16xi32> to vector<16xi32>
      %and3A_78 = arith.constant 65535 : i32
      %and3A_79 = vector.broadcast %and3A_78 : i32 to vector<16xi32>
      %and3A_80 = arith.andi %get3A_77, %and3A_79 : vector<16xi32>
      %swap3A_81 = arith.constant 0 : i32
      %swap3A_82 = arith.index_cast %swap3A_81 : i32 to index
      %swap3A_83 = arith.constant 32 : index
      %swap3A_84 = tpu.vector_load %arg15[%swap3A_82, %swap3A_83] {strides = array<i32>} : memref<2x128xi32, #tpu.memory_space<vmem>>, vector<1x16xi32>,
      %swap3A_85 = vector.shape_cast %swap3A_84 : vector<1x16xi32> to vector<16xi32>
      %swap3A_86 = vector.shape_cast %and3A_80 : vector<16xi32> to vector<1x16xi32>
      tpu.vector_store %arg15[%swap3A_82, %swap3A_83], %swap3A_86 {strides = array<i32>} : memref<2x128xi32, #tpu.memory_space<vmem>>, vector<1x16xi32>,
      %shift_right_logical3A_87 = arith.constant 16 : i32
      %shift_right_logical3A_88 = vector.broadcast %shift_right_logical3A_87 : i32 to vector<16xi32>
      %shift_right_logical3A_89 = arith.shrui %get3A_77, %shift_right_logical3A_88 : vector<16xi32>
      %swap3A_90 = arith.constant 0 : i32
      %swap3A_91 = arith.index_cast %swap3A_90 : i32 to index
      %swap3A_92 = arith.constant 32 : index
      %swap3A_93 = tpu.vector_load %arg16[%swap3A_91, %swap3A_92] {strides = array<i32>} : memref<2x128xi32, #tpu.memory_space<vmem>>, vector<1x16xi32>,
      %swap3A_94 = vector.shape_cast %swap3A_93 : vector<1x16xi32> to vector<16xi32>
      %swap3A_95 = vector.shape_cast %shift_right_logical3A_89 : vector<16xi32> to vector<1x16xi32>
      tpu.vector_store %arg16[%swap3A_91, %swap3A_92], %swap3A_95 {strides = array<i32>} : memref<2x128xi32, #tpu.memory_space<vmem>>, vector<1x16xi32>,
      %get3A_96 = arith.constant 0 : i32
      %get3A_97 = arith.constant 0 : i32
      %get3A_98 = tpu.memref_slice %arg14[%get3A_96, %get3A_97] : memref<80x128xi32, #tpu.memory_space<vmem>> -> memref<1x128xi32, #tpu.memory_space<vmem>>
      %get3A_99 = tpu.memref_squeeze %get3A_98 : memref<1x128xi32, #tpu.memory_space<vmem>> -> memref<128xi32, #tpu.memory_space<vmem>>
      %get3A_100 = arith.constant 48 : index
      %get3A_101 = tpu.vector_load %get3A_99[%get3A_100] {strides = array<i32>} : memref<128xi32, #tpu.memory_space<vmem>>, vector<16xi32>,
      %get3A_102 = vector.shape_cast %get3A_101 : vector<16xi32> to vector<16xi32>
      %and3A_103 = arith.constant 65535 : i32
      %and3A_104 = vector.broadcast %and3A_103 : i32 to vector<16xi32>
      %and3A_105 = arith.andi %get3A_102, %and3A_104 : vector<16xi32>
      %swap3A_106 = arith.constant 0 : i32
      %swap3A_107 = arith.index_cast %swap3A_106 : i32 to index
      %swap3A_108 = arith.constant 48 : index
      %swap3A_109 = tpu.vector_load %arg15[%swap3A_107, %swap3A_108] {strides = array<i32>} : memref<2x128xi32, #tpu.memory_space<vmem>>, vector<1x16xi32>,
      %swap3A_110 = vector.shape_cast %swap3A_109 : vector<1x16xi32> to vector<16xi32>
      %swap3A_111 = vector.shape_cast %and3A_105 : vector<16xi32> to vector<1x16xi32>
      tpu.vector_store %arg15[%swap3A_107, %swap3A_108], %swap3A_111 {strides = array<i32>} : memref<2x128xi32, #tpu.memory_space<vmem>>, vector<1x16xi32>,
      %shift_right_logical3A_112 = arith.constant 16 : i32
      %shift_right_logical3A_113 = vector.broadcast %shift_right_logical3A_112 : i32 to vector<16xi32>
      %shift_right_logical3A_114 = arith.shrui %get3A_102, %shift_right_logical3A_113 : vector<16xi32>
      %swap3A_115 = arith.constant 0 : i32
      %swap3A_116 = arith.index_cast %swap3A_115 : i32 to index
      %swap3A_117 = arith.constant 48 : index
      %swap3A_118 = tpu.vector_load %arg16[%swap3A_116, %swap3A_117] {strides = array<i32>} : memref<2x128xi32, #tpu.memory_space<vmem>>, vector<1x16xi32>,
      %swap3A_119 = vector.shape_cast %swap3A_118 : vector<1x16xi32> to vector<16xi32>
      %swap3A_120 = vector.shape_cast %shift_right_logical3A_114 : vector<16xi32> to vector<1x16xi32>
      tpu.vector_store %arg16[%swap3A_116, %swap3A_117], %swap3A_120 {strides = array<i32>} : memref<2x128xi32, #tpu.memory_space<vmem>>, vector<1x16xi32>,
      %get3A_121 = arith.constant 0 : i32
      %get3A_122 = arith.constant 0 : i32
      %get3A_123 = tpu.memref_slice %arg14[%get3A_121, %get3A_122] : memref<80x128xi32, #tpu.memory_space<vmem>> -> memref<1x128xi32, #tpu.memory_space<vmem>>
      %get3A_124 = tpu.memref_squeeze %get3A_123 : memref<1x128xi32, #tpu.memory_space<vmem>> -> memref<128xi32, #tpu.memory_space<vmem>>
      %get3A_125 = arith.constant 64 : index
      %get3A_126 = tpu.vector_load %get3A_124[%get3A_125] {strides = array<i32>} : memref<128xi32, #tpu.memory_space<vmem>>, vector<16xi32>,
      %get3A_127 = vector.shape_cast %get3A_126 : vector<16xi32> to vector<16xi32>
      %and3A_128 = arith.constant 65535 : i32
      %and3A_129 = vector.broadcast %and3A_128 : i32 to vector<16xi32>
      %and3A_130 = arith.andi %get3A_127, %and3A_129 : vector<16xi32>
      %swap3A_131 = arith.constant 0 : i32
      %swap3A_132 = arith.index_cast %swap3A_131 : i32 to index
      %swap3A_133 = arith.constant 64 : index
      %swap3A_134 = tpu.vector_load %arg15[%swap3A_132, %swap3A_133] {strides = array<i32>} : memref<2x128xi32, #tpu.memory_space<vmem>>, vector<1x16xi32>,
      %swap3A_135 = vector.shape_cast %swap3A_134 : vector<1x16xi32> to vector<16xi32>
      %swap3A_136 = vector.shape_cast %and3A_130 : vector<16xi32> to vector<1x16xi32>
      tpu.vector_store %arg15[%swap3A_132, %swap3A_133], %swap3A_136 {strides = array<i32>} : memref<2x128xi32, #tpu.memory_space<vmem>>, vector<1x16xi32>,
      %shift_right_logical3A_137 = arith.constant 16 : i32
      %shift_right_logical3A_138 = vector.broadcast %shift_right_logical3A_137 : i32 to vector<16xi32>
      %shift_right_logical3A_139 = arith.shrui %get3A_127, %shift_right_logical3A_138 : vector<16xi32>
      %swap3A_140 = arith.constant 0 : i32
      %swap3A_141 = arith.index_cast %swap3A_140 : i32 to index
      %swap3A_142 = arith.constant 64 : index
      %swap3A_143 = tpu.vector_load %arg16[%swap3A_141, %swap3A_142] {strides = array<i32>} : memref<2x128xi32, #tpu.memory_space<vmem>>, vector<1x16xi32>,
      %swap3A_144 = vector.shape_cast %swap3A_143 : vector<1x16xi32> to vector<16xi32>
      %swap3A_145 = vector.shape_cast %shift_right_logical3A_139 : vector<16xi32> to vector<1x16xi32>
      tpu.vector_store %arg16[%swap3A_141, %swap3A_142], %swap3A_145 {strides = array<i32>} : memref<2x128xi32, #tpu.memory_space<vmem>>, vector<1x16xi32>,
      %get3A_146 = arith.constant 0 : i32
      %get3A_147 = arith.constant 0 : i32
      %get3A_148 = tpu.memref_slice %arg14[%get3A_146, %get3A_147] : memref<80x128xi32, #tpu.memory_space<vmem>> -> memref<1x128xi32, #tpu.memory_space<vmem>>
      %get3A_149 = tpu.memref_squeeze %get3A_148 : memref<1x128xi32, #tpu.memory_space<vmem>> -> memref<128xi32, #tpu.memory_space<vmem>>
      %get3A_150 = arith.constant 80 : index
      %get3A_151 = tpu.vector_load %get3A_149[%get3A_150] {strides = array<i32>} : memref<128xi32, #tpu.memory_space<vmem>>, vector<16xi32>,
      %get3A_152 = vector.shape_cast %get3A_151 : vector<16xi32> to vector<16xi32>
      %and3A_153 = arith.constant 65535 : i32
      %and3A_154 = vector.broadcast %and3A_153 : i32 to vector<16xi32>
      %and3A_155 = arith.andi %get3A_152, %and3A_154 : vector<16xi32>
      %swap3A_156 = arith.constant 0 : i32
      %swap3A_157 = arith.index_cast %swap3A_156 : i32 to index
      %swap3A_158 = arith.constant 80 : index
      %swap3A_159 = tpu.vector_load %arg15[%swap3A_157, %swap3A_158] {strides = array<i32>} : memref<2x128xi32, #tpu.memory_space<vmem>>, vector<1x16xi32>,
      %swap3A_160 = vector.shape_cast %swap3A_159 : vector<1x16xi32> to vector<16xi32>
      %swap3A_161 = vector.shape_cast %and3A_155 : vector<16xi32> to vector<1x16xi32>
      tpu.vector_store %arg15[%swap3A_157, %swap3A_158], %swap3A_161 {strides = array<i32>} : memref<2x128xi32, #tpu.memory_space<vmem>>, vector<1x16xi32>,
      %shift_right_logical3A_162 = arith.constant 16 : i32
      %shift_right_logical3A_163 = vector.broadcast %shift_right_logical3A_162 : i32 to vector<16xi32>
      %shift_right_logical3A_164 = arith.shrui %get3A_152, %shift_right_logical3A_163 : vector<16xi32>
      %swap3A_165 = arith.constant 0 : i32
      %swap3A_166 = arith.index_cast %swap3A_165 : i32 to index
      %swap3A_167 = arith.constant 80 : index
      %swap3A_168 = tpu.vector_load %arg16[%swap3A_166, %swap3A_167] {strides = array<i32>} : memref<2x128xi32, #tpu.memory_space<vmem>>, vector<1x16xi32>,
      %swap3A_169 = vector.shape_cast %swap3A_168 : vector<1x16xi32> to vector<16xi32>
      %swap3A_170 = vector.shape_cast %shift_right_logical3A_164 : vector<16xi32> to vector<1x16xi32>
      tpu.vector_store %arg16[%swap3A_166, %swap3A_167], %swap3A_170 {strides = array<i32>} : memref<2x128xi32, #tpu.memory_space<vmem>>, vector<1x16xi32>,
      %get3A_171 = arith.constant 0 : i32
      %get3A_172 = arith.constant 0 : i32
      %get3A_173 = tpu.memref_slice %arg14[%get3A_171, %get3A_172] : memref<80x128xi32, #tpu.memory_space<vmem>> -> memref<1x128xi32, #tpu.memory_space<vmem>>
      %get3A_174 = tpu.memref_squeeze %get3A_173 : memref<1x128xi32, #tpu.memory_space<vmem>> -> memref<128xi32, #tpu.memory_space<vmem>>
      %get3A_175 = arith.constant 96 : index
      %get3A_176 = tpu.vector_load %get3A_174[%get3A_175] {strides = array<i32>} : memref<128xi32, #tpu.memory_space<vmem>>, vector<16xi32>,
      %get3A_177 = vector.shape_cast %get3A_176 : vector<16xi32> to vector<16xi32>
      %and3A_178 = arith.constant 65535 : i32
      %and3A_179 = vector.broadcast %and3A_178 : i32 to vector<16xi32>
      %and3A_180 = arith.andi %get3A_177, %and3A_179 : vector<16xi32>
      %swap3A_181 = arith.constant 0 : i32
      %swap3A_182 = arith.index_cast %swap3A_181 : i32 to index
      %swap3A_183 = arith.constant 96 : index
      %swap3A_184 = tpu.vector_load %arg15[%swap3A_182, %swap3A_183] {strides = array<i32>} : memref<2x128xi32, #tpu.memory_space<vmem>>, vector<1x16xi32>,
      %swap3A_185 = vector.shape_cast %swap3A_184 : vector<1x16xi32> to vector<16xi32>
      %swap3A_186 = vector.shape_cast %and3A_180 : vector<16xi32> to vector<1x16xi32>
      tpu.vector_store %arg15[%swap3A_182, %swap3A_183], %swap3A_186 {strides = array<i32>} : memref<2x128xi32, #tpu.memory_space<vmem>>, vector<1x16xi32>,
      %shift_right_logical3A_187 = arith.constant 16 : i32
      %shift_right_logical3A_188 = vector.broadcast %shift_right_logical3A_187 : i32 to vector<16xi32>
      %shift_right_logical3A_189 = arith.shrui %get3A_177, %shift_right_logical3A_188 : vector<16xi32>
      %swap3A_190 = arith.constant 0 : i32
      %swap3A_191 = arith.index_cast %swap3A_190 : i32 to index
      %swap3A_192 = arith.constant 96 : index
      %swap3A_193 = tpu.vector_load %arg16[%swap3A_191, %swap3A_192] {strides = array<i32>} : memref<2x128xi32, #tpu.memory_space<vmem>>, vector<1x16xi32>,
      %swap3A_194 = vector.shape_cast %swap3A_193 : vector<1x16xi32> to vector<16xi32>
      %swap3A_195 = vector.shape_cast %shift_right_logical3A_189 : vector<16xi32> to vector<1x16xi32>
      tpu.vector_store %arg16[%swap3A_191, %swap3A_192], %swap3A_195 {strides = array<i32>} : memref<2x128xi32, #tpu.memory_space<vmem>>, vector<1x16xi32>,
      %get3A_196 = arith.constant 0 : i32
      %get3A_197 = arith.constant 0 : i32
      %get3A_198 = tpu.memref_slice %arg14[%get3A_196, %get3A_197] : memref<80x128xi32, #tpu.memory_space<vmem>> -> memref<1x128xi32, #tpu.memory_space<vmem>>
      %get3A_199 = tpu.memref_squeeze %get3A_198 : memref<1x128xi32, #tpu.memory_space<vmem>> -> memref<128xi32, #tpu.memory_space<vmem>>
      %get3A_200 = arith.constant 112 : index
      %get3A_201 = tpu.vector_load %get3A_199[%get3A_200] {strides = array<i32>} : memref<128xi32, #tpu.memory_space<vmem>>, vector<16xi32>,
      %get3A_202 = vector.shape_cast %get3A_201 : vector<16xi32> to vector<16xi32>
      %and3A_203 = arith.constant 65535 : i32
      %and3A_204 = vector.broadcast %and3A_203 : i32 to vector<16xi32>
      %and3A_205 = arith.andi %get3A_202, %and3A_204 : vector<16xi32>
      %swap3A_206 = arith.constant 0 : i32
      %swap3A_207 = arith.index_cast %swap3A_206 : i32 to index
      %swap3A_208 = arith.constant 112 : index
      %swap3A_209 = tpu.vector_load %arg15[%swap3A_207, %swap3A_208] {strides = array<i32>} : memref<2x128xi32, #tpu.memory_space<vmem>>, vector<1x16xi32>,
      %swap3A_210 = vector.shape_cast %swap3A_209 : vector<1x16xi32> to vector<16xi32>
      %swap3A_211 = vector.shape_cast %and3A_205 : vector<16xi32> to vector<1x16xi32>
      tpu.vector_store %arg15[%swap3A_207, %swap3A_208], %swap3A_211 {strides = array<i32>} : memref<2x128xi32, #tpu.memory_space<vmem>>, vector<1x16xi32>,
      %shift_right_logical3A_212 = arith.constant 16 : i32
      %shift_right_logical3A_213 = vector.broadcast %shift_right_logical3A_212 : i32 to vector<16xi32>
      %shift_right_logical3A_214 = arith.shrui %get3A_202, %shift_right_logical3A_213 : vector<16xi32>
      %swap3A_215 = arith.constant 0 : i32
      %swap3A_216 = arith.index_cast %swap3A_215 : i32 to index
      %swap3A_217 = arith.constant 112 : index
      %swap3A_218 = tpu.vector_load %arg16[%swap3A_216, %swap3A_217] {strides = array<i32>} : memref<2x128xi32, #tpu.memory_space<vmem>>, vector<1x16xi32>,
      %swap3A_219 = vector.shape_cast %swap3A_218 : vector<1x16xi32> to vector<16xi32>
      %swap3A_220 = vector.shape_cast %shift_right_logical3A_214 : vector<16xi32> to vector<1x16xi32>
      tpu.vector_store %arg16[%swap3A_216, %swap3A_217], %swap3A_220 {strides = array<i32>} : memref<2x128xi32, #tpu.memory_space<vmem>>, vector<1x16xi32>,
      %dma_start3A = arith.constant 0 : i32
      %dma_start3A_221 = arith.constant 0 : i32
      %dma_start3A_222 = arith.constant 0 : i32
      %dma_start3A_223 = arith.constant 0 : i32
      %dma_start3A_224 = arith.constant 0 : i32
      %dma_start3A_225 = tpu.memref_slice %arg17[%dma_start3A_221, %dma_start3A_223, %dma_start3A_224] : memref<2x128x128xf32, #tpu.memory_space<vmem>> -> memref<1x128x128xf32, #tpu.memory_space<vmem>>
      %dma_start3A_226 = tpu.memref_squeeze %dma_start3A_225 : memref<1x128x128xf32, #tpu.memory_space<vmem>> -> memref<128x128xf32, #tpu.memory_space<vmem>>
      %dma_start3A_227 = arith.constant 0 : i32
      %dma_start3A_228 = tpu.memref_slice %arg15[%dma_start3A, %dma_start3A_227] : memref<2x128xi32, #tpu.memory_space<vmem>> -> memref<1x128xi32, #tpu.memory_space<vmem>>
      %dma_start3A_229 = tpu.memref_squeeze %dma_start3A_228 : memref<1x128xi32, #tpu.memory_space<vmem>> -> memref<128xi32, #tpu.memory_space<vmem>>
      %dma_start3A_230 = arith.constant 0 : i32
      %dma_start3A_231 = arith.constant 0 : i32
      %dma_start3A_232 = tpu.memref_slice %arg3[%dma_start3A_230, %dma_start3A_231] : memref<10000x128xf32, #tpu.memory_space<hbm>> -> memref<10000x128xf32, #tpu.memory_space<hbm>>
      %dma_start3A_233 = tpu.memref_slice %arg19[%dma_start3A_222] : memref<2x!tpu.dma_semaphore, #tpu.memory_space<semaphore_mem>> -> memref<1x!tpu.dma_semaphore, #tpu.memory_space<semaphore_mem>>
      %dma_start3A_234 = tpu.memref_squeeze %dma_start3A_233 : memref<1x!tpu.dma_semaphore, #tpu.memory_space<semaphore_mem>> -> memref<!tpu.dma_semaphore, #tpu.memory_space<semaphore_mem>>
      tpu.enqueue_indirect_dma source(%dma_start3A_232 : memref<10000x128xf32, #tpu.memory_space<hbm>>) target(%dma_start3A_226 : memref<128x128xf32, #tpu.memory_space<vmem>>) offsets(%dma_start3A_229 : memref<128xi32, #tpu.memory_space<vmem>>) semaphore(%dma_start3A_234 : memref<!tpu.dma_semaphore, #tpu.memory_space<semaphore_mem>>)
      %scan3A = arith.constant 0 : i32
      %scan3A_235 = arith.constant 0 : i32
      %scan3A_236 = arith.constant 80 : i32
      %scan3A_237 = arith.addi %scan3A_235, %scan3A_236 : i32
      %scan3A_238 = arith.constant 1 : i32
      scf.for %scan3A_256 = %scan3A_235 to %scan3A_237 step %scan3A_238  : i32 {
        %rem3A = arith.constant 2 : i32
        %rem3A_257 = arith.remsi %scan3A_256, %rem3A : i32
        %sub3A = arith.constant 1 : i32
        %sub3A_258 = arith.subi %sub3A, %rem3A_257 : i32
        %ge3A = arith.constant 1 : i32
        %ge3A_259 = arith.cmpi sge, %scan3A_256, %ge3A : i32
        %convert_element_type3A_260 = arith.extui %ge3A_259 : i1 to i32
        %cond3A_261 = arith.constant 0 : i32
        %cond3A_262 = arith.cmpi ne, %convert_element_type3A_260, %cond3A_261 : i32
        scf.if %cond3A_262 {
          %dma_wait3A_294 = arith.constant 0 : i32
          %dma_wait3A_295 = arith.constant 0 : i32
          %dma_wait3A_296 = tpu.memref_slice %arg17[%sub3A_258, %dma_wait3A_294, %dma_wait3A_295] : memref<2x128x128xf32, #tpu.memory_space<vmem>> -> memref<1x128x128xf32, #tpu.memory_space<vmem>>
          %dma_wait3A_297 = tpu.memref_squeeze %dma_wait3A_296 : memref<1x128x128xf32, #tpu.memory_space<vmem>> -> memref<128x128xf32, #tpu.memory_space<vmem>>
          %dma_wait3A_298 = arith.constant 0 : i32
          %dma_wait3A_299 = tpu.memref_slice %arg16[%sub3A_258, %dma_wait3A_298] : memref<2x128xi32, #tpu.memory_space<vmem>> -> memref<1x128xi32, #tpu.memory_space<vmem>>
          %dma_wait3A_300 = tpu.memref_squeeze %dma_wait3A_299 : memref<1x128xi32, #tpu.memory_space<vmem>> -> memref<128xi32, #tpu.memory_space<vmem>>
          %dma_wait3A_301 = arith.constant 0 : i32
          %dma_wait3A_302 = arith.constant 0 : i32
          %dma_wait3A_303 = tpu.memref_slice %arg12[%dma_wait3A_301, %dma_wait3A_302] : memref<10112x128xf32, #tpu.memory_space<vmem_shared>> -> memref<10112x128xf32, #tpu.memory_space<vmem_shared>>
          tpu.wait_indirect_dma semaphore(%arg20 : memref<!tpu.dma_semaphore, #tpu.memory_space<semaphore_mem>>) src(%dma_wait3A_297 : memref<128x128xf32, #tpu.memory_space<vmem>>) dst(%dma_wait3A_303 : memref<10112x128xf32, #tpu.memory_space<vmem_shared>>)
          %eq3A_304 = arith.cmpi eq, %sub3A_258, %arg0 : i32
          %convert_element_type3A_305 = arith.extui %eq3A_304 : i1 to i32
          %cond3A_306 = arith.constant 0 : i32
          %cond3A_307 = arith.cmpi ne, %convert_element_type3A_305, %cond3A_306 : i32
          scf.if %cond3A_307 {
            %dma_wait3A_308 = arith.constant 0 : i32
            %dma_wait3A_309 = tpu.memref_slice %arg16[%sub3A_258, %dma_wait3A_308] : memref<2x128xi32, #tpu.memory_space<vmem>> -> memref<1x128xi32, #tpu.memory_space<vmem>>
            %dma_wait3A_310 = tpu.memref_squeeze %dma_wait3A_309 : memref<1x128xi32, #tpu.memory_space<vmem>> -> memref<128xi32, #tpu.memory_space<vmem>>
            %dma_wait3A_311 = arith.constant 0 : i32
            %dma_wait3A_312 = tpu.memref_slice %arg13[%dma_wait3A_311] : memref<10240xf32, #tpu.memory_space<vmem_shared>> -> memref<10240xf32, #tpu.memory_space<vmem_shared>>
            tpu.wait_indirect_dma semaphore(%arg21 : memref<!tpu.dma_semaphore, #tpu.memory_space<semaphore_mem>>) src(%arg18 : memref<128xf32, #tpu.memory_space<vmem>>) dst(%dma_wait3A_312 : memref<10240xf32, #tpu.memory_space<vmem_shared>>)
          } else {
          }
        } else {
        }
        %add3A = arith.constant 1 : i32
        %add3A_263 = arith.addi %scan3A_256, %add3A : i32
        %lt3A = arith.constant 80 : i32
        %lt3A_264 = arith.cmpi slt, %add3A_263, %lt3A : i32
        %convert_element_type3A_265 = arith.extui %lt3A_264 : i1 to i32
        %cond3A_266 = arith.constant 0 : i32
        %cond3A_267 = arith.cmpi ne, %convert_element_type3A_265, %cond3A_266 : i32
        scf.if %cond3A_267 {
          %add3A_294 = arith.constant 1 : i32
          %add3A_295 = arith.addi %scan3A_256, %add3A_294 : i32
          %get3A_296 = arith.constant 0 : i32
          %get3A_297 = tpu.memref_slice %arg14[%add3A_295, %get3A_296] : memref<80x128xi32, #tpu.memory_space<vmem>> -> memref<1x128xi32, #tpu.memory_space<vmem>>
          %get3A_298 = tpu.memref_squeeze %get3A_297 : memref<1x128xi32, #tpu.memory_space<vmem>> -> memref<128xi32, #tpu.memory_space<vmem>>
          %get3A_299 = arith.constant 0 : index
          %get3A_300 = tpu.vector_load %get3A_298[%get3A_299] {strides = array<i32>} : memref<128xi32, #tpu.memory_space<vmem>>, vector<16xi32>,
          %get3A_301 = vector.shape_cast %get3A_300 : vector<16xi32> to vector<16xi32>
          %and3A_302 = arith.constant 65535 : i32
          %and3A_303 = vector.broadcast %and3A_302 : i32 to vector<16xi32>
          %and3A_304 = arith.andi %get3A_301, %and3A_303 : vector<16xi32>
          %swap3A_305 = arith.index_cast %sub3A_258 : i32 to index
          %swap3A_306 = arith.constant 0 : index
          %swap3A_307 = tpu.vector_load %arg15[%swap3A_305, %swap3A_306] {strides = array<i32>} : memref<2x128xi32, #tpu.memory_space<vmem>>, vector<1x16xi32>,
          %swap3A_308 = vector.shape_cast %swap3A_307 : vector<1x16xi32> to vector<16xi32>
          %swap3A_309 = vector.shape_cast %and3A_304 : vector<16xi32> to vector<1x16xi32>
          tpu.vector_store %arg15[%swap3A_305, %swap3A_306], %swap3A_309 {strides = array<i32>} : memref<2x128xi32, #tpu.memory_space<vmem>>, vector<1x16xi32>,
          %shift_right_logical3A_310 = arith.constant 16 : i32
          %shift_right_logical3A_311 = vector.broadcast %shift_right_logical3A_310 : i32 to vector<16xi32>
          %shift_right_logical3A_312 = arith.shrui %get3A_301, %shift_right_logical3A_311 : vector<16xi32>
          %swap3A_313 = arith.index_cast %sub3A_258 : i32 to index
          %swap3A_314 = arith.constant 0 : index
          %swap3A_315 = tpu.vector_load %arg16[%swap3A_313, %swap3A_314] {strides = array<i32>} : memref<2x128xi32, #tpu.memory_space<vmem>>, vector<1x16xi32>,
          %swap3A_316 = vector.shape_cast %swap3A_315 : vector<1x16xi32> to vector<16xi32>
          %swap3A_317 = vector.shape_cast %shift_right_logical3A_312 : vector<16xi32> to vector<1x16xi32>
          tpu.vector_store %arg16[%swap3A_313, %swap3A_314], %swap3A_317 {strides = array<i32>} : memref<2x128xi32, #tpu.memory_space<vmem>>, vector<1x16xi32>,
          %get3A_318 = arith.constant 0 : i32
          %get3A_319 = tpu.memref_slice %arg14[%add3A_295, %get3A_318] : memref<80x128xi32, #tpu.memory_space<vmem>> -> memref<1x128xi32, #tpu.memory_space<vmem>>
          %get3A_320 = tpu.memref_squeeze %get3A_319 : memref<1x128xi32, #tpu.memory_space<vmem>> -> memref<128xi32, #tpu.memory_space<vmem>>
          %get3A_321 = arith.constant 16 : index
          %get3A_322 = tpu.vector_load %get3A_320[%get3A_321] {strides = array<i32>} : memref<128xi32, #tpu.memory_space<vmem>>, vector<16xi32>,
          %get3A_323 = vector.shape_cast %get3A_322 : vector<16xi32> to vector<16xi32>
          %and3A_324 = arith.constant 65535 : i32
          %and3A_325 = vector.broadcast %and3A_324 : i32 to vector<16xi32>
          %and3A_326 = arith.andi %get3A_323, %and3A_325 : vector<16xi32>
          %swap3A_327 = arith.index_cast %sub3A_258 : i32 to index
          %swap3A_328 = arith.constant 16 : index
          %swap3A_329 = tpu.vector_load %arg15[%swap3A_327, %swap3A_328] {strides = array<i32>} : memref<2x128xi32, #tpu.memory_space<vmem>>, vector<1x16xi32>,
          %swap3A_330 = vector.shape_cast %swap3A_329 : vector<1x16xi32> to vector<16xi32>
          %swap3A_331 = vector.shape_cast %and3A_326 : vector<16xi32> to vector<1x16xi32>
          tpu.vector_store %arg15[%swap3A_327, %swap3A_328], %swap3A_331 {strides = array<i32>} : memref<2x128xi32, #tpu.memory_space<vmem>>, vector<1x16xi32>,
          %shift_right_logical3A_332 = arith.constant 16 : i32
          %shift_right_logical3A_333 = vector.broadcast %shift_right_logical3A_332 : i32 to vector<16xi32>
          %shift_right_logical3A_334 = arith.shrui %get3A_323, %shift_right_logical3A_333 : vector<16xi32>
          %swap3A_335 = arith.index_cast %sub3A_258 : i32 to index
          %swap3A_336 = arith.constant 16 : index
          %swap3A_337 = tpu.vector_load %arg16[%swap3A_335, %swap3A_336] {strides = array<i32>} : memref<2x128xi32, #tpu.memory_space<vmem>>, vector<1x16xi32>,
          %swap3A_338 = vector.shape_cast %swap3A_337 : vector<1x16xi32> to vector<16xi32>
          %swap3A_339 = vector.shape_cast %shift_right_logical3A_334 : vector<16xi32> to vector<1x16xi32>
          tpu.vector_store %arg16[%swap3A_335, %swap3A_336], %swap3A_339 {strides = array<i32>} : memref<2x128xi32, #tpu.memory_space<vmem>>, vector<1x16xi32>,
          %get3A_340 = arith.constant 0 : i32
          %get3A_341 = tpu.memref_slice %arg14[%add3A_295, %get3A_340] : memref<80x128xi32, #tpu.memory_space<vmem>> -> memref<1x128xi32, #tpu.memory_space<vmem>>
          %get3A_342 = tpu.memref_squeeze %get3A_341 : memref<1x128xi32, #tpu.memory_space<vmem>> -> memref<128xi32, #tpu.memory_space<vmem>>
          %get3A_343 = arith.constant 32 : index
          %get3A_344 = tpu.vector_load %get3A_342[%get3A_343] {strides = array<i32>} : memref<128xi32, #tpu.memory_space<vmem>>, vector<16xi32>,
          %get3A_345 = vector.shape_cast %get3A_344 : vector<16xi32> to vector<16xi32>
          %and3A_346 = arith.constant 65535 : i32
          %and3A_347 = vector.broadcast %and3A_346 : i32 to vector<16xi32>
          %and3A_348 = arith.andi %get3A_345, %and3A_347 : vector<16xi32>
          %swap3A_349 = arith.index_cast %sub3A_258 : i32 to index
          %swap3A_350 = arith.constant 32 : index
          %swap3A_351 = tpu.vector_load %arg15[%swap3A_349, %swap3A_350] {strides = array<i32>} : memref<2x128xi32, #tpu.memory_space<vmem>>, vector<1x16xi32>,
          %swap3A_352 = vector.shape_cast %swap3A_351 : vector<1x16xi32> to vector<16xi32>
          %swap3A_353 = vector.shape_cast %and3A_348 : vector<16xi32> to vector<1x16xi32>
          tpu.vector_store %arg15[%swap3A_349, %swap3A_350], %swap3A_353 {strides = array<i32>} : memref<2x128xi32, #tpu.memory_space<vmem>>, vector<1x16xi32>,
          %shift_right_logical3A_354 = arith.constant 16 : i32
          %shift_right_logical3A_355 = vector.broadcast %shift_right_logical3A_354 : i32 to vector<16xi32>
          %shift_right_logical3A_356 = arith.shrui %get3A_345, %shift_right_logical3A_355 : vector<16xi32>
          %swap3A_357 = arith.index_cast %sub3A_258 : i32 to index
          %swap3A_358 = arith.constant 32 : index
          %swap3A_359 = tpu.vector_load %arg16[%swap3A_357, %swap3A_358] {strides = array<i32>} : memref<2x128xi32, #tpu.memory_space<vmem>>, vector<1x16xi32>,
          %swap3A_360 = vector.shape_cast %swap3A_359 : vector<1x16xi32> to vector<16xi32>
          %swap3A_361 = vector.shape_cast %shift_right_logical3A_356 : vector<16xi32> to vector<1x16xi32>
          tpu.vector_store %arg16[%swap3A_357, %swap3A_358], %swap3A_361 {strides = array<i32>} : memref<2x128xi32, #tpu.memory_space<vmem>>, vector<1x16xi32>,
          %get3A_362 = arith.constant 0 : i32
          %get3A_363 = tpu.memref_slice %arg14[%add3A_295, %get3A_362] : memref<80x128xi32, #tpu.memory_space<vmem>> -> memref<1x128xi32, #tpu.memory_space<vmem>>
          %get3A_364 = tpu.memref_squeeze %get3A_363 : memref<1x128xi32, #tpu.memory_space<vmem>> -> memref<128xi32, #tpu.memory_space<vmem>>
          %get3A_365 = arith.constant 48 : index
          %get3A_366 = tpu.vector_load %get3A_364[%get3A_365] {strides = array<i32>} : memref<128xi32, #tpu.memory_space<vmem>>, vector<16xi32>,
          %get3A_367 = vector.shape_cast %get3A_366 : vector<16xi32> to vector<16xi32>
          %and3A_368 = arith.constant 65535 : i32
          %and3A_369 = vector.broadcast %and3A_368 : i32 to vector<16xi32>
          %and3A_370 = arith.andi %get3A_367, %and3A_369 : vector<16xi32>
          %swap3A_371 = arith.index_cast %sub3A_258 : i32 to index
          %swap3A_372 = arith.constant 48 : index
          %swap3A_373 = tpu.vector_load %arg15[%swap3A_371, %swap3A_372] {strides = array<i32>} : memref<2x128xi32, #tpu.memory_space<vmem>>, vector<1x16xi32>,
          %swap3A_374 = vector.shape_cast %swap3A_373 : vector<1x16xi32> to vector<16xi32>
          %swap3A_375 = vector.shape_cast %and3A_370 : vector<16xi32> to vector<1x16xi32>
          tpu.vector_store %arg15[%swap3A_371, %swap3A_372], %swap3A_375 {strides = array<i32>} : memref<2x128xi32, #tpu.memory_space<vmem>>, vector<1x16xi32>,
          %shift_right_logical3A_376 = arith.constant 16 : i32
          %shift_right_logical3A_377 = vector.broadcast %shift_right_logical3A_376 : i32 to vector<16xi32>
          %shift_right_logical3A_378 = arith.shrui %get3A_367, %shift_right_logical3A_377 : vector<16xi32>
          %swap3A_379 = arith.index_cast %sub3A_258 : i32 to index
          %swap3A_380 = arith.constant 48 : index
          %swap3A_381 = tpu.vector_load %arg16[%swap3A_379, %swap3A_380] {strides = array<i32>} : memref<2x128xi32, #tpu.memory_space<vmem>>, vector<1x16xi32>,
          %swap3A_382 = vector.shape_cast %swap3A_381 : vector<1x16xi32> to vector<16xi32>
          %swap3A_383 = vector.shape_cast %shift_right_logical3A_378 : vector<16xi32> to vector<1x16xi32>
          tpu.vector_store %arg16[%swap3A_379, %swap3A_380], %swap3A_383 {strides = array<i32>} : memref<2x128xi32, #tpu.memory_space<vmem>>, vector<1x16xi32>,
          %get3A_384 = arith.constant 0 : i32
          %get3A_385 = tpu.memref_slice %arg14[%add3A_295, %get3A_384] : memref<80x128xi32, #tpu.memory_space<vmem>> -> memref<1x128xi32, #tpu.memory_space<vmem>>
          %get3A_386 = tpu.memref_squeeze %get3A_385 : memref<1x128xi32, #tpu.memory_space<vmem>> -> memref<128xi32, #tpu.memory_space<vmem>>
          %get3A_387 = arith.constant 64 : index
          %get3A_388 = tpu.vector_load %get3A_386[%get3A_387] {strides = array<i32>} : memref<128xi32, #tpu.memory_space<vmem>>, vector<16xi32>,
          %get3A_389 = vector.shape_cast %get3A_388 : vector<16xi32> to vector<16xi32>
          %and3A_390 = arith.constant 65535 : i32
          %and3A_391 = vector.broadcast %and3A_390 : i32 to vector<16xi32>
          %and3A_392 = arith.andi %get3A_389, %and3A_391 : vector<16xi32>
          %swap3A_393 = arith.index_cast %sub3A_258 : i32 to index
          %swap3A_394 = arith.constant 64 : index
          %swap3A_395 = tpu.vector_load %arg15[%swap3A_393, %swap3A_394] {strides = array<i32>} : memref<2x128xi32, #tpu.memory_space<vmem>>, vector<1x16xi32>,
          %swap3A_396 = vector.shape_cast %swap3A_395 : vector<1x16xi32> to vector<16xi32>
          %swap3A_397 = vector.shape_cast %and3A_392 : vector<16xi32> to vector<1x16xi32>
          tpu.vector_store %arg15[%swap3A_393, %swap3A_394], %swap3A_397 {strides = array<i32>} : memref<2x128xi32, #tpu.memory_space<vmem>>, vector<1x16xi32>,
          %shift_right_logical3A_398 = arith.constant 16 : i32
          %shift_right_logical3A_399 = vector.broadcast %shift_right_logical3A_398 : i32 to vector<16xi32>
          %shift_right_logical3A_400 = arith.shrui %get3A_389, %shift_right_logical3A_399 : vector<16xi32>
          %swap3A_401 = arith.index_cast %sub3A_258 : i32 to index
          %swap3A_402 = arith.constant 64 : index
          %swap3A_403 = tpu.vector_load %arg16[%swap3A_401, %swap3A_402] {strides = array<i32>} : memref<2x128xi32, #tpu.memory_space<vmem>>, vector<1x16xi32>,
          %swap3A_404 = vector.shape_cast %swap3A_403 : vector<1x16xi32> to vector<16xi32>
          %swap3A_405 = vector.shape_cast %shift_right_logical3A_400 : vector<16xi32> to vector<1x16xi32>
          tpu.vector_store %arg16[%swap3A_401, %swap3A_402], %swap3A_405 {strides = array<i32>} : memref<2x128xi32, #tpu.memory_space<vmem>>, vector<1x16xi32>,
          %get3A_406 = arith.constant 0 : i32
          %get3A_407 = tpu.memref_slice %arg14[%add3A_295, %get3A_406] : memref<80x128xi32, #tpu.memory_space<vmem>> -> memref<1x128xi32, #tpu.memory_space<vmem>>
          %get3A_408 = tpu.memref_squeeze %get3A_407 : memref<1x128xi32, #tpu.memory_space<vmem>> -> memref<128xi32, #tpu.memory_space<vmem>>
          %get3A_409 = arith.constant 80 : index
          %get3A_410 = tpu.vector_load %get3A_408[%get3A_409] {strides = array<i32>} : memref<128xi32, #tpu.memory_space<vmem>>, vector<16xi32>,
          %get3A_411 = vector.shape_cast %get3A_410 : vector<16xi32> to vector<16xi32>
          %and3A_412 = arith.constant 65535 : i32
          %and3A_413 = vector.broadcast %and3A_412 : i32 to vector<16xi32>
          %and3A_414 = arith.andi %get3A_411, %and3A_413 : vector<16xi32>
          %swap3A_415 = arith.index_cast %sub3A_258 : i32 to index
          %swap3A_416 = arith.constant 80 : index
          %swap3A_417 = tpu.vector_load %arg15[%swap3A_415, %swap3A_416] {strides = array<i32>} : memref<2x128xi32, #tpu.memory_space<vmem>>, vector<1x16xi32>,
          %swap3A_418 = vector.shape_cast %swap3A_417 : vector<1x16xi32> to vector<16xi32>
          %swap3A_419 = vector.shape_cast %and3A_414 : vector<16xi32> to vector<1x16xi32>
          tpu.vector_store %arg15[%swap3A_415, %swap3A_416], %swap3A_419 {strides = array<i32>} : memref<2x128xi32, #tpu.memory_space<vmem>>, vector<1x16xi32>,
          %shift_right_logical3A_420 = arith.constant 16 : i32
          %shift_right_logical3A_421 = vector.broadcast %shift_right_logical3A_420 : i32 to vector<16xi32>
          %shift_right_logical3A_422 = arith.shrui %get3A_411, %shift_right_logical3A_421 : vector<16xi32>
          %swap3A_423 = arith.index_cast %sub3A_258 : i32 to index
          %swap3A_424 = arith.constant 80 : index
          %swap3A_425 = tpu.vector_load %arg16[%swap3A_423, %swap3A_424] {strides = array<i32>} : memref<2x128xi32, #tpu.memory_space<vmem>>, vector<1x16xi32>,
          %swap3A_426 = vector.shape_cast %swap3A_425 : vector<1x16xi32> to vector<16xi32>
          %swap3A_427 = vector.shape_cast %shift_right_logical3A_422 : vector<16xi32> to vector<1x16xi32>
          tpu.vector_store %arg16[%swap3A_423, %swap3A_424], %swap3A_427 {strides = array<i32>} : memref<2x128xi32, #tpu.memory_space<vmem>>, vector<1x16xi32>,
          %get3A_428 = arith.constant 0 : i32
          %get3A_429 = tpu.memref_slice %arg14[%add3A_295, %get3A_428] : memref<80x128xi32, #tpu.memory_space<vmem>> -> memref<1x128xi32, #tpu.memory_space<vmem>>
          %get3A_430 = tpu.memref_squeeze %get3A_429 : memref<1x128xi32, #tpu.memory_space<vmem>> -> memref<128xi32, #tpu.memory_space<vmem>>
          %get3A_431 = arith.constant 96 : index
          %get3A_432 = tpu.vector_load %get3A_430[%get3A_431] {strides = array<i32>} : memref<128xi32, #tpu.memory_space<vmem>>, vector<16xi32>,
          %get3A_433 = vector.shape_cast %get3A_432 : vector<16xi32> to vector<16xi32>
          %and3A_434 = arith.constant 65535 : i32
          %and3A_435 = vector.broadcast %and3A_434 : i32 to vector<16xi32>
          %and3A_436 = arith.andi %get3A_433, %and3A_435 : vector<16xi32>
          %swap3A_437 = arith.index_cast %sub3A_258 : i32 to index
          %swap3A_438 = arith.constant 96 : index
          %swap3A_439 = tpu.vector_load %arg15[%swap3A_437, %swap3A_438] {strides = array<i32>} : memref<2x128xi32, #tpu.memory_space<vmem>>, vector<1x16xi32>,
          %swap3A_440 = vector.shape_cast %swap3A_439 : vector<1x16xi32> to vector<16xi32>
          %swap3A_441 = vector.shape_cast %and3A_436 : vector<16xi32> to vector<1x16xi32>
          tpu.vector_store %arg15[%swap3A_437, %swap3A_438], %swap3A_441 {strides = array<i32>} : memref<2x128xi32, #tpu.memory_space<vmem>>, vector<1x16xi32>,
          %shift_right_logical3A_442 = arith.constant 16 : i32
          %shift_right_logical3A_443 = vector.broadcast %shift_right_logical3A_442 : i32 to vector<16xi32>
          %shift_right_logical3A_444 = arith.shrui %get3A_433, %shift_right_logical3A_443 : vector<16xi32>
          %swap3A_445 = arith.index_cast %sub3A_258 : i32 to index
          %swap3A_446 = arith.constant 96 : index
          %swap3A_447 = tpu.vector_load %arg16[%swap3A_445, %swap3A_446] {strides = array<i32>} : memref<2x128xi32, #tpu.memory_space<vmem>>, vector<1x16xi32>,
          %swap3A_448 = vector.shape_cast %swap3A_447 : vector<1x16xi32> to vector<16xi32>
          %swap3A_449 = vector.shape_cast %shift_right_logical3A_444 : vector<16xi32> to vector<1x16xi32>
          tpu.vector_store %arg16[%swap3A_445, %swap3A_446], %swap3A_449 {strides = array<i32>} : memref<2x128xi32, #tpu.memory_space<vmem>>, vector<1x16xi32>,
          %get3A_450 = arith.constant 0 : i32
          %get3A_451 = tpu.memref_slice %arg14[%add3A_295, %get3A_450] : memref<80x128xi32, #tpu.memory_space<vmem>> -> memref<1x128xi32, #tpu.memory_space<vmem>>
          %get3A_452 = tpu.memref_squeeze %get3A_451 : memref<1x128xi32, #tpu.memory_space<vmem>> -> memref<128xi32, #tpu.memory_space<vmem>>
          %get3A_453 = arith.constant 112 : index
          %get3A_454 = tpu.vector_load %get3A_452[%get3A_453] {strides = array<i32>} : memref<128xi32, #tpu.memory_space<vmem>>, vector<16xi32>,
          %get3A_455 = vector.shape_cast %get3A_454 : vector<16xi32> to vector<16xi32>
          %and3A_456 = arith.constant 65535 : i32
          %and3A_457 = vector.broadcast %and3A_456 : i32 to vector<16xi32>
          %and3A_458 = arith.andi %get3A_455, %and3A_457 : vector<16xi32>
          %swap3A_459 = arith.index_cast %sub3A_258 : i32 to index
          %swap3A_460 = arith.constant 112 : index
          %swap3A_461 = tpu.vector_load %arg15[%swap3A_459, %swap3A_460] {strides = array<i32>} : memref<2x128xi32, #tpu.memory_space<vmem>>, vector<1x16xi32>,
          %swap3A_462 = vector.shape_cast %swap3A_461 : vector<1x16xi32> to vector<16xi32>
          %swap3A_463 = vector.shape_cast %and3A_458 : vector<16xi32> to vector<1x16xi32>
          tpu.vector_store %arg15[%swap3A_459, %swap3A_460], %swap3A_463 {strides = array<i32>} : memref<2x128xi32, #tpu.memory_space<vmem>>, vector<1x16xi32>,
          %shift_right_logical3A_464 = arith.constant 16 : i32
          %shift_right_logical3A_465 = vector.broadcast %shift_right_logical3A_464 : i32 to vector<16xi32>
          %shift_right_logical3A_466 = arith.shrui %get3A_455, %shift_right_logical3A_465 : vector<16xi32>
          %swap3A_467 = arith.index_cast %sub3A_258 : i32 to index
          %swap3A_468 = arith.constant 112 : index
          %swap3A_469 = tpu.vector_load %arg16[%swap3A_467, %swap3A_468] {strides = array<i32>} : memref<2x128xi32, #tpu.memory_space<vmem>>, vector<1x16xi32>,
          %swap3A_470 = vector.shape_cast %swap3A_469 : vector<1x16xi32> to vector<16xi32>
          %swap3A_471 = vector.shape_cast %shift_right_logical3A_466 : vector<16xi32> to vector<1x16xi32>
          tpu.vector_store %arg16[%swap3A_467, %swap3A_468], %swap3A_471 {strides = array<i32>} : memref<2x128xi32, #tpu.memory_space<vmem>>, vector<1x16xi32>,
          %dma_start3A_472 = arith.constant 0 : i32
          %dma_start3A_473 = arith.constant 0 : i32
          %dma_start3A_474 = tpu.memref_slice %arg17[%sub3A_258, %dma_start3A_472, %dma_start3A_473] : memref<2x128x128xf32, #tpu.memory_space<vmem>> -> memref<1x128x128xf32, #tpu.memory_space<vmem>>
          %dma_start3A_475 = tpu.memref_squeeze %dma_start3A_474 : memref<1x128x128xf32, #tpu.memory_space<vmem>> -> memref<128x128xf32, #tpu.memory_space<vmem>>
          %dma_start3A_476 = arith.constant 0 : i32
          %dma_start3A_477 = tpu.memref_slice %arg15[%sub3A_258, %dma_start3A_476] : memref<2x128xi32, #tpu.memory_space<vmem>> -> memref<1x128xi32, #tpu.memory_space<vmem>>
          %dma_start3A_478 = tpu.memref_squeeze %dma_start3A_477 : memref<1x128xi32, #tpu.memory_space<vmem>> -> memref<128xi32, #tpu.memory_space<vmem>>
          %dma_start3A_479 = arith.constant 0 : i32
          %dma_start3A_480 = arith.constant 0 : i32
          %dma_start3A_481 = tpu.memref_slice %arg3[%dma_start3A_479, %dma_start3A_480] : memref<10000x128xf32, #tpu.memory_space<hbm>> -> memref<10000x128xf32, #tpu.memory_space<hbm>>
          %dma_start3A_482 = tpu.memref_slice %arg19[%sub3A_258] : memref<2x!tpu.dma_semaphore, #tpu.memory_space<semaphore_mem>> -> memref<1x!tpu.dma_semaphore, #tpu.memory_space<semaphore_mem>>
          %dma_start3A_483 = tpu.memref_squeeze %dma_start3A_482 : memref<1x!tpu.dma_semaphore, #tpu.memory_space<semaphore_mem>> -> memref<!tpu.dma_semaphore, #tpu.memory_space<semaphore_mem>>
          tpu.enqueue_indirect_dma source(%dma_start3A_481 : memref<10000x128xf32, #tpu.memory_space<hbm>>) target(%dma_start3A_475 : memref<128x128xf32, #tpu.memory_space<vmem>>) offsets(%dma_start3A_478 : memref<128xi32, #tpu.memory_space<vmem>>) semaphore(%dma_start3A_483 : memref<!tpu.dma_semaphore, #tpu.memory_space<semaphore_mem>>)
        } else {
        }
        %dma_wait3A_268 = arith.constant 0 : i32
        %dma_wait3A_269 = arith.constant 0 : i32
        %dma_wait3A_270 = tpu.memref_slice %arg17[%rem3A_257, %dma_wait3A_268, %dma_wait3A_269] : memref<2x128x128xf32, #tpu.memory_space<vmem>> -> memref<1x128x128xf32, #tpu.memory_space<vmem>>
        %dma_wait3A_271 = tpu.memref_squeeze %dma_wait3A_270 : memref<1x128x128xf32, #tpu.memory_space<vmem>> -> memref<128x128xf32, #tpu.memory_space<vmem>>
        %dma_wait3A_272 = arith.constant 0 : i32
        %dma_wait3A_273 = tpu.memref_slice %arg15[%rem3A_257, %dma_wait3A_272] : memref<2x128xi32, #tpu.memory_space<vmem>> -> memref<1x128xi32, #tpu.memory_space<vmem>>
        %dma_wait3A_274 = tpu.memref_squeeze %dma_wait3A_273 : memref<1x128xi32, #tpu.memory_space<vmem>> -> memref<128xi32, #tpu.memory_space<vmem>>
        %dma_wait3A_275 = arith.constant 0 : i32
        %dma_wait3A_276 = arith.constant 0 : i32
        %dma_wait3A_277 = tpu.memref_slice %arg3[%dma_wait3A_275, %dma_wait3A_276] : memref<10000x128xf32, #tpu.memory_space<hbm>> -> memref<10000x128xf32, #tpu.memory_space<hbm>>
        %dma_wait3A_278 = tpu.memref_slice %arg19[%rem3A_257] : memref<2x!tpu.dma_semaphore, #tpu.memory_space<semaphore_mem>> -> memref<1x!tpu.dma_semaphore, #tpu.memory_space<semaphore_mem>>
        %dma_wait3A_279 = tpu.memref_squeeze %dma_wait3A_278 : memref<1x!tpu.dma_semaphore, #tpu.memory_space<semaphore_mem>> -> memref<!tpu.dma_semaphore, #tpu.memory_space<semaphore_mem>>
        tpu.wait_indirect_dma semaphore(%dma_wait3A_279 : memref<!tpu.dma_semaphore, #tpu.memory_space<semaphore_mem>>) src(%dma_wait3A_277 : memref<10000x128xf32, #tpu.memory_space<hbm>>) dst(%dma_wait3A_271 : memref<128x128xf32, #tpu.memory_space<vmem>>)
        %dma_start3A_280 = arith.constant 0 : i32
        %dma_start3A_281 = arith.constant 0 : i32
        %dma_start3A_282 = tpu.memref_slice %arg17[%rem3A_257, %dma_start3A_280, %dma_start3A_281] : memref<2x128x128xf32, #tpu.memory_space<vmem>> -> memref<1x128x128xf32, #tpu.memory_space<vmem>>
        %dma_start3A_283 = tpu.memref_squeeze %dma_start3A_282 : memref<1x128x128xf32, #tpu.memory_space<vmem>> -> memref<128x128xf32, #tpu.memory_space<vmem>>
        %dma_start3A_284 = arith.constant 0 : i32
        %dma_start3A_285 = tpu.memref_slice %arg16[%rem3A_257, %dma_start3A_284] : memref<2x128xi32, #tpu.memory_space<vmem>> -> memref<1x128xi32, #tpu.memory_space<vmem>>
        %dma_start3A_286 = tpu.memref_squeeze %dma_start3A_285 : memref<1x128xi32, #tpu.memory_space<vmem>> -> memref<128xi32, #tpu.memory_space<vmem>>
        %dma_start3A_287 = arith.constant 0 : i32
        %dma_start3A_288 = arith.constant 0 : i32
        %dma_start3A_289 = tpu.memref_slice %arg12[%dma_start3A_287, %dma_start3A_288] : memref<10112x128xf32, #tpu.memory_space<vmem_shared>> -> memref<10112x128xf32, #tpu.memory_space<vmem_shared>>
        tpu.enqueue_indirect_dma source(%dma_start3A_283 : memref<128x128xf32, #tpu.memory_space<vmem>>) target(%dma_start3A_289 : memref<10112x128xf32, #tpu.memory_space<vmem_shared>>) offsets(%dma_start3A_286 : memref<128xi32, #tpu.memory_space<vmem>>) semaphore(%arg20 : memref<!tpu.dma_semaphore, #tpu.memory_space<semaphore_mem>>) {add = true}
        %eq3A_290 = arith.cmpi eq, %rem3A_257, %arg0 : i32
        %convert_element_type3A_291 = arith.extui %eq3A_290 : i1 to i32
        %cond3A_292 = arith.constant 0 : i32
        %cond3A_293 = arith.cmpi ne, %convert_element_type3A_291, %cond3A_292 : i32
        scf.if %cond3A_293 {
          %dma_start3A_294 = arith.constant 0 : i32
          %dma_start3A_295 = tpu.memref_slice %arg16[%rem3A_257, %dma_start3A_294] : memref<2x128xi32, #tpu.memory_space<vmem>> -> memref<1x128xi32, #tpu.memory_space<vmem>>
          %dma_start3A_296 = tpu.memref_squeeze %dma_start3A_295 : memref<1x128xi32, #tpu.memory_space<vmem>> -> memref<128xi32, #tpu.memory_space<vmem>>
          %dma_start3A_297 = arith.constant 0 : i32
          %dma_start3A_298 = tpu.memref_slice %arg13[%dma_start3A_297] : memref<10240xf32, #tpu.memory_space<vmem_shared>> -> memref<10240xf32, #tpu.memory_space<vmem_shared>>
          tpu.enqueue_indirect_dma source(%arg18 : memref<128xf32, #tpu.memory_space<vmem>>) target(%dma_start3A_298 : memref<10240xf32, #tpu.memory_space<vmem_shared>>) offsets(%dma_start3A_296 : memref<128xi32, #tpu.memory_space<vmem>>) semaphore(%arg21 : memref<!tpu.dma_semaphore, #tpu.memory_space<semaphore_mem>>) {add = true}
        } else {
        }
      }
      %scan3A_239 = arith.constant 80 : i32
      %dma_wait3A = arith.constant 1 : i32
      %dma_wait3A_240 = arith.constant 1 : i32
      %dma_wait3A_241 = arith.constant 0 : i32
      %dma_wait3A_242 = arith.constant 0 : i32
      %dma_wait3A_243 = tpu.memref_slice %arg17[%dma_wait3A, %dma_wait3A_241, %dma_wait3A_242] : memref<2x128x128xf32, #tpu.memory_space<vmem>> -> memref<1x128x128xf32, #tpu.memory_space<vmem>>
      %dma_wait3A_244 = tpu.memref_squeeze %dma_wait3A_243 : memref<1x128x128xf32, #tpu.memory_space<vmem>> -> memref<128x128xf32, #tpu.memory_space<vmem>>
      %dma_wait3A_245 = arith.constant 0 : i32
      %dma_wait3A_246 = tpu.memref_slice %arg16[%dma_wait3A_240, %dma_wait3A_245] : memref<2x128xi32, #tpu.memory_space<vmem>> -> memref<1x128xi32, #tpu.memory_space<vmem>>
      %dma_wait3A_247 = tpu.memref_squeeze %dma_wait3A_246 : memref<1x128xi32, #tpu.memory_space<vmem>> -> memref<128xi32, #tpu.memory_space<vmem>>
      %dma_wait3A_248 = arith.constant 0 : i32
      %dma_wait3A_249 = arith.constant 0 : i32
      %dma_wait3A_250 = tpu.memref_slice %arg12[%dma_wait3A_248, %dma_wait3A_249] : memref<10112x128xf32, #tpu.memory_space<vmem_shared>> -> memref<10112x128xf32, #tpu.memory_space<vmem_shared>>
      tpu.wait_indirect_dma semaphore(%arg20 : memref<!tpu.dma_semaphore, #tpu.memory_space<semaphore_mem>>) src(%dma_wait3A_244 : memref<128x128xf32, #tpu.memory_space<vmem>>) dst(%dma_wait3A_250 : memref<10112x128xf32, #tpu.memory_space<vmem_shared>>)
      %eq3A_251 = arith.constant 1 : i32
      %eq3A_252 = arith.cmpi eq, %arg0, %eq3A_251 : i32
      %convert_element_type3A_253 = arith.extui %eq3A_252 : i1 to i32
      %cond3A_254 = arith.constant 0 : i32
      %cond3A_255 = arith.cmpi ne, %convert_element_type3A_253, %cond3A_254 : i32
      scf.if %cond3A_255 {
        %dma_wait3A_256 = arith.constant 1 : i32
        %dma_wait3A_257 = arith.constant 0 : i32
        %dma_wait3A_258 = tpu.memref_slice %arg16[%dma_wait3A_256, %dma_wait3A_257] : memref<2x128xi32, #tpu.memory_space<vmem>> -> memref<1x128xi32, #tpu.memory_space<vmem>>
        %dma_wait3A_259 = tpu.memref_squeeze %dma_wait3A_258 : memref<1x128xi32, #tpu.memory_space<vmem>> -> memref<128xi32, #tpu.memory_space<vmem>>
        %dma_wait3A_260 = arith.constant 0 : i32
        %dma_wait3A_261 = tpu.memref_slice %arg13[%dma_wait3A_260] : memref<10240xf32, #tpu.memory_space<vmem_shared>> -> memref<10240xf32, #tpu.memory_space<vmem_shared>>
        tpu.wait_indirect_dma semaphore(%arg21 : memref<!tpu.dma_semaphore, #tpu.memory_space<semaphore_mem>>) src(%arg18 : memref<128xf32, #tpu.memory_space<vmem>>) dst(%dma_wait3A_261 : memref<10240xf32, #tpu.memory_space<vmem_shared>>)
      } else {
      }
    } else {
    }
    %barrier3A_10 = arith.constant 0 : index
    tpu.barrier barrier_id(%barrier3A_10)
    %mul3A_11 = arith.constant 632 : i32
    %mul3A_12 = arith.muli %arg1, %mul3A_11 : i32
    %mul3A_13 = arith.constant 640 : i32
    %mul3A_14 = arith.muli %arg1, %mul3A_13 : i32
    %eq3A_15 = arith.constant 0 : i32
    %eq3A_16 = arith.cmpi eq, %arg0, %eq3A_15 : i32
    %convert_element_type3A_17 = arith.extui %eq3A_16 : i1 to i32
    %cond3A_18 = arith.constant 0 : i32
    %cond3A_19 = arith.cmpi ne, %convert_element_type3A_17, %cond3A_18 : i32
    scf.if %cond3A_19 {
      "tpu.region"() ({
        %run_scoped3A = tpu.sem_alloc : memref<!tpu.dma_semaphore, #tpu.memory_space<semaphore_mem>>
        %dma_start3A = arith.constant 0 : i32
        %dma_start3A_25 = tpu.memref_slice %arg8[%mul3A_12, %dma_start3A] : memref<10112x128xf32, #tpu.memory_space<hbm>> -> memref<632x128xf32, #tpu.memory_space<hbm>>
        %dma_start3A_26 = arith.constant 0 : i32
        %dma_start3A_27 = tpu.memref_slice %arg12[%mul3A_12, %dma_start3A_26] : memref<10112x128xf32, #tpu.memory_space<vmem_shared>> -> memref<632x128xf32, #tpu.memory_space<vmem_shared>>
        tpu.enqueue_dma source(%dma_start3A_27 : memref<632x128xf32, #tpu.memory_space<vmem_shared>>) target(%dma_start3A_25 : memref<632x128xf32, #tpu.memory_space<hbm>>) target_semaphore(%run_scoped3A : memref<!tpu.dma_semaphore, #tpu.memory_space<semaphore_mem>>)
        %dma_wait3A = arith.constant 0 : i32
        %dma_wait3A_28 = tpu.memref_slice %arg8[%mul3A_12, %dma_wait3A] : memref<10112x128xf32, #tpu.memory_space<hbm>> -> memref<632x128xf32, #tpu.memory_space<hbm>>
        %dma_wait3A_29 = arith.constant 0 : i32
        %dma_wait3A_30 = tpu.memref_slice %arg12[%mul3A_12, %dma_wait3A_29] : memref<10112x128xf32, #tpu.memory_space<vmem_shared>> -> memref<632x128xf32, #tpu.memory_space<vmem_shared>>
        tpu.wait_dma2 semaphore(%run_scoped3A : memref<!tpu.dma_semaphore, #tpu.memory_space<semaphore_mem>>) src(%dma_wait3A_30 : memref<632x128xf32, #tpu.memory_space<vmem_shared>>) dst(%dma_wait3A_28 : memref<632x128xf32, #tpu.memory_space<hbm>>)
        tpu.yield
      }) : () -> ()
      "tpu.region"() ({
        %run_scoped3A = tpu.sem_alloc : memref<!tpu.dma_semaphore, #tpu.memory_space<semaphore_mem>>
        %dma_start3A = tpu.memref_slice %arg10[%mul3A_14] : memref<10240xf32, #tpu.memory_space<hbm>> -> memref<640xf32, #tpu.memory_space<hbm>>
        %dma_start3A_25 = tpu.memref_slice %arg13[%mul3A_14] : memref<10240xf32, #tpu.memory_space<vmem_shared>> -> memref<640xf32, #tpu.memory_space<vmem_shared>>
        tpu.enqueue_dma source(%dma_start3A_25 : memref<640xf32, #tpu.memory_space<vmem_shared>>) target(%dma_start3A : memref<640xf32, #tpu.memory_space<hbm>>) target_semaphore(%run_scoped3A : memref<!tpu.dma_semaphore, #tpu.memory_space<semaphore_mem>>)
        %dma_wait3A = tpu.memref_slice %arg10[%mul3A_14] : memref<10240xf32, #tpu.memory_space<hbm>> -> memref<640xf32, #tpu.memory_space<hbm>>
        %dma_wait3A_26 = tpu.memref_slice %arg13[%mul3A_14] : memref<10240xf32, #tpu.memory_space<vmem_shared>> -> memref<640xf32, #tpu.memory_space<vmem_shared>>
        tpu.wait_dma2 semaphore(%run_scoped3A : memref<!tpu.dma_semaphore, #tpu.memory_space<semaphore_mem>>) src(%dma_wait3A_26 : memref<640xf32, #tpu.memory_space<vmem_shared>>) dst(%dma_wait3A : memref<640xf32, #tpu.memory_space<hbm>>)
        tpu.yield
      }) : () -> ()
    } else {
    }
    %eq3A_20 = arith.constant 1 : i32
    %eq3A_21 = arith.cmpi eq, %arg0, %eq3A_20 : i32
    %convert_element_type3A_22 = arith.extui %eq3A_21 : i1 to i32
    %cond3A_23 = arith.constant 0 : i32
    %cond3A_24 = arith.cmpi ne, %convert_element_type3A_22, %cond3A_23 : i32
    scf.if %cond3A_24 {
      "tpu.region"() ({
        %run_scoped3A = tpu.sem_alloc : memref<!tpu.dma_semaphore, #tpu.memory_space<semaphore_mem>>
        %dma_start3A = arith.constant 0 : i32
        %dma_start3A_25 = tpu.memref_slice %arg9[%mul3A_12, %dma_start3A] : memref<10112x128xf32, #tpu.memory_space<hbm>> -> memref<632x128xf32, #tpu.memory_space<hbm>>
        %dma_start3A_26 = arith.constant 0 : i32
        %dma_start3A_27 = tpu.memref_slice %arg12[%mul3A_12, %dma_start3A_26] : memref<10112x128xf32, #tpu.memory_space<vmem_shared>> -> memref<632x128xf32, #tpu.memory_space<vmem_shared>>
        tpu.enqueue_dma source(%dma_start3A_27 : memref<632x128xf32, #tpu.memory_space<vmem_shared>>) target(%dma_start3A_25 : memref<632x128xf32, #tpu.memory_space<hbm>>) target_semaphore(%run_scoped3A : memref<!tpu.dma_semaphore, #tpu.memory_space<semaphore_mem>>)
        %dma_wait3A = arith.constant 0 : i32
        %dma_wait3A_28 = tpu.memref_slice %arg9[%mul3A_12, %dma_wait3A] : memref<10112x128xf32, #tpu.memory_space<hbm>> -> memref<632x128xf32, #tpu.memory_space<hbm>>
        %dma_wait3A_29 = arith.constant 0 : i32
        %dma_wait3A_30 = tpu.memref_slice %arg12[%mul3A_12, %dma_wait3A_29] : memref<10112x128xf32, #tpu.memory_space<vmem_shared>> -> memref<632x128xf32, #tpu.memory_space<vmem_shared>>
        tpu.wait_dma2 semaphore(%run_scoped3A : memref<!tpu.dma_semaphore, #tpu.memory_space<semaphore_mem>>) src(%dma_wait3A_30 : memref<632x128xf32, #tpu.memory_space<vmem_shared>>) dst(%dma_wait3A_28 : memref<632x128xf32, #tpu.memory_space<hbm>>)
        tpu.yield
      }) : () -> ()
      "tpu.region"() ({
        %run_scoped3A = tpu.sem_alloc : memref<!tpu.dma_semaphore, #tpu.memory_space<semaphore_mem>>
        %dma_start3A = tpu.memref_slice %arg11[%mul3A_14] : memref<10240xf32, #tpu.memory_space<hbm>> -> memref<640xf32, #tpu.memory_space<hbm>>
        %dma_start3A_25 = tpu.memref_slice %arg13[%mul3A_14] : memref<10240xf32, #tpu.memory_space<vmem_shared>> -> memref<640xf32, #tpu.memory_space<vmem_shared>>
        tpu.enqueue_dma source(%dma_start3A_25 : memref<640xf32, #tpu.memory_space<vmem_shared>>) target(%dma_start3A : memref<640xf32, #tpu.memory_space<hbm>>) target_semaphore(%run_scoped3A : memref<!tpu.dma_semaphore, #tpu.memory_space<semaphore_mem>>)
        %dma_wait3A = tpu.memref_slice %arg11[%mul3A_14] : memref<10240xf32, #tpu.memory_space<hbm>> -> memref<640xf32, #tpu.memory_space<hbm>>
        %dma_wait3A_26 = tpu.memref_slice %arg13[%mul3A_14] : memref<10240xf32, #tpu.memory_space<vmem_shared>> -> memref<640xf32, #tpu.memory_space<vmem_shared>>
        tpu.wait_dma2 semaphore(%run_scoped3A : memref<!tpu.dma_semaphore, #tpu.memory_space<semaphore_mem>>) src(%dma_wait3A_26 : memref<640xf32, #tpu.memory_space<vmem_shared>>) dst(%dma_wait3A : memref<640xf32, #tpu.memory_space<hbm>>)
        tpu.yield
      }) : () -> ()
    } else {
    }
    return
  }
}

#map = affine_map<(d0, d1) -> (0, 0)>
#map1 = affine_map<(d0, d1) -> (0, 0, 0)>
#map2 = affine_map<(d0, d1) -> (0)>
module attributes {stable_mosaic.version = 14 : i64} {
  func.func @sage_segment_sum(%arg0: i32, %arg1: i32, %arg2: memref<10000x128xf32, #tpu.memory_space<hbm>>, %arg3: memref<10000x128xf32, #tpu.memory_space<hbm>>, %arg4: memref<16x80x128xi32, #tpu.memory_space<hbm>>, %arg5: memref<632x128xf32, #tpu.memory_space<hbm>>, %arg6: memref<640xf32, #tpu.memory_space<hbm>>, %arg7: memref<128xf32, #tpu.memory_space<hbm>>, %arg8: memref<10112x128xf32, #tpu.memory_space<hbm>>, %arg9: memref<10112x128xf32, #tpu.memory_space<hbm>>, %arg10: memref<10240xf32, #tpu.memory_space<hbm>>, %arg11: memref<10240xf32, #tpu.memory_space<hbm>>, %arg12: memref<10112x128xf32, #tpu.memory_space<vmem_shared>>, %arg13: memref<10240xf32, #tpu.memory_space<vmem_shared>>, %arg14: memref<80x128xi32, #tpu.memory_space<vmem>>, %arg15: memref<2x128xi32, #tpu.memory_space<vmem>>, %arg16: memref<2x128xi32, #tpu.memory_space<vmem>>, %arg17: memref<2x128x128xf32, #tpu.memory_space<vmem>>, %arg18: memref<128xf32, #tpu.memory_space<vmem>>, %arg19: memref<2x!tpu.dma_semaphore, #tpu.memory_space<semaphore_mem>>, %arg20: memref<!tpu.dma_semaphore, #tpu.memory_space<semaphore_mem>>, %arg21: memref<!tpu.dma_semaphore, #tpu.memory_space<semaphore_mem>>) attributes {dimension_semantics = [#tpu.dimension_semantics<core_parallel>, #tpu.dimension_semantics<subcore_parallel>], iteration_bounds = array<i64: 2, 16>, scalar_prefetch = 0 : i64, scratch_operands = 10 : i64, tpu.core_type = #tpu.core_type<sc_vector_subcore>, window_params = [{transform_indices = #map}, {transform_indices = #map}, {transform_indices = #map1}, {transform_indices = #map}, {transform_indices = #map2}, {transform_indices = #map2}, {transform_indices = #map}, {transform_indices = #map}, {transform_indices = #map2}, {transform_indices = #map2}]} {
    "tpu.region"() ({
      %run_scoped3A = tpu.sem_alloc : memref<!tpu.dma_semaphore, #tpu.memory_space<semaphore_mem>>
      %dma_start3A = arith.constant 0 : i32
      %dma_start3A_23 = arith.constant 0 : i32
      %dma_start3A_24 = tpu.memref_slice %arg4[%arg1, %dma_start3A, %dma_start3A_23] : memref<16x80x128xi32, #tpu.memory_space<hbm>> -> memref<1x80x128xi32, #tpu.memory_space<hbm>>
      %dma_start3A_25 = tpu.memref_squeeze %dma_start3A_24 : memref<1x80x128xi32, #tpu.memory_space<hbm>> -> memref<80x128xi32, #tpu.memory_space<hbm>>
      %dma_start3A_26 = arith.constant 0 : i32
      %dma_start3A_27 = arith.constant 0 : i32
      %dma_start3A_28 = tpu.memref_slice %arg4[%arg1, %dma_start3A_26, %dma_start3A_27] : memref<16x80x128xi32, #tpu.memory_space<hbm>> -> memref<1x80x128xi32, #tpu.memory_space<hbm>>
      %dma_start3A_29 = tpu.memref_squeeze %dma_start3A_28 : memref<1x80x128xi32, #tpu.memory_space<hbm>> -> memref<80x128xi32, #tpu.memory_space<hbm>>
      tpu.enqueue_dma source(%dma_start3A_29 : memref<80x128xi32, #tpu.memory_space<hbm>>) target(%arg14 : memref<80x128xi32, #tpu.memory_space<vmem>>) target_semaphore(%run_scoped3A : memref<!tpu.dma_semaphore, #tpu.memory_space<semaphore_mem>>)
      %dma_wait3A = arith.constant 0 : i32
      %dma_wait3A_30 = arith.constant 0 : i32
      %dma_wait3A_31 = tpu.memref_slice %arg4[%arg1, %dma_wait3A, %dma_wait3A_30] : memref<16x80x128xi32, #tpu.memory_space<hbm>> -> memref<1x80x128xi32, #tpu.memory_space<hbm>>
      %dma_wait3A_32 = tpu.memref_squeeze %dma_wait3A_31 : memref<1x80x128xi32, #tpu.memory_space<hbm>> -> memref<80x128xi32, #tpu.memory_space<hbm>>
      %dma_wait3A_33 = arith.constant 0 : i32
      %dma_wait3A_34 = arith.constant 0 : i32
      %dma_wait3A_35 = tpu.memref_slice %arg4[%arg1, %dma_wait3A_33, %dma_wait3A_34] : memref<16x80x128xi32, #tpu.memory_space<hbm>> -> memref<1x80x128xi32, #tpu.memory_space<hbm>>
      %dma_wait3A_36 = tpu.memref_squeeze %dma_wait3A_35 : memref<1x80x128xi32, #tpu.memory_space<hbm>> -> memref<80x128xi32, #tpu.memory_space<hbm>>
      tpu.wait_dma2 semaphore(%run_scoped3A : memref<!tpu.dma_semaphore, #tpu.memory_space<semaphore_mem>>) src(%dma_wait3A_36 : memref<80x128xi32, #tpu.memory_space<hbm>>) dst(%arg14 : memref<80x128xi32, #tpu.memory_space<vmem>>)
      tpu.yield
    }) : () -> ()
    %mul3A = arith.constant 632 : i32
    %mul3A_0 = arith.muli %arg1, %mul3A : i32
    "tpu.region"() ({
      %run_scoped3A = tpu.sem_alloc : memref<!tpu.dma_semaphore, #tpu.memory_space<semaphore_mem>>
      %dma_start3A = arith.constant 0 : i32
      %dma_start3A_23 = tpu.memref_slice %arg12[%mul3A_0, %dma_start3A] : memref<10112x128xf32, #tpu.memory_space<vmem_shared>> -> memref<632x128xf32, #tpu.memory_space<vmem_shared>>
      tpu.enqueue_dma source(%arg5 : memref<632x128xf32, #tpu.memory_space<hbm>>) target(%dma_start3A_23 : memref<632x128xf32, #tpu.memory_space<vmem_shared>>) target_semaphore(%run_scoped3A : memref<!tpu.dma_semaphore, #tpu.memory_space<semaphore_mem>>)
      %dma_wait3A = arith.constant 0 : i32
      %dma_wait3A_24 = tpu.memref_slice %arg12[%mul3A_0, %dma_wait3A] : memref<10112x128xf32, #tpu.memory_space<vmem_shared>> -> memref<632x128xf32, #tpu.memory_space<vmem_shared>>
      tpu.wait_dma2 semaphore(%run_scoped3A : memref<!tpu.dma_semaphore, #tpu.memory_space<semaphore_mem>>) src(%arg5 : memref<632x128xf32, #tpu.memory_space<hbm>>) dst(%dma_wait3A_24 : memref<632x128xf32, #tpu.memory_space<vmem_shared>>)
      tpu.yield
    }) : () -> ()
    %barrier3A = arith.constant 0 : index
    tpu.barrier barrier_id(%barrier3A)
    %eq3A = arith.constant 0 : i32
    %eq3A_1 = arith.cmpi eq, %arg0, %eq3A : i32
    %convert_element_type3A = arith.extui %eq3A_1 : i1 to i32
    %cond3A = arith.constant 0 : i32
    %cond3A_2 = arith.cmpi ne, %convert_element_type3A, %cond3A : i32
    scf.if %cond3A_2 {
      %get3A = arith.constant 0 : i32
      %get3A_23 = arith.constant 0 : i32
      %get3A_24 = tpu.memref_slice %arg14[%get3A, %get3A_23] : memref<80x128xi32, #tpu.memory_space<vmem>> -> memref<1x128xi32, #tpu.memory_space<vmem>>
      %get3A_25 = tpu.memref_squeeze %get3A_24 : memref<1x128xi32, #tpu.memory_space<vmem>> -> memref<128xi32, #tpu.memory_space<vmem>>
      %get3A_26 = arith.constant 0 : index
      %get3A_27 = tpu.vector_load %get3A_25[%get3A_26] {strides = array<i32>} : memref<128xi32, #tpu.memory_space<vmem>>, vector<16xi32>,
      %get3A_28 = vector.shape_cast %get3A_27 : vector<16xi32> to vector<16xi32>
      %and3A = arith.constant 65535 : i32
      %and3A_29 = vector.broadcast %and3A : i32 to vector<16xi32>
      %and3A_30 = arith.andi %get3A_28, %and3A_29 : vector<16xi32>
      %swap3A = arith.constant 0 : i32
      %swap3A_31 = arith.index_cast %swap3A : i32 to index
      %swap3A_32 = arith.constant 0 : index
      %swap3A_33 = tpu.vector_load %arg15[%swap3A_31, %swap3A_32] {strides = array<i32>} : memref<2x128xi32, #tpu.memory_space<vmem>>, vector<1x16xi32>,
      %swap3A_34 = vector.shape_cast %swap3A_33 : vector<1x16xi32> to vector<16xi32>
      %swap3A_35 = vector.shape_cast %and3A_30 : vector<16xi32> to vector<1x16xi32>
      tpu.vector_store %arg15[%swap3A_31, %swap3A_32], %swap3A_35 {strides = array<i32>} : memref<2x128xi32, #tpu.memory_space<vmem>>, vector<1x16xi32>,
      %shift_right_logical3A = arith.constant 16 : i32
      %shift_right_logical3A_36 = vector.broadcast %shift_right_logical3A : i32 to vector<16xi32>
      %shift_right_logical3A_37 = arith.shrui %get3A_28, %shift_right_logical3A_36 : vector<16xi32>
      %swap3A_38 = arith.constant 0 : i32
      %swap3A_39 = arith.index_cast %swap3A_38 : i32 to index
      %swap3A_40 = arith.constant 0 : index
      %swap3A_41 = tpu.vector_load %arg16[%swap3A_39, %swap3A_40] {strides = array<i32>} : memref<2x128xi32, #tpu.memory_space<vmem>>, vector<1x16xi32>,
      %swap3A_42 = vector.shape_cast %swap3A_41 : vector<1x16xi32> to vector<16xi32>
      %swap3A_43 = vector.shape_cast %shift_right_logical3A_37 : vector<16xi32> to vector<1x16xi32>
      tpu.vector_store %arg16[%swap3A_39, %swap3A_40], %swap3A_43 {strides = array<i32>} : memref<2x128xi32, #tpu.memory_space<vmem>>, vector<1x16xi32>,
      %get3A_44 = arith.constant 0 : i32
      %get3A_45 = arith.constant 0 : i32
      %get3A_46 = tpu.memref_slice %arg14[%get3A_44, %get3A_45] : memref<80x128xi32, #tpu.memory_space<vmem>> -> memref<1x128xi32, #tpu.memory_space<vmem>>
      %get3A_47 = tpu.memref_squeeze %get3A_46 : memref<1x128xi32, #tpu.memory_space<vmem>> -> memref<128xi32, #tpu.memory_space<vmem>>
      %get3A_48 = arith.constant 16 : index
      %get3A_49 = tpu.vector_load %get3A_47[%get3A_48] {strides = array<i32>} : memref<128xi32, #tpu.memory_space<vmem>>, vector<16xi32>,
      %get3A_50 = vector.shape_cast %get3A_49 : vector<16xi32> to vector<16xi32>
      %and3A_51 = arith.constant 65535 : i32
      %and3A_52 = vector.broadcast %and3A_51 : i32 to vector<16xi32>
      %and3A_53 = arith.andi %get3A_50, %and3A_52 : vector<16xi32>
      %swap3A_54 = arith.constant 0 : i32
      %swap3A_55 = arith.index_cast %swap3A_54 : i32 to index
      %swap3A_56 = arith.constant 16 : index
      %swap3A_57 = tpu.vector_load %arg15[%swap3A_55, %swap3A_56] {strides = array<i32>} : memref<2x128xi32, #tpu.memory_space<vmem>>, vector<1x16xi32>,
      %swap3A_58 = vector.shape_cast %swap3A_57 : vector<1x16xi32> to vector<16xi32>
      %swap3A_59 = vector.shape_cast %and3A_53 : vector<16xi32> to vector<1x16xi32>
      tpu.vector_store %arg15[%swap3A_55, %swap3A_56], %swap3A_59 {strides = array<i32>} : memref<2x128xi32, #tpu.memory_space<vmem>>, vector<1x16xi32>,
      %shift_right_logical3A_60 = arith.constant 16 : i32
      %shift_right_logical3A_61 = vector.broadcast %shift_right_logical3A_60 : i32 to vector<16xi32>
      %shift_right_logical3A_62 = arith.shrui %get3A_50, %shift_right_logical3A_61 : vector<16xi32>
      %swap3A_63 = arith.constant 0 : i32
      %swap3A_64 = arith.index_cast %swap3A_63 : i32 to index
      %swap3A_65 = arith.constant 16 : index
      %swap3A_66 = tpu.vector_load %arg16[%swap3A_64, %swap3A_65] {strides = array<i32>} : memref<2x128xi32, #tpu.memory_space<vmem>>, vector<1x16xi32>,
      %swap3A_67 = vector.shape_cast %swap3A_66 : vector<1x16xi32> to vector<16xi32>
      %swap3A_68 = vector.shape_cast %shift_right_logical3A_62 : vector<16xi32> to vector<1x16xi32>
      tpu.vector_store %arg16[%swap3A_64, %swap3A_65], %swap3A_68 {strides = array<i32>} : memref<2x128xi32, #tpu.memory_space<vmem>>, vector<1x16xi32>,
      %get3A_69 = arith.constant 0 : i32
      %get3A_70 = arith.constant 0 : i32
      %get3A_71 = tpu.memref_slice %arg14[%get3A_69, %get3A_70] : memref<80x128xi32, #tpu.memory_space<vmem>> -> memref<1x128xi32, #tpu.memory_space<vmem>>
      %get3A_72 = tpu.memref_squeeze %get3A_71 : memref<1x128xi32, #tpu.memory_space<vmem>> -> memref<128xi32, #tpu.memory_space<vmem>>
      %get3A_73 = arith.constant 32 : index
      %get3A_74 = tpu.vector_load %get3A_72[%get3A_73] {strides = array<i32>} : memref<128xi32, #tpu.memory_space<vmem>>, vector<16xi32>,
      %get3A_75 = vector.shape_cast %get3A_74 : vector<16xi32> to vector<16xi32>
      %and3A_76 = arith.constant 65535 : i32
      %and3A_77 = vector.broadcast %and3A_76 : i32 to vector<16xi32>
      %and3A_78 = arith.andi %get3A_75, %and3A_77 : vector<16xi32>
      %swap3A_79 = arith.constant 0 : i32
      %swap3A_80 = arith.index_cast %swap3A_79 : i32 to index
      %swap3A_81 = arith.constant 32 : index
      %swap3A_82 = tpu.vector_load %arg15[%swap3A_80, %swap3A_81] {strides = array<i32>} : memref<2x128xi32, #tpu.memory_space<vmem>>, vector<1x16xi32>,
      %swap3A_83 = vector.shape_cast %swap3A_82 : vector<1x16xi32> to vector<16xi32>
      %swap3A_84 = vector.shape_cast %and3A_78 : vector<16xi32> to vector<1x16xi32>
      tpu.vector_store %arg15[%swap3A_80, %swap3A_81], %swap3A_84 {strides = array<i32>} : memref<2x128xi32, #tpu.memory_space<vmem>>, vector<1x16xi32>,
      %shift_right_logical3A_85 = arith.constant 16 : i32
      %shift_right_logical3A_86 = vector.broadcast %shift_right_logical3A_85 : i32 to vector<16xi32>
      %shift_right_logical3A_87 = arith.shrui %get3A_75, %shift_right_logical3A_86 : vector<16xi32>
      %swap3A_88 = arith.constant 0 : i32
      %swap3A_89 = arith.index_cast %swap3A_88 : i32 to index
      %swap3A_90 = arith.constant 32 : index
      %swap3A_91 = tpu.vector_load %arg16[%swap3A_89, %swap3A_90] {strides = array<i32>} : memref<2x128xi32, #tpu.memory_space<vmem>>, vector<1x16xi32>,
      %swap3A_92 = vector.shape_cast %swap3A_91 : vector<1x16xi32> to vector<16xi32>
      %swap3A_93 = vector.shape_cast %shift_right_logical3A_87 : vector<16xi32> to vector<1x16xi32>
      tpu.vector_store %arg16[%swap3A_89, %swap3A_90], %swap3A_93 {strides = array<i32>} : memref<2x128xi32, #tpu.memory_space<vmem>>, vector<1x16xi32>,
      %get3A_94 = arith.constant 0 : i32
      %get3A_95 = arith.constant 0 : i32
      %get3A_96 = tpu.memref_slice %arg14[%get3A_94, %get3A_95] : memref<80x128xi32, #tpu.memory_space<vmem>> -> memref<1x128xi32, #tpu.memory_space<vmem>>
      %get3A_97 = tpu.memref_squeeze %get3A_96 : memref<1x128xi32, #tpu.memory_space<vmem>> -> memref<128xi32, #tpu.memory_space<vmem>>
      %get3A_98 = arith.constant 48 : index
      %get3A_99 = tpu.vector_load %get3A_97[%get3A_98] {strides = array<i32>} : memref<128xi32, #tpu.memory_space<vmem>>, vector<16xi32>,
      %get3A_100 = vector.shape_cast %get3A_99 : vector<16xi32> to vector<16xi32>
      %and3A_101 = arith.constant 65535 : i32
      %and3A_102 = vector.broadcast %and3A_101 : i32 to vector<16xi32>
      %and3A_103 = arith.andi %get3A_100, %and3A_102 : vector<16xi32>
      %swap3A_104 = arith.constant 0 : i32
      %swap3A_105 = arith.index_cast %swap3A_104 : i32 to index
      %swap3A_106 = arith.constant 48 : index
      %swap3A_107 = tpu.vector_load %arg15[%swap3A_105, %swap3A_106] {strides = array<i32>} : memref<2x128xi32, #tpu.memory_space<vmem>>, vector<1x16xi32>,
      %swap3A_108 = vector.shape_cast %swap3A_107 : vector<1x16xi32> to vector<16xi32>
      %swap3A_109 = vector.shape_cast %and3A_103 : vector<16xi32> to vector<1x16xi32>
      tpu.vector_store %arg15[%swap3A_105, %swap3A_106], %swap3A_109 {strides = array<i32>} : memref<2x128xi32, #tpu.memory_space<vmem>>, vector<1x16xi32>,
      %shift_right_logical3A_110 = arith.constant 16 : i32
      %shift_right_logical3A_111 = vector.broadcast %shift_right_logical3A_110 : i32 to vector<16xi32>
      %shift_right_logical3A_112 = arith.shrui %get3A_100, %shift_right_logical3A_111 : vector<16xi32>
      %swap3A_113 = arith.constant 0 : i32
      %swap3A_114 = arith.index_cast %swap3A_113 : i32 to index
      %swap3A_115 = arith.constant 48 : index
      %swap3A_116 = tpu.vector_load %arg16[%swap3A_114, %swap3A_115] {strides = array<i32>} : memref<2x128xi32, #tpu.memory_space<vmem>>, vector<1x16xi32>,
      %swap3A_117 = vector.shape_cast %swap3A_116 : vector<1x16xi32> to vector<16xi32>
      %swap3A_118 = vector.shape_cast %shift_right_logical3A_112 : vector<16xi32> to vector<1x16xi32>
      tpu.vector_store %arg16[%swap3A_114, %swap3A_115], %swap3A_118 {strides = array<i32>} : memref<2x128xi32, #tpu.memory_space<vmem>>, vector<1x16xi32>,
      %get3A_119 = arith.constant 0 : i32
      %get3A_120 = arith.constant 0 : i32
      %get3A_121 = tpu.memref_slice %arg14[%get3A_119, %get3A_120] : memref<80x128xi32, #tpu.memory_space<vmem>> -> memref<1x128xi32, #tpu.memory_space<vmem>>
      %get3A_122 = tpu.memref_squeeze %get3A_121 : memref<1x128xi32, #tpu.memory_space<vmem>> -> memref<128xi32, #tpu.memory_space<vmem>>
      %get3A_123 = arith.constant 64 : index
      %get3A_124 = tpu.vector_load %get3A_122[%get3A_123] {strides = array<i32>} : memref<128xi32, #tpu.memory_space<vmem>>, vector<16xi32>,
      %get3A_125 = vector.shape_cast %get3A_124 : vector<16xi32> to vector<16xi32>
      %and3A_126 = arith.constant 65535 : i32
      %and3A_127 = vector.broadcast %and3A_126 : i32 to vector<16xi32>
      %and3A_128 = arith.andi %get3A_125, %and3A_127 : vector<16xi32>
      %swap3A_129 = arith.constant 0 : i32
      %swap3A_130 = arith.index_cast %swap3A_129 : i32 to index
      %swap3A_131 = arith.constant 64 : index
      %swap3A_132 = tpu.vector_load %arg15[%swap3A_130, %swap3A_131] {strides = array<i32>} : memref<2x128xi32, #tpu.memory_space<vmem>>, vector<1x16xi32>,
      %swap3A_133 = vector.shape_cast %swap3A_132 : vector<1x16xi32> to vector<16xi32>
      %swap3A_134 = vector.shape_cast %and3A_128 : vector<16xi32> to vector<1x16xi32>
      tpu.vector_store %arg15[%swap3A_130, %swap3A_131], %swap3A_134 {strides = array<i32>} : memref<2x128xi32, #tpu.memory_space<vmem>>, vector<1x16xi32>,
      %shift_right_logical3A_135 = arith.constant 16 : i32
      %shift_right_logical3A_136 = vector.broadcast %shift_right_logical3A_135 : i32 to vector<16xi32>
      %shift_right_logical3A_137 = arith.shrui %get3A_125, %shift_right_logical3A_136 : vector<16xi32>
      %swap3A_138 = arith.constant 0 : i32
      %swap3A_139 = arith.index_cast %swap3A_138 : i32 to index
      %swap3A_140 = arith.constant 64 : index
      %swap3A_141 = tpu.vector_load %arg16[%swap3A_139, %swap3A_140] {strides = array<i32>} : memref<2x128xi32, #tpu.memory_space<vmem>>, vector<1x16xi32>,
      %swap3A_142 = vector.shape_cast %swap3A_141 : vector<1x16xi32> to vector<16xi32>
      %swap3A_143 = vector.shape_cast %shift_right_logical3A_137 : vector<16xi32> to vector<1x16xi32>
      tpu.vector_store %arg16[%swap3A_139, %swap3A_140], %swap3A_143 {strides = array<i32>} : memref<2x128xi32, #tpu.memory_space<vmem>>, vector<1x16xi32>,
      %get3A_144 = arith.constant 0 : i32
      %get3A_145 = arith.constant 0 : i32
      %get3A_146 = tpu.memref_slice %arg14[%get3A_144, %get3A_145] : memref<80x128xi32, #tpu.memory_space<vmem>> -> memref<1x128xi32, #tpu.memory_space<vmem>>
      %get3A_147 = tpu.memref_squeeze %get3A_146 : memref<1x128xi32, #tpu.memory_space<vmem>> -> memref<128xi32, #tpu.memory_space<vmem>>
      %get3A_148 = arith.constant 80 : index
      %get3A_149 = tpu.vector_load %get3A_147[%get3A_148] {strides = array<i32>} : memref<128xi32, #tpu.memory_space<vmem>>, vector<16xi32>,
      %get3A_150 = vector.shape_cast %get3A_149 : vector<16xi32> to vector<16xi32>
      %and3A_151 = arith.constant 65535 : i32
      %and3A_152 = vector.broadcast %and3A_151 : i32 to vector<16xi32>
      %and3A_153 = arith.andi %get3A_150, %and3A_152 : vector<16xi32>
      %swap3A_154 = arith.constant 0 : i32
      %swap3A_155 = arith.index_cast %swap3A_154 : i32 to index
      %swap3A_156 = arith.constant 80 : index
      %swap3A_157 = tpu.vector_load %arg15[%swap3A_155, %swap3A_156] {strides = array<i32>} : memref<2x128xi32, #tpu.memory_space<vmem>>, vector<1x16xi32>,
      %swap3A_158 = vector.shape_cast %swap3A_157 : vector<1x16xi32> to vector<16xi32>
      %swap3A_159 = vector.shape_cast %and3A_153 : vector<16xi32> to vector<1x16xi32>
      tpu.vector_store %arg15[%swap3A_155, %swap3A_156], %swap3A_159 {strides = array<i32>} : memref<2x128xi32, #tpu.memory_space<vmem>>, vector<1x16xi32>,
      %shift_right_logical3A_160 = arith.constant 16 : i32
      %shift_right_logical3A_161 = vector.broadcast %shift_right_logical3A_160 : i32 to vector<16xi32>
      %shift_right_logical3A_162 = arith.shrui %get3A_150, %shift_right_logical3A_161 : vector<16xi32>
      %swap3A_163 = arith.constant 0 : i32
      %swap3A_164 = arith.index_cast %swap3A_163 : i32 to index
      %swap3A_165 = arith.constant 80 : index
      %swap3A_166 = tpu.vector_load %arg16[%swap3A_164, %swap3A_165] {strides = array<i32>} : memref<2x128xi32, #tpu.memory_space<vmem>>, vector<1x16xi32>,
      %swap3A_167 = vector.shape_cast %swap3A_166 : vector<1x16xi32> to vector<16xi32>
      %swap3A_168 = vector.shape_cast %shift_right_logical3A_162 : vector<16xi32> to vector<1x16xi32>
      tpu.vector_store %arg16[%swap3A_164, %swap3A_165], %swap3A_168 {strides = array<i32>} : memref<2x128xi32, #tpu.memory_space<vmem>>, vector<1x16xi32>,
      %get3A_169 = arith.constant 0 : i32
      %get3A_170 = arith.constant 0 : i32
      %get3A_171 = tpu.memref_slice %arg14[%get3A_169, %get3A_170] : memref<80x128xi32, #tpu.memory_space<vmem>> -> memref<1x128xi32, #tpu.memory_space<vmem>>
      %get3A_172 = tpu.memref_squeeze %get3A_171 : memref<1x128xi32, #tpu.memory_space<vmem>> -> memref<128xi32, #tpu.memory_space<vmem>>
      %get3A_173 = arith.constant 96 : index
      %get3A_174 = tpu.vector_load %get3A_172[%get3A_173] {strides = array<i32>} : memref<128xi32, #tpu.memory_space<vmem>>, vector<16xi32>,
      %get3A_175 = vector.shape_cast %get3A_174 : vector<16xi32> to vector<16xi32>
      %and3A_176 = arith.constant 65535 : i32
      %and3A_177 = vector.broadcast %and3A_176 : i32 to vector<16xi32>
      %and3A_178 = arith.andi %get3A_175, %and3A_177 : vector<16xi32>
      %swap3A_179 = arith.constant 0 : i32
      %swap3A_180 = arith.index_cast %swap3A_179 : i32 to index
      %swap3A_181 = arith.constant 96 : index
      %swap3A_182 = tpu.vector_load %arg15[%swap3A_180, %swap3A_181] {strides = array<i32>} : memref<2x128xi32, #tpu.memory_space<vmem>>, vector<1x16xi32>,
      %swap3A_183 = vector.shape_cast %swap3A_182 : vector<1x16xi32> to vector<16xi32>
      %swap3A_184 = vector.shape_cast %and3A_178 : vector<16xi32> to vector<1x16xi32>
      tpu.vector_store %arg15[%swap3A_180, %swap3A_181], %swap3A_184 {strides = array<i32>} : memref<2x128xi32, #tpu.memory_space<vmem>>, vector<1x16xi32>,
      %shift_right_logical3A_185 = arith.constant 16 : i32
      %shift_right_logical3A_186 = vector.broadcast %shift_right_logical3A_185 : i32 to vector<16xi32>
      %shift_right_logical3A_187 = arith.shrui %get3A_175, %shift_right_logical3A_186 : vector<16xi32>
      %swap3A_188 = arith.constant 0 : i32
      %swap3A_189 = arith.index_cast %swap3A_188 : i32 to index
      %swap3A_190 = arith.constant 96 : index
      %swap3A_191 = tpu.vector_load %arg16[%swap3A_189, %swap3A_190] {strides = array<i32>} : memref<2x128xi32, #tpu.memory_space<vmem>>, vector<1x16xi32>,
      %swap3A_192 = vector.shape_cast %swap3A_191 : vector<1x16xi32> to vector<16xi32>
      %swap3A_193 = vector.shape_cast %shift_right_logical3A_187 : vector<16xi32> to vector<1x16xi32>
      tpu.vector_store %arg16[%swap3A_189, %swap3A_190], %swap3A_193 {strides = array<i32>} : memref<2x128xi32, #tpu.memory_space<vmem>>, vector<1x16xi32>,
      %get3A_194 = arith.constant 0 : i32
      %get3A_195 = arith.constant 0 : i32
      %get3A_196 = tpu.memref_slice %arg14[%get3A_194, %get3A_195] : memref<80x128xi32, #tpu.memory_space<vmem>> -> memref<1x128xi32, #tpu.memory_space<vmem>>
      %get3A_197 = tpu.memref_squeeze %get3A_196 : memref<1x128xi32, #tpu.memory_space<vmem>> -> memref<128xi32, #tpu.memory_space<vmem>>
      %get3A_198 = arith.constant 112 : index
      %get3A_199 = tpu.vector_load %get3A_197[%get3A_198] {strides = array<i32>} : memref<128xi32, #tpu.memory_space<vmem>>, vector<16xi32>,
      %get3A_200 = vector.shape_cast %get3A_199 : vector<16xi32> to vector<16xi32>
      %and3A_201 = arith.constant 65535 : i32
      %and3A_202 = vector.broadcast %and3A_201 : i32 to vector<16xi32>
      %and3A_203 = arith.andi %get3A_200, %and3A_202 : vector<16xi32>
      %swap3A_204 = arith.constant 0 : i32
      %swap3A_205 = arith.index_cast %swap3A_204 : i32 to index
      %swap3A_206 = arith.constant 112 : index
      %swap3A_207 = tpu.vector_load %arg15[%swap3A_205, %swap3A_206] {strides = array<i32>} : memref<2x128xi32, #tpu.memory_space<vmem>>, vector<1x16xi32>,
      %swap3A_208 = vector.shape_cast %swap3A_207 : vector<1x16xi32> to vector<16xi32>
      %swap3A_209 = vector.shape_cast %and3A_203 : vector<16xi32> to vector<1x16xi32>
      tpu.vector_store %arg15[%swap3A_205, %swap3A_206], %swap3A_209 {strides = array<i32>} : memref<2x128xi32, #tpu.memory_space<vmem>>, vector<1x16xi32>,
      %shift_right_logical3A_210 = arith.constant 16 : i32
      %shift_right_logical3A_211 = vector.broadcast %shift_right_logical3A_210 : i32 to vector<16xi32>
      %shift_right_logical3A_212 = arith.shrui %get3A_200, %shift_right_logical3A_211 : vector<16xi32>
      %swap3A_213 = arith.constant 0 : i32
      %swap3A_214 = arith.index_cast %swap3A_213 : i32 to index
      %swap3A_215 = arith.constant 112 : index
      %swap3A_216 = tpu.vector_load %arg16[%swap3A_214, %swap3A_215] {strides = array<i32>} : memref<2x128xi32, #tpu.memory_space<vmem>>, vector<1x16xi32>,
      %swap3A_217 = vector.shape_cast %swap3A_216 : vector<1x16xi32> to vector<16xi32>
      %swap3A_218 = vector.shape_cast %shift_right_logical3A_212 : vector<16xi32> to vector<1x16xi32>
      tpu.vector_store %arg16[%swap3A_214, %swap3A_215], %swap3A_218 {strides = array<i32>} : memref<2x128xi32, #tpu.memory_space<vmem>>, vector<1x16xi32>,
      %dma_start3A = arith.constant 0 : i32
      %dma_start3A_219 = arith.constant 0 : i32
      %dma_start3A_220 = arith.constant 0 : i32
      %dma_start3A_221 = arith.constant 0 : i32
      %dma_start3A_222 = arith.constant 0 : i32
      %dma_start3A_223 = tpu.memref_slice %arg17[%dma_start3A_219, %dma_start3A_221, %dma_start3A_222] : memref<2x128x128xf32, #tpu.memory_space<vmem>> -> memref<1x128x128xf32, #tpu.memory_space<vmem>>
      %dma_start3A_224 = tpu.memref_squeeze %dma_start3A_223 : memref<1x128x128xf32, #tpu.memory_space<vmem>> -> memref<128x128xf32, #tpu.memory_space<vmem>>
      %dma_start3A_225 = arith.constant 0 : i32
      %dma_start3A_226 = tpu.memref_slice %arg15[%dma_start3A, %dma_start3A_225] : memref<2x128xi32, #tpu.memory_space<vmem>> -> memref<1x128xi32, #tpu.memory_space<vmem>>
      %dma_start3A_227 = tpu.memref_squeeze %dma_start3A_226 : memref<1x128xi32, #tpu.memory_space<vmem>> -> memref<128xi32, #tpu.memory_space<vmem>>
      %dma_start3A_228 = arith.constant 0 : i32
      %dma_start3A_229 = arith.constant 0 : i32
      %dma_start3A_230 = tpu.memref_slice %arg2[%dma_start3A_228, %dma_start3A_229] : memref<10000x128xf32, #tpu.memory_space<hbm>> -> memref<10000x128xf32, #tpu.memory_space<hbm>>
      %dma_start3A_231 = tpu.memref_slice %arg19[%dma_start3A_220] : memref<2x!tpu.dma_semaphore, #tpu.memory_space<semaphore_mem>> -> memref<1x!tpu.dma_semaphore, #tpu.memory_space<semaphore_mem>>
      %dma_start3A_232 = tpu.memref_squeeze %dma_start3A_231 : memref<1x!tpu.dma_semaphore, #tpu.memory_space<semaphore_mem>> -> memref<!tpu.dma_semaphore, #tpu.memory_space<semaphore_mem>>
      tpu.enqueue_indirect_dma source(%dma_start3A_230 : memref<10000x128xf32, #tpu.memory_space<hbm>>) target(%dma_start3A_224 : memref<128x128xf32, #tpu.memory_space<vmem>>) offsets(%dma_start3A_227 : memref<128xi32, #tpu.memory_space<vmem>>) semaphore(%dma_start3A_232 : memref<!tpu.dma_semaphore, #tpu.memory_space<semaphore_mem>>)
      %scan3A = arith.constant 0 : i32
      %scan3A_233 = arith.constant 0 : i32
      %scan3A_234 = arith.constant 80 : i32
      %scan3A_235 = arith.addi %scan3A_233, %scan3A_234 : i32
      %scan3A_236 = arith.constant 1 : i32
      scf.for %scan3A_249 = %scan3A_233 to %scan3A_235 step %scan3A_236  : i32 {
        %rem3A = arith.constant 2 : i32
        %rem3A_250 = arith.remsi %scan3A_249, %rem3A : i32
        %sub3A = arith.constant 1 : i32
        %sub3A_251 = arith.subi %sub3A, %rem3A_250 : i32
        %ge3A = arith.constant 1 : i32
        %ge3A_252 = arith.cmpi sge, %scan3A_249, %ge3A : i32
        %convert_element_type3A_253 = arith.extui %ge3A_252 : i1 to i32
        %cond3A_254 = arith.constant 0 : i32
        %cond3A_255 = arith.cmpi ne, %convert_element_type3A_253, %cond3A_254 : i32
        scf.if %cond3A_255 {
          %dma_wait3A_283 = arith.constant 0 : i32
          %dma_wait3A_284 = arith.constant 0 : i32
          %dma_wait3A_285 = tpu.memref_slice %arg17[%sub3A_251, %dma_wait3A_283, %dma_wait3A_284] : memref<2x128x128xf32, #tpu.memory_space<vmem>> -> memref<1x128x128xf32, #tpu.memory_space<vmem>>
          %dma_wait3A_286 = tpu.memref_squeeze %dma_wait3A_285 : memref<1x128x128xf32, #tpu.memory_space<vmem>> -> memref<128x128xf32, #tpu.memory_space<vmem>>
          %dma_wait3A_287 = arith.constant 0 : i32
          %dma_wait3A_288 = tpu.memref_slice %arg16[%sub3A_251, %dma_wait3A_287] : memref<2x128xi32, #tpu.memory_space<vmem>> -> memref<1x128xi32, #tpu.memory_space<vmem>>
          %dma_wait3A_289 = tpu.memref_squeeze %dma_wait3A_288 : memref<1x128xi32, #tpu.memory_space<vmem>> -> memref<128xi32, #tpu.memory_space<vmem>>
          %dma_wait3A_290 = arith.constant 0 : i32
          %dma_wait3A_291 = arith.constant 0 : i32
          %dma_wait3A_292 = tpu.memref_slice %arg12[%dma_wait3A_290, %dma_wait3A_291] : memref<10112x128xf32, #tpu.memory_space<vmem_shared>> -> memref<10112x128xf32, #tpu.memory_space<vmem_shared>>
          tpu.wait_indirect_dma semaphore(%arg20 : memref<!tpu.dma_semaphore, #tpu.memory_space<semaphore_mem>>) src(%dma_wait3A_286 : memref<128x128xf32, #tpu.memory_space<vmem>>) dst(%dma_wait3A_292 : memref<10112x128xf32, #tpu.memory_space<vmem_shared>>)
        } else {
        }
        %add3A = arith.constant 1 : i32
        %add3A_256 = arith.addi %scan3A_249, %add3A : i32
        %lt3A = arith.constant 80 : i32
        %lt3A_257 = arith.cmpi slt, %add3A_256, %lt3A : i32
        %convert_element_type3A_258 = arith.extui %lt3A_257 : i1 to i32
        %cond3A_259 = arith.constant 0 : i32
        %cond3A_260 = arith.cmpi ne, %convert_element_type3A_258, %cond3A_259 : i32
        scf.if %cond3A_260 {
          %add3A_283 = arith.constant 1 : i32
          %add3A_284 = arith.addi %scan3A_249, %add3A_283 : i32
          %get3A_285 = arith.constant 0 : i32
          %get3A_286 = tpu.memref_slice %arg14[%add3A_284, %get3A_285] : memref<80x128xi32, #tpu.memory_space<vmem>> -> memref<1x128xi32, #tpu.memory_space<vmem>>
          %get3A_287 = tpu.memref_squeeze %get3A_286 : memref<1x128xi32, #tpu.memory_space<vmem>> -> memref<128xi32, #tpu.memory_space<vmem>>
          %get3A_288 = arith.constant 0 : index
          %get3A_289 = tpu.vector_load %get3A_287[%get3A_288] {strides = array<i32>} : memref<128xi32, #tpu.memory_space<vmem>>, vector<16xi32>,
          %get3A_290 = vector.shape_cast %get3A_289 : vector<16xi32> to vector<16xi32>
          %and3A_291 = arith.constant 65535 : i32
          %and3A_292 = vector.broadcast %and3A_291 : i32 to vector<16xi32>
          %and3A_293 = arith.andi %get3A_290, %and3A_292 : vector<16xi32>
          %swap3A_294 = arith.index_cast %sub3A_251 : i32 to index
          %swap3A_295 = arith.constant 0 : index
          %swap3A_296 = tpu.vector_load %arg15[%swap3A_294, %swap3A_295] {strides = array<i32>} : memref<2x128xi32, #tpu.memory_space<vmem>>, vector<1x16xi32>,
          %swap3A_297 = vector.shape_cast %swap3A_296 : vector<1x16xi32> to vector<16xi32>
          %swap3A_298 = vector.shape_cast %and3A_293 : vector<16xi32> to vector<1x16xi32>
          tpu.vector_store %arg15[%swap3A_294, %swap3A_295], %swap3A_298 {strides = array<i32>} : memref<2x128xi32, #tpu.memory_space<vmem>>, vector<1x16xi32>,
          %shift_right_logical3A_299 = arith.constant 16 : i32
          %shift_right_logical3A_300 = vector.broadcast %shift_right_logical3A_299 : i32 to vector<16xi32>
          %shift_right_logical3A_301 = arith.shrui %get3A_290, %shift_right_logical3A_300 : vector<16xi32>
          %swap3A_302 = arith.index_cast %sub3A_251 : i32 to index
          %swap3A_303 = arith.constant 0 : index
          %swap3A_304 = tpu.vector_load %arg16[%swap3A_302, %swap3A_303] {strides = array<i32>} : memref<2x128xi32, #tpu.memory_space<vmem>>, vector<1x16xi32>,
          %swap3A_305 = vector.shape_cast %swap3A_304 : vector<1x16xi32> to vector<16xi32>
          %swap3A_306 = vector.shape_cast %shift_right_logical3A_301 : vector<16xi32> to vector<1x16xi32>
          tpu.vector_store %arg16[%swap3A_302, %swap3A_303], %swap3A_306 {strides = array<i32>} : memref<2x128xi32, #tpu.memory_space<vmem>>, vector<1x16xi32>,
          %get3A_307 = arith.constant 0 : i32
          %get3A_308 = tpu.memref_slice %arg14[%add3A_284, %get3A_307] : memref<80x128xi32, #tpu.memory_space<vmem>> -> memref<1x128xi32, #tpu.memory_space<vmem>>
          %get3A_309 = tpu.memref_squeeze %get3A_308 : memref<1x128xi32, #tpu.memory_space<vmem>> -> memref<128xi32, #tpu.memory_space<vmem>>
          %get3A_310 = arith.constant 16 : index
          %get3A_311 = tpu.vector_load %get3A_309[%get3A_310] {strides = array<i32>} : memref<128xi32, #tpu.memory_space<vmem>>, vector<16xi32>,
          %get3A_312 = vector.shape_cast %get3A_311 : vector<16xi32> to vector<16xi32>
          %and3A_313 = arith.constant 65535 : i32
          %and3A_314 = vector.broadcast %and3A_313 : i32 to vector<16xi32>
          %and3A_315 = arith.andi %get3A_312, %and3A_314 : vector<16xi32>
          %swap3A_316 = arith.index_cast %sub3A_251 : i32 to index
          %swap3A_317 = arith.constant 16 : index
          %swap3A_318 = tpu.vector_load %arg15[%swap3A_316, %swap3A_317] {strides = array<i32>} : memref<2x128xi32, #tpu.memory_space<vmem>>, vector<1x16xi32>,
          %swap3A_319 = vector.shape_cast %swap3A_318 : vector<1x16xi32> to vector<16xi32>
          %swap3A_320 = vector.shape_cast %and3A_315 : vector<16xi32> to vector<1x16xi32>
          tpu.vector_store %arg15[%swap3A_316, %swap3A_317], %swap3A_320 {strides = array<i32>} : memref<2x128xi32, #tpu.memory_space<vmem>>, vector<1x16xi32>,
          %shift_right_logical3A_321 = arith.constant 16 : i32
          %shift_right_logical3A_322 = vector.broadcast %shift_right_logical3A_321 : i32 to vector<16xi32>
          %shift_right_logical3A_323 = arith.shrui %get3A_312, %shift_right_logical3A_322 : vector<16xi32>
          %swap3A_324 = arith.index_cast %sub3A_251 : i32 to index
          %swap3A_325 = arith.constant 16 : index
          %swap3A_326 = tpu.vector_load %arg16[%swap3A_324, %swap3A_325] {strides = array<i32>} : memref<2x128xi32, #tpu.memory_space<vmem>>, vector<1x16xi32>,
          %swap3A_327 = vector.shape_cast %swap3A_326 : vector<1x16xi32> to vector<16xi32>
          %swap3A_328 = vector.shape_cast %shift_right_logical3A_323 : vector<16xi32> to vector<1x16xi32>
          tpu.vector_store %arg16[%swap3A_324, %swap3A_325], %swap3A_328 {strides = array<i32>} : memref<2x128xi32, #tpu.memory_space<vmem>>, vector<1x16xi32>,
          %get3A_329 = arith.constant 0 : i32
          %get3A_330 = tpu.memref_slice %arg14[%add3A_284, %get3A_329] : memref<80x128xi32, #tpu.memory_space<vmem>> -> memref<1x128xi32, #tpu.memory_space<vmem>>
          %get3A_331 = tpu.memref_squeeze %get3A_330 : memref<1x128xi32, #tpu.memory_space<vmem>> -> memref<128xi32, #tpu.memory_space<vmem>>
          %get3A_332 = arith.constant 32 : index
          %get3A_333 = tpu.vector_load %get3A_331[%get3A_332] {strides = array<i32>} : memref<128xi32, #tpu.memory_space<vmem>>, vector<16xi32>,
          %get3A_334 = vector.shape_cast %get3A_333 : vector<16xi32> to vector<16xi32>
          %and3A_335 = arith.constant 65535 : i32
          %and3A_336 = vector.broadcast %and3A_335 : i32 to vector<16xi32>
          %and3A_337 = arith.andi %get3A_334, %and3A_336 : vector<16xi32>
          %swap3A_338 = arith.index_cast %sub3A_251 : i32 to index
          %swap3A_339 = arith.constant 32 : index
          %swap3A_340 = tpu.vector_load %arg15[%swap3A_338, %swap3A_339] {strides = array<i32>} : memref<2x128xi32, #tpu.memory_space<vmem>>, vector<1x16xi32>,
          %swap3A_341 = vector.shape_cast %swap3A_340 : vector<1x16xi32> to vector<16xi32>
          %swap3A_342 = vector.shape_cast %and3A_337 : vector<16xi32> to vector<1x16xi32>
          tpu.vector_store %arg15[%swap3A_338, %swap3A_339], %swap3A_342 {strides = array<i32>} : memref<2x128xi32, #tpu.memory_space<vmem>>, vector<1x16xi32>,
          %shift_right_logical3A_343 = arith.constant 16 : i32
          %shift_right_logical3A_344 = vector.broadcast %shift_right_logical3A_343 : i32 to vector<16xi32>
          %shift_right_logical3A_345 = arith.shrui %get3A_334, %shift_right_logical3A_344 : vector<16xi32>
          %swap3A_346 = arith.index_cast %sub3A_251 : i32 to index
          %swap3A_347 = arith.constant 32 : index
          %swap3A_348 = tpu.vector_load %arg16[%swap3A_346, %swap3A_347] {strides = array<i32>} : memref<2x128xi32, #tpu.memory_space<vmem>>, vector<1x16xi32>,
          %swap3A_349 = vector.shape_cast %swap3A_348 : vector<1x16xi32> to vector<16xi32>
          %swap3A_350 = vector.shape_cast %shift_right_logical3A_345 : vector<16xi32> to vector<1x16xi32>
          tpu.vector_store %arg16[%swap3A_346, %swap3A_347], %swap3A_350 {strides = array<i32>} : memref<2x128xi32, #tpu.memory_space<vmem>>, vector<1x16xi32>,
          %get3A_351 = arith.constant 0 : i32
          %get3A_352 = tpu.memref_slice %arg14[%add3A_284, %get3A_351] : memref<80x128xi32, #tpu.memory_space<vmem>> -> memref<1x128xi32, #tpu.memory_space<vmem>>
          %get3A_353 = tpu.memref_squeeze %get3A_352 : memref<1x128xi32, #tpu.memory_space<vmem>> -> memref<128xi32, #tpu.memory_space<vmem>>
          %get3A_354 = arith.constant 48 : index
          %get3A_355 = tpu.vector_load %get3A_353[%get3A_354] {strides = array<i32>} : memref<128xi32, #tpu.memory_space<vmem>>, vector<16xi32>,
          %get3A_356 = vector.shape_cast %get3A_355 : vector<16xi32> to vector<16xi32>
          %and3A_357 = arith.constant 65535 : i32
          %and3A_358 = vector.broadcast %and3A_357 : i32 to vector<16xi32>
          %and3A_359 = arith.andi %get3A_356, %and3A_358 : vector<16xi32>
          %swap3A_360 = arith.index_cast %sub3A_251 : i32 to index
          %swap3A_361 = arith.constant 48 : index
          %swap3A_362 = tpu.vector_load %arg15[%swap3A_360, %swap3A_361] {strides = array<i32>} : memref<2x128xi32, #tpu.memory_space<vmem>>, vector<1x16xi32>,
          %swap3A_363 = vector.shape_cast %swap3A_362 : vector<1x16xi32> to vector<16xi32>
          %swap3A_364 = vector.shape_cast %and3A_359 : vector<16xi32> to vector<1x16xi32>
          tpu.vector_store %arg15[%swap3A_360, %swap3A_361], %swap3A_364 {strides = array<i32>} : memref<2x128xi32, #tpu.memory_space<vmem>>, vector<1x16xi32>,
          %shift_right_logical3A_365 = arith.constant 16 : i32
          %shift_right_logical3A_366 = vector.broadcast %shift_right_logical3A_365 : i32 to vector<16xi32>
          %shift_right_logical3A_367 = arith.shrui %get3A_356, %shift_right_logical3A_366 : vector<16xi32>
          %swap3A_368 = arith.index_cast %sub3A_251 : i32 to index
          %swap3A_369 = arith.constant 48 : index
          %swap3A_370 = tpu.vector_load %arg16[%swap3A_368, %swap3A_369] {strides = array<i32>} : memref<2x128xi32, #tpu.memory_space<vmem>>, vector<1x16xi32>,
          %swap3A_371 = vector.shape_cast %swap3A_370 : vector<1x16xi32> to vector<16xi32>
          %swap3A_372 = vector.shape_cast %shift_right_logical3A_367 : vector<16xi32> to vector<1x16xi32>
          tpu.vector_store %arg16[%swap3A_368, %swap3A_369], %swap3A_372 {strides = array<i32>} : memref<2x128xi32, #tpu.memory_space<vmem>>, vector<1x16xi32>,
          %get3A_373 = arith.constant 0 : i32
          %get3A_374 = tpu.memref_slice %arg14[%add3A_284, %get3A_373] : memref<80x128xi32, #tpu.memory_space<vmem>> -> memref<1x128xi32, #tpu.memory_space<vmem>>
          %get3A_375 = tpu.memref_squeeze %get3A_374 : memref<1x128xi32, #tpu.memory_space<vmem>> -> memref<128xi32, #tpu.memory_space<vmem>>
          %get3A_376 = arith.constant 64 : index
          %get3A_377 = tpu.vector_load %get3A_375[%get3A_376] {strides = array<i32>} : memref<128xi32, #tpu.memory_space<vmem>>, vector<16xi32>,
          %get3A_378 = vector.shape_cast %get3A_377 : vector<16xi32> to vector<16xi32>
          %and3A_379 = arith.constant 65535 : i32
          %and3A_380 = vector.broadcast %and3A_379 : i32 to vector<16xi32>
          %and3A_381 = arith.andi %get3A_378, %and3A_380 : vector<16xi32>
          %swap3A_382 = arith.index_cast %sub3A_251 : i32 to index
          %swap3A_383 = arith.constant 64 : index
          %swap3A_384 = tpu.vector_load %arg15[%swap3A_382, %swap3A_383] {strides = array<i32>} : memref<2x128xi32, #tpu.memory_space<vmem>>, vector<1x16xi32>,
          %swap3A_385 = vector.shape_cast %swap3A_384 : vector<1x16xi32> to vector<16xi32>
          %swap3A_386 = vector.shape_cast %and3A_381 : vector<16xi32> to vector<1x16xi32>
          tpu.vector_store %arg15[%swap3A_382, %swap3A_383], %swap3A_386 {strides = array<i32>} : memref<2x128xi32, #tpu.memory_space<vmem>>, vector<1x16xi32>,
          %shift_right_logical3A_387 = arith.constant 16 : i32
          %shift_right_logical3A_388 = vector.broadcast %shift_right_logical3A_387 : i32 to vector<16xi32>
          %shift_right_logical3A_389 = arith.shrui %get3A_378, %shift_right_logical3A_388 : vector<16xi32>
          %swap3A_390 = arith.index_cast %sub3A_251 : i32 to index
          %swap3A_391 = arith.constant 64 : index
          %swap3A_392 = tpu.vector_load %arg16[%swap3A_390, %swap3A_391] {strides = array<i32>} : memref<2x128xi32, #tpu.memory_space<vmem>>, vector<1x16xi32>,
          %swap3A_393 = vector.shape_cast %swap3A_392 : vector<1x16xi32> to vector<16xi32>
          %swap3A_394 = vector.shape_cast %shift_right_logical3A_389 : vector<16xi32> to vector<1x16xi32>
          tpu.vector_store %arg16[%swap3A_390, %swap3A_391], %swap3A_394 {strides = array<i32>} : memref<2x128xi32, #tpu.memory_space<vmem>>, vector<1x16xi32>,
          %get3A_395 = arith.constant 0 : i32
          %get3A_396 = tpu.memref_slice %arg14[%add3A_284, %get3A_395] : memref<80x128xi32, #tpu.memory_space<vmem>> -> memref<1x128xi32, #tpu.memory_space<vmem>>
          %get3A_397 = tpu.memref_squeeze %get3A_396 : memref<1x128xi32, #tpu.memory_space<vmem>> -> memref<128xi32, #tpu.memory_space<vmem>>
          %get3A_398 = arith.constant 80 : index
          %get3A_399 = tpu.vector_load %get3A_397[%get3A_398] {strides = array<i32>} : memref<128xi32, #tpu.memory_space<vmem>>, vector<16xi32>,
          %get3A_400 = vector.shape_cast %get3A_399 : vector<16xi32> to vector<16xi32>
          %and3A_401 = arith.constant 65535 : i32
          %and3A_402 = vector.broadcast %and3A_401 : i32 to vector<16xi32>
          %and3A_403 = arith.andi %get3A_400, %and3A_402 : vector<16xi32>
          %swap3A_404 = arith.index_cast %sub3A_251 : i32 to index
          %swap3A_405 = arith.constant 80 : index
          %swap3A_406 = tpu.vector_load %arg15[%swap3A_404, %swap3A_405] {strides = array<i32>} : memref<2x128xi32, #tpu.memory_space<vmem>>, vector<1x16xi32>,
          %swap3A_407 = vector.shape_cast %swap3A_406 : vector<1x16xi32> to vector<16xi32>
          %swap3A_408 = vector.shape_cast %and3A_403 : vector<16xi32> to vector<1x16xi32>
          tpu.vector_store %arg15[%swap3A_404, %swap3A_405], %swap3A_408 {strides = array<i32>} : memref<2x128xi32, #tpu.memory_space<vmem>>, vector<1x16xi32>,
          %shift_right_logical3A_409 = arith.constant 16 : i32
          %shift_right_logical3A_410 = vector.broadcast %shift_right_logical3A_409 : i32 to vector<16xi32>
          %shift_right_logical3A_411 = arith.shrui %get3A_400, %shift_right_logical3A_410 : vector<16xi32>
          %swap3A_412 = arith.index_cast %sub3A_251 : i32 to index
          %swap3A_413 = arith.constant 80 : index
          %swap3A_414 = tpu.vector_load %arg16[%swap3A_412, %swap3A_413] {strides = array<i32>} : memref<2x128xi32, #tpu.memory_space<vmem>>, vector<1x16xi32>,
          %swap3A_415 = vector.shape_cast %swap3A_414 : vector<1x16xi32> to vector<16xi32>
          %swap3A_416 = vector.shape_cast %shift_right_logical3A_411 : vector<16xi32> to vector<1x16xi32>
          tpu.vector_store %arg16[%swap3A_412, %swap3A_413], %swap3A_416 {strides = array<i32>} : memref<2x128xi32, #tpu.memory_space<vmem>>, vector<1x16xi32>,
          %get3A_417 = arith.constant 0 : i32
          %get3A_418 = tpu.memref_slice %arg14[%add3A_284, %get3A_417] : memref<80x128xi32, #tpu.memory_space<vmem>> -> memref<1x128xi32, #tpu.memory_space<vmem>>
          %get3A_419 = tpu.memref_squeeze %get3A_418 : memref<1x128xi32, #tpu.memory_space<vmem>> -> memref<128xi32, #tpu.memory_space<vmem>>
          %get3A_420 = arith.constant 96 : index
          %get3A_421 = tpu.vector_load %get3A_419[%get3A_420] {strides = array<i32>} : memref<128xi32, #tpu.memory_space<vmem>>, vector<16xi32>,
          %get3A_422 = vector.shape_cast %get3A_421 : vector<16xi32> to vector<16xi32>
          %and3A_423 = arith.constant 65535 : i32
          %and3A_424 = vector.broadcast %and3A_423 : i32 to vector<16xi32>
          %and3A_425 = arith.andi %get3A_422, %and3A_424 : vector<16xi32>
          %swap3A_426 = arith.index_cast %sub3A_251 : i32 to index
          %swap3A_427 = arith.constant 96 : index
          %swap3A_428 = tpu.vector_load %arg15[%swap3A_426, %swap3A_427] {strides = array<i32>} : memref<2x128xi32, #tpu.memory_space<vmem>>, vector<1x16xi32>,
          %swap3A_429 = vector.shape_cast %swap3A_428 : vector<1x16xi32> to vector<16xi32>
          %swap3A_430 = vector.shape_cast %and3A_425 : vector<16xi32> to vector<1x16xi32>
          tpu.vector_store %arg15[%swap3A_426, %swap3A_427], %swap3A_430 {strides = array<i32>} : memref<2x128xi32, #tpu.memory_space<vmem>>, vector<1x16xi32>,
          %shift_right_logical3A_431 = arith.constant 16 : i32
          %shift_right_logical3A_432 = vector.broadcast %shift_right_logical3A_431 : i32 to vector<16xi32>
          %shift_right_logical3A_433 = arith.shrui %get3A_422, %shift_right_logical3A_432 : vector<16xi32>
          %swap3A_434 = arith.index_cast %sub3A_251 : i32 to index
          %swap3A_435 = arith.constant 96 : index
          %swap3A_436 = tpu.vector_load %arg16[%swap3A_434, %swap3A_435] {strides = array<i32>} : memref<2x128xi32, #tpu.memory_space<vmem>>, vector<1x16xi32>,
          %swap3A_437 = vector.shape_cast %swap3A_436 : vector<1x16xi32> to vector<16xi32>
          %swap3A_438 = vector.shape_cast %shift_right_logical3A_433 : vector<16xi32> to vector<1x16xi32>
          tpu.vector_store %arg16[%swap3A_434, %swap3A_435], %swap3A_438 {strides = array<i32>} : memref<2x128xi32, #tpu.memory_space<vmem>>, vector<1x16xi32>,
          %get3A_439 = arith.constant 0 : i32
          %get3A_440 = tpu.memref_slice %arg14[%add3A_284, %get3A_439] : memref<80x128xi32, #tpu.memory_space<vmem>> -> memref<1x128xi32, #tpu.memory_space<vmem>>
          %get3A_441 = tpu.memref_squeeze %get3A_440 : memref<1x128xi32, #tpu.memory_space<vmem>> -> memref<128xi32, #tpu.memory_space<vmem>>
          %get3A_442 = arith.constant 112 : index
          %get3A_443 = tpu.vector_load %get3A_441[%get3A_442] {strides = array<i32>} : memref<128xi32, #tpu.memory_space<vmem>>, vector<16xi32>,
          %get3A_444 = vector.shape_cast %get3A_443 : vector<16xi32> to vector<16xi32>
          %and3A_445 = arith.constant 65535 : i32
          %and3A_446 = vector.broadcast %and3A_445 : i32 to vector<16xi32>
          %and3A_447 = arith.andi %get3A_444, %and3A_446 : vector<16xi32>
          %swap3A_448 = arith.index_cast %sub3A_251 : i32 to index
          %swap3A_449 = arith.constant 112 : index
          %swap3A_450 = tpu.vector_load %arg15[%swap3A_448, %swap3A_449] {strides = array<i32>} : memref<2x128xi32, #tpu.memory_space<vmem>>, vector<1x16xi32>,
          %swap3A_451 = vector.shape_cast %swap3A_450 : vector<1x16xi32> to vector<16xi32>
          %swap3A_452 = vector.shape_cast %and3A_447 : vector<16xi32> to vector<1x16xi32>
          tpu.vector_store %arg15[%swap3A_448, %swap3A_449], %swap3A_452 {strides = array<i32>} : memref<2x128xi32, #tpu.memory_space<vmem>>, vector<1x16xi32>,
          %shift_right_logical3A_453 = arith.constant 16 : i32
          %shift_right_logical3A_454 = vector.broadcast %shift_right_logical3A_453 : i32 to vector<16xi32>
          %shift_right_logical3A_455 = arith.shrui %get3A_444, %shift_right_logical3A_454 : vector<16xi32>
          %swap3A_456 = arith.index_cast %sub3A_251 : i32 to index
          %swap3A_457 = arith.constant 112 : index
          %swap3A_458 = tpu.vector_load %arg16[%swap3A_456, %swap3A_457] {strides = array<i32>} : memref<2x128xi32, #tpu.memory_space<vmem>>, vector<1x16xi32>,
          %swap3A_459 = vector.shape_cast %swap3A_458 : vector<1x16xi32> to vector<16xi32>
          %swap3A_460 = vector.shape_cast %shift_right_logical3A_455 : vector<16xi32> to vector<1x16xi32>
          tpu.vector_store %arg16[%swap3A_456, %swap3A_457], %swap3A_460 {strides = array<i32>} : memref<2x128xi32, #tpu.memory_space<vmem>>, vector<1x16xi32>,
          %dma_start3A_461 = arith.constant 0 : i32
          %dma_start3A_462 = arith.constant 0 : i32
          %dma_start3A_463 = tpu.memref_slice %arg17[%sub3A_251, %dma_start3A_461, %dma_start3A_462] : memref<2x128x128xf32, #tpu.memory_space<vmem>> -> memref<1x128x128xf32, #tpu.memory_space<vmem>>
          %dma_start3A_464 = tpu.memref_squeeze %dma_start3A_463 : memref<1x128x128xf32, #tpu.memory_space<vmem>> -> memref<128x128xf32, #tpu.memory_space<vmem>>
          %dma_start3A_465 = arith.constant 0 : i32
          %dma_start3A_466 = tpu.memref_slice %arg15[%sub3A_251, %dma_start3A_465] : memref<2x128xi32, #tpu.memory_space<vmem>> -> memref<1x128xi32, #tpu.memory_space<vmem>>
          %dma_start3A_467 = tpu.memref_squeeze %dma_start3A_466 : memref<1x128xi32, #tpu.memory_space<vmem>> -> memref<128xi32, #tpu.memory_space<vmem>>
          %dma_start3A_468 = arith.constant 0 : i32
          %dma_start3A_469 = arith.constant 0 : i32
          %dma_start3A_470 = tpu.memref_slice %arg2[%dma_start3A_468, %dma_start3A_469] : memref<10000x128xf32, #tpu.memory_space<hbm>> -> memref<10000x128xf32, #tpu.memory_space<hbm>>
          %dma_start3A_471 = tpu.memref_slice %arg19[%sub3A_251] : memref<2x!tpu.dma_semaphore, #tpu.memory_space<semaphore_mem>> -> memref<1x!tpu.dma_semaphore, #tpu.memory_space<semaphore_mem>>
          %dma_start3A_472 = tpu.memref_squeeze %dma_start3A_471 : memref<1x!tpu.dma_semaphore, #tpu.memory_space<semaphore_mem>> -> memref<!tpu.dma_semaphore, #tpu.memory_space<semaphore_mem>>
          tpu.enqueue_indirect_dma source(%dma_start3A_470 : memref<10000x128xf32, #tpu.memory_space<hbm>>) target(%dma_start3A_464 : memref<128x128xf32, #tpu.memory_space<vmem>>) offsets(%dma_start3A_467 : memref<128xi32, #tpu.memory_space<vmem>>) semaphore(%dma_start3A_472 : memref<!tpu.dma_semaphore, #tpu.memory_space<semaphore_mem>>)
        } else {
        }
        %dma_wait3A_261 = arith.constant 0 : i32
        %dma_wait3A_262 = arith.constant 0 : i32
        %dma_wait3A_263 = tpu.memref_slice %arg17[%rem3A_250, %dma_wait3A_261, %dma_wait3A_262] : memref<2x128x128xf32, #tpu.memory_space<vmem>> -> memref<1x128x128xf32, #tpu.memory_space<vmem>>
        %dma_wait3A_264 = tpu.memref_squeeze %dma_wait3A_263 : memref<1x128x128xf32, #tpu.memory_space<vmem>> -> memref<128x128xf32, #tpu.memory_space<vmem>>
        %dma_wait3A_265 = arith.constant 0 : i32
        %dma_wait3A_266 = tpu.memref_slice %arg15[%rem3A_250, %dma_wait3A_265] : memref<2x128xi32, #tpu.memory_space<vmem>> -> memref<1x128xi32, #tpu.memory_space<vmem>>
        %dma_wait3A_267 = tpu.memref_squeeze %dma_wait3A_266 : memref<1x128xi32, #tpu.memory_space<vmem>> -> memref<128xi32, #tpu.memory_space<vmem>>
        %dma_wait3A_268 = arith.constant 0 : i32
        %dma_wait3A_269 = arith.constant 0 : i32
        %dma_wait3A_270 = tpu.memref_slice %arg2[%dma_wait3A_268, %dma_wait3A_269] : memref<10000x128xf32, #tpu.memory_space<hbm>> -> memref<10000x128xf32, #tpu.memory_space<hbm>>
        %dma_wait3A_271 = tpu.memref_slice %arg19[%rem3A_250] : memref<2x!tpu.dma_semaphore, #tpu.memory_space<semaphore_mem>> -> memref<1x!tpu.dma_semaphore, #tpu.memory_space<semaphore_mem>>
        %dma_wait3A_272 = tpu.memref_squeeze %dma_wait3A_271 : memref<1x!tpu.dma_semaphore, #tpu.memory_space<semaphore_mem>> -> memref<!tpu.dma_semaphore, #tpu.memory_space<semaphore_mem>>
        tpu.wait_indirect_dma semaphore(%dma_wait3A_272 : memref<!tpu.dma_semaphore, #tpu.memory_space<semaphore_mem>>) src(%dma_wait3A_270 : memref<10000x128xf32, #tpu.memory_space<hbm>>) dst(%dma_wait3A_264 : memref<128x128xf32, #tpu.memory_space<vmem>>)
        %dma_start3A_273 = arith.constant 0 : i32
        %dma_start3A_274 = arith.constant 0 : i32
        %dma_start3A_275 = tpu.memref_slice %arg17[%rem3A_250, %dma_start3A_273, %dma_start3A_274] : memref<2x128x128xf32, #tpu.memory_space<vmem>> -> memref<1x128x128xf32, #tpu.memory_space<vmem>>
        %dma_start3A_276 = tpu.memref_squeeze %dma_start3A_275 : memref<1x128x128xf32, #tpu.memory_space<vmem>> -> memref<128x128xf32, #tpu.memory_space<vmem>>
        %dma_start3A_277 = arith.constant 0 : i32
        %dma_start3A_278 = tpu.memref_slice %arg16[%rem3A_250, %dma_start3A_277] : memref<2x128xi32, #tpu.memory_space<vmem>> -> memref<1x128xi32, #tpu.memory_space<vmem>>
        %dma_start3A_279 = tpu.memref_squeeze %dma_start3A_278 : memref<1x128xi32, #tpu.memory_space<vmem>> -> memref<128xi32, #tpu.memory_space<vmem>>
        %dma_start3A_280 = arith.constant 0 : i32
        %dma_start3A_281 = arith.constant 0 : i32
        %dma_start3A_282 = tpu.memref_slice %arg12[%dma_start3A_280, %dma_start3A_281] : memref<10112x128xf32, #tpu.memory_space<vmem_shared>> -> memref<10112x128xf32, #tpu.memory_space<vmem_shared>>
        tpu.enqueue_indirect_dma source(%dma_start3A_276 : memref<128x128xf32, #tpu.memory_space<vmem>>) target(%dma_start3A_282 : memref<10112x128xf32, #tpu.memory_space<vmem_shared>>) offsets(%dma_start3A_279 : memref<128xi32, #tpu.memory_space<vmem>>) semaphore(%arg20 : memref<!tpu.dma_semaphore, #tpu.memory_space<semaphore_mem>>) {add = true}
      }
      %scan3A_237 = arith.constant 80 : i32
      %dma_wait3A = arith.constant 1 : i32
      %dma_wait3A_238 = arith.constant 1 : i32
      %dma_wait3A_239 = arith.constant 0 : i32
      %dma_wait3A_240 = arith.constant 0 : i32
      %dma_wait3A_241 = tpu.memref_slice %arg17[%dma_wait3A, %dma_wait3A_239, %dma_wait3A_240] : memref<2x128x128xf32, #tpu.memory_space<vmem>> -> memref<1x128x128xf32, #tpu.memory_space<vmem>>
      %dma_wait3A_242 = tpu.memref_squeeze %dma_wait3A_241 : memref<1x128x128xf32, #tpu.memory_space<vmem>> -> memref<128x128xf32, #tpu.memory_space<vmem>>
      %dma_wait3A_243 = arith.constant 0 : i32
      %dma_wait3A_244 = tpu.memref_slice %arg16[%dma_wait3A_238, %dma_wait3A_243] : memref<2x128xi32, #tpu.memory_space<vmem>> -> memref<1x128xi32, #tpu.memory_space<vmem>>
      %dma_wait3A_245 = tpu.memref_squeeze %dma_wait3A_244 : memref<1x128xi32, #tpu.memory_space<vmem>> -> memref<128xi32, #tpu.memory_space<vmem>>
      %dma_wait3A_246 = arith.constant 0 : i32
      %dma_wait3A_247 = arith.constant 0 : i32
      %dma_wait3A_248 = tpu.memref_slice %arg12[%dma_wait3A_246, %dma_wait3A_247] : memref<10112x128xf32, #tpu.memory_space<vmem_shared>> -> memref<10112x128xf32, #tpu.memory_space<vmem_shared>>
      tpu.wait_indirect_dma semaphore(%arg20 : memref<!tpu.dma_semaphore, #tpu.memory_space<semaphore_mem>>) src(%dma_wait3A_242 : memref<128x128xf32, #tpu.memory_space<vmem>>) dst(%dma_wait3A_248 : memref<10112x128xf32, #tpu.memory_space<vmem_shared>>)
    } else {
    }
    %eq3A_3 = arith.constant 1 : i32
    %eq3A_4 = arith.cmpi eq, %arg0, %eq3A_3 : i32
    %convert_element_type3A_5 = arith.extui %eq3A_4 : i1 to i32
    %cond3A_6 = arith.constant 0 : i32
    %cond3A_7 = arith.cmpi ne, %convert_element_type3A_5, %cond3A_6 : i32
    scf.if %cond3A_7 {
      %get3A = arith.constant 0 : i32
      %get3A_23 = arith.constant 0 : i32
      %get3A_24 = tpu.memref_slice %arg14[%get3A, %get3A_23] : memref<80x128xi32, #tpu.memory_space<vmem>> -> memref<1x128xi32, #tpu.memory_space<vmem>>
      %get3A_25 = tpu.memref_squeeze %get3A_24 : memref<1x128xi32, #tpu.memory_space<vmem>> -> memref<128xi32, #tpu.memory_space<vmem>>
      %get3A_26 = arith.constant 0 : index
      %get3A_27 = tpu.vector_load %get3A_25[%get3A_26] {strides = array<i32>} : memref<128xi32, #tpu.memory_space<vmem>>, vector<16xi32>,
      %get3A_28 = vector.shape_cast %get3A_27 : vector<16xi32> to vector<16xi32>
      %and3A = arith.constant 65535 : i32
      %and3A_29 = vector.broadcast %and3A : i32 to vector<16xi32>
      %and3A_30 = arith.andi %get3A_28, %and3A_29 : vector<16xi32>
      %swap3A = arith.constant 0 : i32
      %swap3A_31 = arith.index_cast %swap3A : i32 to index
      %swap3A_32 = arith.constant 0 : index
      %swap3A_33 = tpu.vector_load %arg15[%swap3A_31, %swap3A_32] {strides = array<i32>} : memref<2x128xi32, #tpu.memory_space<vmem>>, vector<1x16xi32>,
      %swap3A_34 = vector.shape_cast %swap3A_33 : vector<1x16xi32> to vector<16xi32>
      %swap3A_35 = vector.shape_cast %and3A_30 : vector<16xi32> to vector<1x16xi32>
      tpu.vector_store %arg15[%swap3A_31, %swap3A_32], %swap3A_35 {strides = array<i32>} : memref<2x128xi32, #tpu.memory_space<vmem>>, vector<1x16xi32>,
      %shift_right_logical3A = arith.constant 16 : i32
      %shift_right_logical3A_36 = vector.broadcast %shift_right_logical3A : i32 to vector<16xi32>
      %shift_right_logical3A_37 = arith.shrui %get3A_28, %shift_right_logical3A_36 : vector<16xi32>
      %swap3A_38 = arith.constant 0 : i32
      %swap3A_39 = arith.index_cast %swap3A_38 : i32 to index
      %swap3A_40 = arith.constant 0 : index
      %swap3A_41 = tpu.vector_load %arg16[%swap3A_39, %swap3A_40] {strides = array<i32>} : memref<2x128xi32, #tpu.memory_space<vmem>>, vector<1x16xi32>,
      %swap3A_42 = vector.shape_cast %swap3A_41 : vector<1x16xi32> to vector<16xi32>
      %swap3A_43 = vector.shape_cast %shift_right_logical3A_37 : vector<16xi32> to vector<1x16xi32>
      tpu.vector_store %arg16[%swap3A_39, %swap3A_40], %swap3A_43 {strides = array<i32>} : memref<2x128xi32, #tpu.memory_space<vmem>>, vector<1x16xi32>,
      %get3A_44 = arith.constant 0 : i32
      %get3A_45 = arith.constant 0 : i32
      %get3A_46 = tpu.memref_slice %arg14[%get3A_44, %get3A_45] : memref<80x128xi32, #tpu.memory_space<vmem>> -> memref<1x128xi32, #tpu.memory_space<vmem>>
      %get3A_47 = tpu.memref_squeeze %get3A_46 : memref<1x128xi32, #tpu.memory_space<vmem>> -> memref<128xi32, #tpu.memory_space<vmem>>
      %get3A_48 = arith.constant 16 : index
      %get3A_49 = tpu.vector_load %get3A_47[%get3A_48] {strides = array<i32>} : memref<128xi32, #tpu.memory_space<vmem>>, vector<16xi32>,
      %get3A_50 = vector.shape_cast %get3A_49 : vector<16xi32> to vector<16xi32>
      %and3A_51 = arith.constant 65535 : i32
      %and3A_52 = vector.broadcast %and3A_51 : i32 to vector<16xi32>
      %and3A_53 = arith.andi %get3A_50, %and3A_52 : vector<16xi32>
      %swap3A_54 = arith.constant 0 : i32
      %swap3A_55 = arith.index_cast %swap3A_54 : i32 to index
      %swap3A_56 = arith.constant 16 : index
      %swap3A_57 = tpu.vector_load %arg15[%swap3A_55, %swap3A_56] {strides = array<i32>} : memref<2x128xi32, #tpu.memory_space<vmem>>, vector<1x16xi32>,
      %swap3A_58 = vector.shape_cast %swap3A_57 : vector<1x16xi32> to vector<16xi32>
      %swap3A_59 = vector.shape_cast %and3A_53 : vector<16xi32> to vector<1x16xi32>
      tpu.vector_store %arg15[%swap3A_55, %swap3A_56], %swap3A_59 {strides = array<i32>} : memref<2x128xi32, #tpu.memory_space<vmem>>, vector<1x16xi32>,
      %shift_right_logical3A_60 = arith.constant 16 : i32
      %shift_right_logical3A_61 = vector.broadcast %shift_right_logical3A_60 : i32 to vector<16xi32>
      %shift_right_logical3A_62 = arith.shrui %get3A_50, %shift_right_logical3A_61 : vector<16xi32>
      %swap3A_63 = arith.constant 0 : i32
      %swap3A_64 = arith.index_cast %swap3A_63 : i32 to index
      %swap3A_65 = arith.constant 16 : index
      %swap3A_66 = tpu.vector_load %arg16[%swap3A_64, %swap3A_65] {strides = array<i32>} : memref<2x128xi32, #tpu.memory_space<vmem>>, vector<1x16xi32>,
      %swap3A_67 = vector.shape_cast %swap3A_66 : vector<1x16xi32> to vector<16xi32>
      %swap3A_68 = vector.shape_cast %shift_right_logical3A_62 : vector<16xi32> to vector<1x16xi32>
      tpu.vector_store %arg16[%swap3A_64, %swap3A_65], %swap3A_68 {strides = array<i32>} : memref<2x128xi32, #tpu.memory_space<vmem>>, vector<1x16xi32>,
      %get3A_69 = arith.constant 0 : i32
      %get3A_70 = arith.constant 0 : i32
      %get3A_71 = tpu.memref_slice %arg14[%get3A_69, %get3A_70] : memref<80x128xi32, #tpu.memory_space<vmem>> -> memref<1x128xi32, #tpu.memory_space<vmem>>
      %get3A_72 = tpu.memref_squeeze %get3A_71 : memref<1x128xi32, #tpu.memory_space<vmem>> -> memref<128xi32, #tpu.memory_space<vmem>>
      %get3A_73 = arith.constant 32 : index
      %get3A_74 = tpu.vector_load %get3A_72[%get3A_73] {strides = array<i32>} : memref<128xi32, #tpu.memory_space<vmem>>, vector<16xi32>,
      %get3A_75 = vector.shape_cast %get3A_74 : vector<16xi32> to vector<16xi32>
      %and3A_76 = arith.constant 65535 : i32
      %and3A_77 = vector.broadcast %and3A_76 : i32 to vector<16xi32>
      %and3A_78 = arith.andi %get3A_75, %and3A_77 : vector<16xi32>
      %swap3A_79 = arith.constant 0 : i32
      %swap3A_80 = arith.index_cast %swap3A_79 : i32 to index
      %swap3A_81 = arith.constant 32 : index
      %swap3A_82 = tpu.vector_load %arg15[%swap3A_80, %swap3A_81] {strides = array<i32>} : memref<2x128xi32, #tpu.memory_space<vmem>>, vector<1x16xi32>,
      %swap3A_83 = vector.shape_cast %swap3A_82 : vector<1x16xi32> to vector<16xi32>
      %swap3A_84 = vector.shape_cast %and3A_78 : vector<16xi32> to vector<1x16xi32>
      tpu.vector_store %arg15[%swap3A_80, %swap3A_81], %swap3A_84 {strides = array<i32>} : memref<2x128xi32, #tpu.memory_space<vmem>>, vector<1x16xi32>,
      %shift_right_logical3A_85 = arith.constant 16 : i32
      %shift_right_logical3A_86 = vector.broadcast %shift_right_logical3A_85 : i32 to vector<16xi32>
      %shift_right_logical3A_87 = arith.shrui %get3A_75, %shift_right_logical3A_86 : vector<16xi32>
      %swap3A_88 = arith.constant 0 : i32
      %swap3A_89 = arith.index_cast %swap3A_88 : i32 to index
      %swap3A_90 = arith.constant 32 : index
      %swap3A_91 = tpu.vector_load %arg16[%swap3A_89, %swap3A_90] {strides = array<i32>} : memref<2x128xi32, #tpu.memory_space<vmem>>, vector<1x16xi32>,
      %swap3A_92 = vector.shape_cast %swap3A_91 : vector<1x16xi32> to vector<16xi32>
      %swap3A_93 = vector.shape_cast %shift_right_logical3A_87 : vector<16xi32> to vector<1x16xi32>
      tpu.vector_store %arg16[%swap3A_89, %swap3A_90], %swap3A_93 {strides = array<i32>} : memref<2x128xi32, #tpu.memory_space<vmem>>, vector<1x16xi32>,
      %get3A_94 = arith.constant 0 : i32
      %get3A_95 = arith.constant 0 : i32
      %get3A_96 = tpu.memref_slice %arg14[%get3A_94, %get3A_95] : memref<80x128xi32, #tpu.memory_space<vmem>> -> memref<1x128xi32, #tpu.memory_space<vmem>>
      %get3A_97 = tpu.memref_squeeze %get3A_96 : memref<1x128xi32, #tpu.memory_space<vmem>> -> memref<128xi32, #tpu.memory_space<vmem>>
      %get3A_98 = arith.constant 48 : index
      %get3A_99 = tpu.vector_load %get3A_97[%get3A_98] {strides = array<i32>} : memref<128xi32, #tpu.memory_space<vmem>>, vector<16xi32>,
      %get3A_100 = vector.shape_cast %get3A_99 : vector<16xi32> to vector<16xi32>
      %and3A_101 = arith.constant 65535 : i32
      %and3A_102 = vector.broadcast %and3A_101 : i32 to vector<16xi32>
      %and3A_103 = arith.andi %get3A_100, %and3A_102 : vector<16xi32>
      %swap3A_104 = arith.constant 0 : i32
      %swap3A_105 = arith.index_cast %swap3A_104 : i32 to index
      %swap3A_106 = arith.constant 48 : index
      %swap3A_107 = tpu.vector_load %arg15[%swap3A_105, %swap3A_106] {strides = array<i32>} : memref<2x128xi32, #tpu.memory_space<vmem>>, vector<1x16xi32>,
      %swap3A_108 = vector.shape_cast %swap3A_107 : vector<1x16xi32> to vector<16xi32>
      %swap3A_109 = vector.shape_cast %and3A_103 : vector<16xi32> to vector<1x16xi32>
      tpu.vector_store %arg15[%swap3A_105, %swap3A_106], %swap3A_109 {strides = array<i32>} : memref<2x128xi32, #tpu.memory_space<vmem>>, vector<1x16xi32>,
      %shift_right_logical3A_110 = arith.constant 16 : i32
      %shift_right_logical3A_111 = vector.broadcast %shift_right_logical3A_110 : i32 to vector<16xi32>
      %shift_right_logical3A_112 = arith.shrui %get3A_100, %shift_right_logical3A_111 : vector<16xi32>
      %swap3A_113 = arith.constant 0 : i32
      %swap3A_114 = arith.index_cast %swap3A_113 : i32 to index
      %swap3A_115 = arith.constant 48 : index
      %swap3A_116 = tpu.vector_load %arg16[%swap3A_114, %swap3A_115] {strides = array<i32>} : memref<2x128xi32, #tpu.memory_space<vmem>>, vector<1x16xi32>,
      %swap3A_117 = vector.shape_cast %swap3A_116 : vector<1x16xi32> to vector<16xi32>
      %swap3A_118 = vector.shape_cast %shift_right_logical3A_112 : vector<16xi32> to vector<1x16xi32>
      tpu.vector_store %arg16[%swap3A_114, %swap3A_115], %swap3A_118 {strides = array<i32>} : memref<2x128xi32, #tpu.memory_space<vmem>>, vector<1x16xi32>,
      %get3A_119 = arith.constant 0 : i32
      %get3A_120 = arith.constant 0 : i32
      %get3A_121 = tpu.memref_slice %arg14[%get3A_119, %get3A_120] : memref<80x128xi32, #tpu.memory_space<vmem>> -> memref<1x128xi32, #tpu.memory_space<vmem>>
      %get3A_122 = tpu.memref_squeeze %get3A_121 : memref<1x128xi32, #tpu.memory_space<vmem>> -> memref<128xi32, #tpu.memory_space<vmem>>
      %get3A_123 = arith.constant 64 : index
      %get3A_124 = tpu.vector_load %get3A_122[%get3A_123] {strides = array<i32>} : memref<128xi32, #tpu.memory_space<vmem>>, vector<16xi32>,
      %get3A_125 = vector.shape_cast %get3A_124 : vector<16xi32> to vector<16xi32>
      %and3A_126 = arith.constant 65535 : i32
      %and3A_127 = vector.broadcast %and3A_126 : i32 to vector<16xi32>
      %and3A_128 = arith.andi %get3A_125, %and3A_127 : vector<16xi32>
      %swap3A_129 = arith.constant 0 : i32
      %swap3A_130 = arith.index_cast %swap3A_129 : i32 to index
      %swap3A_131 = arith.constant 64 : index
      %swap3A_132 = tpu.vector_load %arg15[%swap3A_130, %swap3A_131] {strides = array<i32>} : memref<2x128xi32, #tpu.memory_space<vmem>>, vector<1x16xi32>,
      %swap3A_133 = vector.shape_cast %swap3A_132 : vector<1x16xi32> to vector<16xi32>
      %swap3A_134 = vector.shape_cast %and3A_128 : vector<16xi32> to vector<1x16xi32>
      tpu.vector_store %arg15[%swap3A_130, %swap3A_131], %swap3A_134 {strides = array<i32>} : memref<2x128xi32, #tpu.memory_space<vmem>>, vector<1x16xi32>,
      %shift_right_logical3A_135 = arith.constant 16 : i32
      %shift_right_logical3A_136 = vector.broadcast %shift_right_logical3A_135 : i32 to vector<16xi32>
      %shift_right_logical3A_137 = arith.shrui %get3A_125, %shift_right_logical3A_136 : vector<16xi32>
      %swap3A_138 = arith.constant 0 : i32
      %swap3A_139 = arith.index_cast %swap3A_138 : i32 to index
      %swap3A_140 = arith.constant 64 : index
      %swap3A_141 = tpu.vector_load %arg16[%swap3A_139, %swap3A_140] {strides = array<i32>} : memref<2x128xi32, #tpu.memory_space<vmem>>, vector<1x16xi32>,
      %swap3A_142 = vector.shape_cast %swap3A_141 : vector<1x16xi32> to vector<16xi32>
      %swap3A_143 = vector.shape_cast %shift_right_logical3A_137 : vector<16xi32> to vector<1x16xi32>
      tpu.vector_store %arg16[%swap3A_139, %swap3A_140], %swap3A_143 {strides = array<i32>} : memref<2x128xi32, #tpu.memory_space<vmem>>, vector<1x16xi32>,
      %get3A_144 = arith.constant 0 : i32
      %get3A_145 = arith.constant 0 : i32
      %get3A_146 = tpu.memref_slice %arg14[%get3A_144, %get3A_145] : memref<80x128xi32, #tpu.memory_space<vmem>> -> memref<1x128xi32, #tpu.memory_space<vmem>>
      %get3A_147 = tpu.memref_squeeze %get3A_146 : memref<1x128xi32, #tpu.memory_space<vmem>> -> memref<128xi32, #tpu.memory_space<vmem>>
      %get3A_148 = arith.constant 80 : index
      %get3A_149 = tpu.vector_load %get3A_147[%get3A_148] {strides = array<i32>} : memref<128xi32, #tpu.memory_space<vmem>>, vector<16xi32>,
      %get3A_150 = vector.shape_cast %get3A_149 : vector<16xi32> to vector<16xi32>
      %and3A_151 = arith.constant 65535 : i32
      %and3A_152 = vector.broadcast %and3A_151 : i32 to vector<16xi32>
      %and3A_153 = arith.andi %get3A_150, %and3A_152 : vector<16xi32>
      %swap3A_154 = arith.constant 0 : i32
      %swap3A_155 = arith.index_cast %swap3A_154 : i32 to index
      %swap3A_156 = arith.constant 80 : index
      %swap3A_157 = tpu.vector_load %arg15[%swap3A_155, %swap3A_156] {strides = array<i32>} : memref<2x128xi32, #tpu.memory_space<vmem>>, vector<1x16xi32>,
      %swap3A_158 = vector.shape_cast %swap3A_157 : vector<1x16xi32> to vector<16xi32>
      %swap3A_159 = vector.shape_cast %and3A_153 : vector<16xi32> to vector<1x16xi32>
      tpu.vector_store %arg15[%swap3A_155, %swap3A_156], %swap3A_159 {strides = array<i32>} : memref<2x128xi32, #tpu.memory_space<vmem>>, vector<1x16xi32>,
      %shift_right_logical3A_160 = arith.constant 16 : i32
      %shift_right_logical3A_161 = vector.broadcast %shift_right_logical3A_160 : i32 to vector<16xi32>
      %shift_right_logical3A_162 = arith.shrui %get3A_150, %shift_right_logical3A_161 : vector<16xi32>
      %swap3A_163 = arith.constant 0 : i32
      %swap3A_164 = arith.index_cast %swap3A_163 : i32 to index
      %swap3A_165 = arith.constant 80 : index
      %swap3A_166 = tpu.vector_load %arg16[%swap3A_164, %swap3A_165] {strides = array<i32>} : memref<2x128xi32, #tpu.memory_space<vmem>>, vector<1x16xi32>,
      %swap3A_167 = vector.shape_cast %swap3A_166 : vector<1x16xi32> to vector<16xi32>
      %swap3A_168 = vector.shape_cast %shift_right_logical3A_162 : vector<16xi32> to vector<1x16xi32>
      tpu.vector_store %arg16[%swap3A_164, %swap3A_165], %swap3A_168 {strides = array<i32>} : memref<2x128xi32, #tpu.memory_space<vmem>>, vector<1x16xi32>,
      %get3A_169 = arith.constant 0 : i32
      %get3A_170 = arith.constant 0 : i32
      %get3A_171 = tpu.memref_slice %arg14[%get3A_169, %get3A_170] : memref<80x128xi32, #tpu.memory_space<vmem>> -> memref<1x128xi32, #tpu.memory_space<vmem>>
      %get3A_172 = tpu.memref_squeeze %get3A_171 : memref<1x128xi32, #tpu.memory_space<vmem>> -> memref<128xi32, #tpu.memory_space<vmem>>
      %get3A_173 = arith.constant 96 : index
      %get3A_174 = tpu.vector_load %get3A_172[%get3A_173] {strides = array<i32>} : memref<128xi32, #tpu.memory_space<vmem>>, vector<16xi32>,
      %get3A_175 = vector.shape_cast %get3A_174 : vector<16xi32> to vector<16xi32>
      %and3A_176 = arith.constant 65535 : i32
      %and3A_177 = vector.broadcast %and3A_176 : i32 to vector<16xi32>
      %and3A_178 = arith.andi %get3A_175, %and3A_177 : vector<16xi32>
      %swap3A_179 = arith.constant 0 : i32
      %swap3A_180 = arith.index_cast %swap3A_179 : i32 to index
      %swap3A_181 = arith.constant 96 : index
      %swap3A_182 = tpu.vector_load %arg15[%swap3A_180, %swap3A_181] {strides = array<i32>} : memref<2x128xi32, #tpu.memory_space<vmem>>, vector<1x16xi32>,
      %swap3A_183 = vector.shape_cast %swap3A_182 : vector<1x16xi32> to vector<16xi32>
      %swap3A_184 = vector.shape_cast %and3A_178 : vector<16xi32> to vector<1x16xi32>
      tpu.vector_store %arg15[%swap3A_180, %swap3A_181], %swap3A_184 {strides = array<i32>} : memref<2x128xi32, #tpu.memory_space<vmem>>, vector<1x16xi32>,
      %shift_right_logical3A_185 = arith.constant 16 : i32
      %shift_right_logical3A_186 = vector.broadcast %shift_right_logical3A_185 : i32 to vector<16xi32>
      %shift_right_logical3A_187 = arith.shrui %get3A_175, %shift_right_logical3A_186 : vector<16xi32>
      %swap3A_188 = arith.constant 0 : i32
      %swap3A_189 = arith.index_cast %swap3A_188 : i32 to index
      %swap3A_190 = arith.constant 96 : index
      %swap3A_191 = tpu.vector_load %arg16[%swap3A_189, %swap3A_190] {strides = array<i32>} : memref<2x128xi32, #tpu.memory_space<vmem>>, vector<1x16xi32>,
      %swap3A_192 = vector.shape_cast %swap3A_191 : vector<1x16xi32> to vector<16xi32>
      %swap3A_193 = vector.shape_cast %shift_right_logical3A_187 : vector<16xi32> to vector<1x16xi32>
      tpu.vector_store %arg16[%swap3A_189, %swap3A_190], %swap3A_193 {strides = array<i32>} : memref<2x128xi32, #tpu.memory_space<vmem>>, vector<1x16xi32>,
      %get3A_194 = arith.constant 0 : i32
      %get3A_195 = arith.constant 0 : i32
      %get3A_196 = tpu.memref_slice %arg14[%get3A_194, %get3A_195] : memref<80x128xi32, #tpu.memory_space<vmem>> -> memref<1x128xi32, #tpu.memory_space<vmem>>
      %get3A_197 = tpu.memref_squeeze %get3A_196 : memref<1x128xi32, #tpu.memory_space<vmem>> -> memref<128xi32, #tpu.memory_space<vmem>>
      %get3A_198 = arith.constant 112 : index
      %get3A_199 = tpu.vector_load %get3A_197[%get3A_198] {strides = array<i32>} : memref<128xi32, #tpu.memory_space<vmem>>, vector<16xi32>,
      %get3A_200 = vector.shape_cast %get3A_199 : vector<16xi32> to vector<16xi32>
      %and3A_201 = arith.constant 65535 : i32
      %and3A_202 = vector.broadcast %and3A_201 : i32 to vector<16xi32>
      %and3A_203 = arith.andi %get3A_200, %and3A_202 : vector<16xi32>
      %swap3A_204 = arith.constant 0 : i32
      %swap3A_205 = arith.index_cast %swap3A_204 : i32 to index
      %swap3A_206 = arith.constant 112 : index
      %swap3A_207 = tpu.vector_load %arg15[%swap3A_205, %swap3A_206] {strides = array<i32>} : memref<2x128xi32, #tpu.memory_space<vmem>>, vector<1x16xi32>,
      %swap3A_208 = vector.shape_cast %swap3A_207 : vector<1x16xi32> to vector<16xi32>
      %swap3A_209 = vector.shape_cast %and3A_203 : vector<16xi32> to vector<1x16xi32>
      tpu.vector_store %arg15[%swap3A_205, %swap3A_206], %swap3A_209 {strides = array<i32>} : memref<2x128xi32, #tpu.memory_space<vmem>>, vector<1x16xi32>,
      %shift_right_logical3A_210 = arith.constant 16 : i32
      %shift_right_logical3A_211 = vector.broadcast %shift_right_logical3A_210 : i32 to vector<16xi32>
      %shift_right_logical3A_212 = arith.shrui %get3A_200, %shift_right_logical3A_211 : vector<16xi32>
      %swap3A_213 = arith.constant 0 : i32
      %swap3A_214 = arith.index_cast %swap3A_213 : i32 to index
      %swap3A_215 = arith.constant 112 : index
      %swap3A_216 = tpu.vector_load %arg16[%swap3A_214, %swap3A_215] {strides = array<i32>} : memref<2x128xi32, #tpu.memory_space<vmem>>, vector<1x16xi32>,
      %swap3A_217 = vector.shape_cast %swap3A_216 : vector<1x16xi32> to vector<16xi32>
      %swap3A_218 = vector.shape_cast %shift_right_logical3A_212 : vector<16xi32> to vector<1x16xi32>
      tpu.vector_store %arg16[%swap3A_214, %swap3A_215], %swap3A_218 {strides = array<i32>} : memref<2x128xi32, #tpu.memory_space<vmem>>, vector<1x16xi32>,
      %dma_start3A = arith.constant 0 : i32
      %dma_start3A_219 = arith.constant 0 : i32
      %dma_start3A_220 = arith.constant 0 : i32
      %dma_start3A_221 = arith.constant 0 : i32
      %dma_start3A_222 = arith.constant 0 : i32
      %dma_start3A_223 = tpu.memref_slice %arg17[%dma_start3A_219, %dma_start3A_221, %dma_start3A_222] : memref<2x128x128xf32, #tpu.memory_space<vmem>> -> memref<1x128x128xf32, #tpu.memory_space<vmem>>
      %dma_start3A_224 = tpu.memref_squeeze %dma_start3A_223 : memref<1x128x128xf32, #tpu.memory_space<vmem>> -> memref<128x128xf32, #tpu.memory_space<vmem>>
      %dma_start3A_225 = arith.constant 0 : i32
      %dma_start3A_226 = tpu.memref_slice %arg15[%dma_start3A, %dma_start3A_225] : memref<2x128xi32, #tpu.memory_space<vmem>> -> memref<1x128xi32, #tpu.memory_space<vmem>>
      %dma_start3A_227 = tpu.memref_squeeze %dma_start3A_226 : memref<1x128xi32, #tpu.memory_space<vmem>> -> memref<128xi32, #tpu.memory_space<vmem>>
      %dma_start3A_228 = arith.constant 0 : i32
      %dma_start3A_229 = arith.constant 0 : i32
      %dma_start3A_230 = tpu.memref_slice %arg3[%dma_start3A_228, %dma_start3A_229] : memref<10000x128xf32, #tpu.memory_space<hbm>> -> memref<10000x128xf32, #tpu.memory_space<hbm>>
      %dma_start3A_231 = tpu.memref_slice %arg19[%dma_start3A_220] : memref<2x!tpu.dma_semaphore, #tpu.memory_space<semaphore_mem>> -> memref<1x!tpu.dma_semaphore, #tpu.memory_space<semaphore_mem>>
      %dma_start3A_232 = tpu.memref_squeeze %dma_start3A_231 : memref<1x!tpu.dma_semaphore, #tpu.memory_space<semaphore_mem>> -> memref<!tpu.dma_semaphore, #tpu.memory_space<semaphore_mem>>
      tpu.enqueue_indirect_dma source(%dma_start3A_230 : memref<10000x128xf32, #tpu.memory_space<hbm>>) target(%dma_start3A_224 : memref<128x128xf32, #tpu.memory_space<vmem>>) offsets(%dma_start3A_227 : memref<128xi32, #tpu.memory_space<vmem>>) semaphore(%dma_start3A_232 : memref<!tpu.dma_semaphore, #tpu.memory_space<semaphore_mem>>)
      %scan3A = arith.constant 0 : i32
      %scan3A_233 = arith.constant 0 : i32
      %scan3A_234 = arith.constant 80 : i32
      %scan3A_235 = arith.addi %scan3A_233, %scan3A_234 : i32
      %scan3A_236 = arith.constant 1 : i32
      scf.for %scan3A_249 = %scan3A_233 to %scan3A_235 step %scan3A_236  : i32 {
        %rem3A = arith.constant 2 : i32
        %rem3A_250 = arith.remsi %scan3A_249, %rem3A : i32
        %sub3A = arith.constant 1 : i32
        %sub3A_251 = arith.subi %sub3A, %rem3A_250 : i32
        %ge3A = arith.constant 1 : i32
        %ge3A_252 = arith.cmpi sge, %scan3A_249, %ge3A : i32
        %convert_element_type3A_253 = arith.extui %ge3A_252 : i1 to i32
        %cond3A_254 = arith.constant 0 : i32
        %cond3A_255 = arith.cmpi ne, %convert_element_type3A_253, %cond3A_254 : i32
        scf.if %cond3A_255 {
          %dma_wait3A_283 = arith.constant 0 : i32
          %dma_wait3A_284 = arith.constant 0 : i32
          %dma_wait3A_285 = tpu.memref_slice %arg17[%sub3A_251, %dma_wait3A_283, %dma_wait3A_284] : memref<2x128x128xf32, #tpu.memory_space<vmem>> -> memref<1x128x128xf32, #tpu.memory_space<vmem>>
          %dma_wait3A_286 = tpu.memref_squeeze %dma_wait3A_285 : memref<1x128x128xf32, #tpu.memory_space<vmem>> -> memref<128x128xf32, #tpu.memory_space<vmem>>
          %dma_wait3A_287 = arith.constant 0 : i32
          %dma_wait3A_288 = tpu.memref_slice %arg16[%sub3A_251, %dma_wait3A_287] : memref<2x128xi32, #tpu.memory_space<vmem>> -> memref<1x128xi32, #tpu.memory_space<vmem>>
          %dma_wait3A_289 = tpu.memref_squeeze %dma_wait3A_288 : memref<1x128xi32, #tpu.memory_space<vmem>> -> memref<128xi32, #tpu.memory_space<vmem>>
          %dma_wait3A_290 = arith.constant 0 : i32
          %dma_wait3A_291 = arith.constant 0 : i32
          %dma_wait3A_292 = tpu.memref_slice %arg12[%dma_wait3A_290, %dma_wait3A_291] : memref<10112x128xf32, #tpu.memory_space<vmem_shared>> -> memref<10112x128xf32, #tpu.memory_space<vmem_shared>>
          tpu.wait_indirect_dma semaphore(%arg20 : memref<!tpu.dma_semaphore, #tpu.memory_space<semaphore_mem>>) src(%dma_wait3A_286 : memref<128x128xf32, #tpu.memory_space<vmem>>) dst(%dma_wait3A_292 : memref<10112x128xf32, #tpu.memory_space<vmem_shared>>)
        } else {
        }
        %add3A = arith.constant 1 : i32
        %add3A_256 = arith.addi %scan3A_249, %add3A : i32
        %lt3A = arith.constant 80 : i32
        %lt3A_257 = arith.cmpi slt, %add3A_256, %lt3A : i32
        %convert_element_type3A_258 = arith.extui %lt3A_257 : i1 to i32
        %cond3A_259 = arith.constant 0 : i32
        %cond3A_260 = arith.cmpi ne, %convert_element_type3A_258, %cond3A_259 : i32
        scf.if %cond3A_260 {
          %add3A_283 = arith.constant 1 : i32
          %add3A_284 = arith.addi %scan3A_249, %add3A_283 : i32
          %get3A_285 = arith.constant 0 : i32
          %get3A_286 = tpu.memref_slice %arg14[%add3A_284, %get3A_285] : memref<80x128xi32, #tpu.memory_space<vmem>> -> memref<1x128xi32, #tpu.memory_space<vmem>>
          %get3A_287 = tpu.memref_squeeze %get3A_286 : memref<1x128xi32, #tpu.memory_space<vmem>> -> memref<128xi32, #tpu.memory_space<vmem>>
          %get3A_288 = arith.constant 0 : index
          %get3A_289 = tpu.vector_load %get3A_287[%get3A_288] {strides = array<i32>} : memref<128xi32, #tpu.memory_space<vmem>>, vector<16xi32>,
          %get3A_290 = vector.shape_cast %get3A_289 : vector<16xi32> to vector<16xi32>
          %and3A_291 = arith.constant 65535 : i32
          %and3A_292 = vector.broadcast %and3A_291 : i32 to vector<16xi32>
          %and3A_293 = arith.andi %get3A_290, %and3A_292 : vector<16xi32>
          %swap3A_294 = arith.index_cast %sub3A_251 : i32 to index
          %swap3A_295 = arith.constant 0 : index
          %swap3A_296 = tpu.vector_load %arg15[%swap3A_294, %swap3A_295] {strides = array<i32>} : memref<2x128xi32, #tpu.memory_space<vmem>>, vector<1x16xi32>,
          %swap3A_297 = vector.shape_cast %swap3A_296 : vector<1x16xi32> to vector<16xi32>
          %swap3A_298 = vector.shape_cast %and3A_293 : vector<16xi32> to vector<1x16xi32>
          tpu.vector_store %arg15[%swap3A_294, %swap3A_295], %swap3A_298 {strides = array<i32>} : memref<2x128xi32, #tpu.memory_space<vmem>>, vector<1x16xi32>,
          %shift_right_logical3A_299 = arith.constant 16 : i32
          %shift_right_logical3A_300 = vector.broadcast %shift_right_logical3A_299 : i32 to vector<16xi32>
          %shift_right_logical3A_301 = arith.shrui %get3A_290, %shift_right_logical3A_300 : vector<16xi32>
          %swap3A_302 = arith.index_cast %sub3A_251 : i32 to index
          %swap3A_303 = arith.constant 0 : index
          %swap3A_304 = tpu.vector_load %arg16[%swap3A_302, %swap3A_303] {strides = array<i32>} : memref<2x128xi32, #tpu.memory_space<vmem>>, vector<1x16xi32>,
          %swap3A_305 = vector.shape_cast %swap3A_304 : vector<1x16xi32> to vector<16xi32>
          %swap3A_306 = vector.shape_cast %shift_right_logical3A_301 : vector<16xi32> to vector<1x16xi32>
          tpu.vector_store %arg16[%swap3A_302, %swap3A_303], %swap3A_306 {strides = array<i32>} : memref<2x128xi32, #tpu.memory_space<vmem>>, vector<1x16xi32>,
          %get3A_307 = arith.constant 0 : i32
          %get3A_308 = tpu.memref_slice %arg14[%add3A_284, %get3A_307] : memref<80x128xi32, #tpu.memory_space<vmem>> -> memref<1x128xi32, #tpu.memory_space<vmem>>
          %get3A_309 = tpu.memref_squeeze %get3A_308 : memref<1x128xi32, #tpu.memory_space<vmem>> -> memref<128xi32, #tpu.memory_space<vmem>>
          %get3A_310 = arith.constant 16 : index
          %get3A_311 = tpu.vector_load %get3A_309[%get3A_310] {strides = array<i32>} : memref<128xi32, #tpu.memory_space<vmem>>, vector<16xi32>,
          %get3A_312 = vector.shape_cast %get3A_311 : vector<16xi32> to vector<16xi32>
          %and3A_313 = arith.constant 65535 : i32
          %and3A_314 = vector.broadcast %and3A_313 : i32 to vector<16xi32>
          %and3A_315 = arith.andi %get3A_312, %and3A_314 : vector<16xi32>
          %swap3A_316 = arith.index_cast %sub3A_251 : i32 to index
          %swap3A_317 = arith.constant 16 : index
          %swap3A_318 = tpu.vector_load %arg15[%swap3A_316, %swap3A_317] {strides = array<i32>} : memref<2x128xi32, #tpu.memory_space<vmem>>, vector<1x16xi32>,
          %swap3A_319 = vector.shape_cast %swap3A_318 : vector<1x16xi32> to vector<16xi32>
          %swap3A_320 = vector.shape_cast %and3A_315 : vector<16xi32> to vector<1x16xi32>
          tpu.vector_store %arg15[%swap3A_316, %swap3A_317], %swap3A_320 {strides = array<i32>} : memref<2x128xi32, #tpu.memory_space<vmem>>, vector<1x16xi32>,
          %shift_right_logical3A_321 = arith.constant 16 : i32
          %shift_right_logical3A_322 = vector.broadcast %shift_right_logical3A_321 : i32 to vector<16xi32>
          %shift_right_logical3A_323 = arith.shrui %get3A_312, %shift_right_logical3A_322 : vector<16xi32>
          %swap3A_324 = arith.index_cast %sub3A_251 : i32 to index
          %swap3A_325 = arith.constant 16 : index
          %swap3A_326 = tpu.vector_load %arg16[%swap3A_324, %swap3A_325] {strides = array<i32>} : memref<2x128xi32, #tpu.memory_space<vmem>>, vector<1x16xi32>,
          %swap3A_327 = vector.shape_cast %swap3A_326 : vector<1x16xi32> to vector<16xi32>
          %swap3A_328 = vector.shape_cast %shift_right_logical3A_323 : vector<16xi32> to vector<1x16xi32>
          tpu.vector_store %arg16[%swap3A_324, %swap3A_325], %swap3A_328 {strides = array<i32>} : memref<2x128xi32, #tpu.memory_space<vmem>>, vector<1x16xi32>,
          %get3A_329 = arith.constant 0 : i32
          %get3A_330 = tpu.memref_slice %arg14[%add3A_284, %get3A_329] : memref<80x128xi32, #tpu.memory_space<vmem>> -> memref<1x128xi32, #tpu.memory_space<vmem>>
          %get3A_331 = tpu.memref_squeeze %get3A_330 : memref<1x128xi32, #tpu.memory_space<vmem>> -> memref<128xi32, #tpu.memory_space<vmem>>
          %get3A_332 = arith.constant 32 : index
          %get3A_333 = tpu.vector_load %get3A_331[%get3A_332] {strides = array<i32>} : memref<128xi32, #tpu.memory_space<vmem>>, vector<16xi32>,
          %get3A_334 = vector.shape_cast %get3A_333 : vector<16xi32> to vector<16xi32>
          %and3A_335 = arith.constant 65535 : i32
          %and3A_336 = vector.broadcast %and3A_335 : i32 to vector<16xi32>
          %and3A_337 = arith.andi %get3A_334, %and3A_336 : vector<16xi32>
          %swap3A_338 = arith.index_cast %sub3A_251 : i32 to index
          %swap3A_339 = arith.constant 32 : index
          %swap3A_340 = tpu.vector_load %arg15[%swap3A_338, %swap3A_339] {strides = array<i32>} : memref<2x128xi32, #tpu.memory_space<vmem>>, vector<1x16xi32>,
          %swap3A_341 = vector.shape_cast %swap3A_340 : vector<1x16xi32> to vector<16xi32>
          %swap3A_342 = vector.shape_cast %and3A_337 : vector<16xi32> to vector<1x16xi32>
          tpu.vector_store %arg15[%swap3A_338, %swap3A_339], %swap3A_342 {strides = array<i32>} : memref<2x128xi32, #tpu.memory_space<vmem>>, vector<1x16xi32>,
          %shift_right_logical3A_343 = arith.constant 16 : i32
          %shift_right_logical3A_344 = vector.broadcast %shift_right_logical3A_343 : i32 to vector<16xi32>
          %shift_right_logical3A_345 = arith.shrui %get3A_334, %shift_right_logical3A_344 : vector<16xi32>
          %swap3A_346 = arith.index_cast %sub3A_251 : i32 to index
          %swap3A_347 = arith.constant 32 : index
          %swap3A_348 = tpu.vector_load %arg16[%swap3A_346, %swap3A_347] {strides = array<i32>} : memref<2x128xi32, #tpu.memory_space<vmem>>, vector<1x16xi32>,
          %swap3A_349 = vector.shape_cast %swap3A_348 : vector<1x16xi32> to vector<16xi32>
          %swap3A_350 = vector.shape_cast %shift_right_logical3A_345 : vector<16xi32> to vector<1x16xi32>
          tpu.vector_store %arg16[%swap3A_346, %swap3A_347], %swap3A_350 {strides = array<i32>} : memref<2x128xi32, #tpu.memory_space<vmem>>, vector<1x16xi32>,
          %get3A_351 = arith.constant 0 : i32
          %get3A_352 = tpu.memref_slice %arg14[%add3A_284, %get3A_351] : memref<80x128xi32, #tpu.memory_space<vmem>> -> memref<1x128xi32, #tpu.memory_space<vmem>>
          %get3A_353 = tpu.memref_squeeze %get3A_352 : memref<1x128xi32, #tpu.memory_space<vmem>> -> memref<128xi32, #tpu.memory_space<vmem>>
          %get3A_354 = arith.constant 48 : index
          %get3A_355 = tpu.vector_load %get3A_353[%get3A_354] {strides = array<i32>} : memref<128xi32, #tpu.memory_space<vmem>>, vector<16xi32>,
          %get3A_356 = vector.shape_cast %get3A_355 : vector<16xi32> to vector<16xi32>
          %and3A_357 = arith.constant 65535 : i32
          %and3A_358 = vector.broadcast %and3A_357 : i32 to vector<16xi32>
          %and3A_359 = arith.andi %get3A_356, %and3A_358 : vector<16xi32>
          %swap3A_360 = arith.index_cast %sub3A_251 : i32 to index
          %swap3A_361 = arith.constant 48 : index
          %swap3A_362 = tpu.vector_load %arg15[%swap3A_360, %swap3A_361] {strides = array<i32>} : memref<2x128xi32, #tpu.memory_space<vmem>>, vector<1x16xi32>,
          %swap3A_363 = vector.shape_cast %swap3A_362 : vector<1x16xi32> to vector<16xi32>
          %swap3A_364 = vector.shape_cast %and3A_359 : vector<16xi32> to vector<1x16xi32>
          tpu.vector_store %arg15[%swap3A_360, %swap3A_361], %swap3A_364 {strides = array<i32>} : memref<2x128xi32, #tpu.memory_space<vmem>>, vector<1x16xi32>,
          %shift_right_logical3A_365 = arith.constant 16 : i32
          %shift_right_logical3A_366 = vector.broadcast %shift_right_logical3A_365 : i32 to vector<16xi32>
          %shift_right_logical3A_367 = arith.shrui %get3A_356, %shift_right_logical3A_366 : vector<16xi32>
          %swap3A_368 = arith.index_cast %sub3A_251 : i32 to index
          %swap3A_369 = arith.constant 48 : index
          %swap3A_370 = tpu.vector_load %arg16[%swap3A_368, %swap3A_369] {strides = array<i32>} : memref<2x128xi32, #tpu.memory_space<vmem>>, vector<1x16xi32>,
          %swap3A_371 = vector.shape_cast %swap3A_370 : vector<1x16xi32> to vector<16xi32>
          %swap3A_372 = vector.shape_cast %shift_right_logical3A_367 : vector<16xi32> to vector<1x16xi32>
          tpu.vector_store %arg16[%swap3A_368, %swap3A_369], %swap3A_372 {strides = array<i32>} : memref<2x128xi32, #tpu.memory_space<vmem>>, vector<1x16xi32>,
          %get3A_373 = arith.constant 0 : i32
          %get3A_374 = tpu.memref_slice %arg14[%add3A_284, %get3A_373] : memref<80x128xi32, #tpu.memory_space<vmem>> -> memref<1x128xi32, #tpu.memory_space<vmem>>
          %get3A_375 = tpu.memref_squeeze %get3A_374 : memref<1x128xi32, #tpu.memory_space<vmem>> -> memref<128xi32, #tpu.memory_space<vmem>>
          %get3A_376 = arith.constant 64 : index
          %get3A_377 = tpu.vector_load %get3A_375[%get3A_376] {strides = array<i32>} : memref<128xi32, #tpu.memory_space<vmem>>, vector<16xi32>,
          %get3A_378 = vector.shape_cast %get3A_377 : vector<16xi32> to vector<16xi32>
          %and3A_379 = arith.constant 65535 : i32
          %and3A_380 = vector.broadcast %and3A_379 : i32 to vector<16xi32>
          %and3A_381 = arith.andi %get3A_378, %and3A_380 : vector<16xi32>
          %swap3A_382 = arith.index_cast %sub3A_251 : i32 to index
          %swap3A_383 = arith.constant 64 : index
          %swap3A_384 = tpu.vector_load %arg15[%swap3A_382, %swap3A_383] {strides = array<i32>} : memref<2x128xi32, #tpu.memory_space<vmem>>, vector<1x16xi32>,
          %swap3A_385 = vector.shape_cast %swap3A_384 : vector<1x16xi32> to vector<16xi32>
          %swap3A_386 = vector.shape_cast %and3A_381 : vector<16xi32> to vector<1x16xi32>
          tpu.vector_store %arg15[%swap3A_382, %swap3A_383], %swap3A_386 {strides = array<i32>} : memref<2x128xi32, #tpu.memory_space<vmem>>, vector<1x16xi32>,
          %shift_right_logical3A_387 = arith.constant 16 : i32
          %shift_right_logical3A_388 = vector.broadcast %shift_right_logical3A_387 : i32 to vector<16xi32>
          %shift_right_logical3A_389 = arith.shrui %get3A_378, %shift_right_logical3A_388 : vector<16xi32>
          %swap3A_390 = arith.index_cast %sub3A_251 : i32 to index
          %swap3A_391 = arith.constant 64 : index
          %swap3A_392 = tpu.vector_load %arg16[%swap3A_390, %swap3A_391] {strides = array<i32>} : memref<2x128xi32, #tpu.memory_space<vmem>>, vector<1x16xi32>,
          %swap3A_393 = vector.shape_cast %swap3A_392 : vector<1x16xi32> to vector<16xi32>
          %swap3A_394 = vector.shape_cast %shift_right_logical3A_389 : vector<16xi32> to vector<1x16xi32>
          tpu.vector_store %arg16[%swap3A_390, %swap3A_391], %swap3A_394 {strides = array<i32>} : memref<2x128xi32, #tpu.memory_space<vmem>>, vector<1x16xi32>,
          %get3A_395 = arith.constant 0 : i32
          %get3A_396 = tpu.memref_slice %arg14[%add3A_284, %get3A_395] : memref<80x128xi32, #tpu.memory_space<vmem>> -> memref<1x128xi32, #tpu.memory_space<vmem>>
          %get3A_397 = tpu.memref_squeeze %get3A_396 : memref<1x128xi32, #tpu.memory_space<vmem>> -> memref<128xi32, #tpu.memory_space<vmem>>
          %get3A_398 = arith.constant 80 : index
          %get3A_399 = tpu.vector_load %get3A_397[%get3A_398] {strides = array<i32>} : memref<128xi32, #tpu.memory_space<vmem>>, vector<16xi32>,
          %get3A_400 = vector.shape_cast %get3A_399 : vector<16xi32> to vector<16xi32>
          %and3A_401 = arith.constant 65535 : i32
          %and3A_402 = vector.broadcast %and3A_401 : i32 to vector<16xi32>
          %and3A_403 = arith.andi %get3A_400, %and3A_402 : vector<16xi32>
          %swap3A_404 = arith.index_cast %sub3A_251 : i32 to index
          %swap3A_405 = arith.constant 80 : index
          %swap3A_406 = tpu.vector_load %arg15[%swap3A_404, %swap3A_405] {strides = array<i32>} : memref<2x128xi32, #tpu.memory_space<vmem>>, vector<1x16xi32>,
          %swap3A_407 = vector.shape_cast %swap3A_406 : vector<1x16xi32> to vector<16xi32>
          %swap3A_408 = vector.shape_cast %and3A_403 : vector<16xi32> to vector<1x16xi32>
          tpu.vector_store %arg15[%swap3A_404, %swap3A_405], %swap3A_408 {strides = array<i32>} : memref<2x128xi32, #tpu.memory_space<vmem>>, vector<1x16xi32>,
          %shift_right_logical3A_409 = arith.constant 16 : i32
          %shift_right_logical3A_410 = vector.broadcast %shift_right_logical3A_409 : i32 to vector<16xi32>
          %shift_right_logical3A_411 = arith.shrui %get3A_400, %shift_right_logical3A_410 : vector<16xi32>
          %swap3A_412 = arith.index_cast %sub3A_251 : i32 to index
          %swap3A_413 = arith.constant 80 : index
          %swap3A_414 = tpu.vector_load %arg16[%swap3A_412, %swap3A_413] {strides = array<i32>} : memref<2x128xi32, #tpu.memory_space<vmem>>, vector<1x16xi32>,
          %swap3A_415 = vector.shape_cast %swap3A_414 : vector<1x16xi32> to vector<16xi32>
          %swap3A_416 = vector.shape_cast %shift_right_logical3A_411 : vector<16xi32> to vector<1x16xi32>
          tpu.vector_store %arg16[%swap3A_412, %swap3A_413], %swap3A_416 {strides = array<i32>} : memref<2x128xi32, #tpu.memory_space<vmem>>, vector<1x16xi32>,
          %get3A_417 = arith.constant 0 : i32
          %get3A_418 = tpu.memref_slice %arg14[%add3A_284, %get3A_417] : memref<80x128xi32, #tpu.memory_space<vmem>> -> memref<1x128xi32, #tpu.memory_space<vmem>>
          %get3A_419 = tpu.memref_squeeze %get3A_418 : memref<1x128xi32, #tpu.memory_space<vmem>> -> memref<128xi32, #tpu.memory_space<vmem>>
          %get3A_420 = arith.constant 96 : index
          %get3A_421 = tpu.vector_load %get3A_419[%get3A_420] {strides = array<i32>} : memref<128xi32, #tpu.memory_space<vmem>>, vector<16xi32>,
          %get3A_422 = vector.shape_cast %get3A_421 : vector<16xi32> to vector<16xi32>
          %and3A_423 = arith.constant 65535 : i32
          %and3A_424 = vector.broadcast %and3A_423 : i32 to vector<16xi32>
          %and3A_425 = arith.andi %get3A_422, %and3A_424 : vector<16xi32>
          %swap3A_426 = arith.index_cast %sub3A_251 : i32 to index
          %swap3A_427 = arith.constant 96 : index
          %swap3A_428 = tpu.vector_load %arg15[%swap3A_426, %swap3A_427] {strides = array<i32>} : memref<2x128xi32, #tpu.memory_space<vmem>>, vector<1x16xi32>,
          %swap3A_429 = vector.shape_cast %swap3A_428 : vector<1x16xi32> to vector<16xi32>
          %swap3A_430 = vector.shape_cast %and3A_425 : vector<16xi32> to vector<1x16xi32>
          tpu.vector_store %arg15[%swap3A_426, %swap3A_427], %swap3A_430 {strides = array<i32>} : memref<2x128xi32, #tpu.memory_space<vmem>>, vector<1x16xi32>,
          %shift_right_logical3A_431 = arith.constant 16 : i32
          %shift_right_logical3A_432 = vector.broadcast %shift_right_logical3A_431 : i32 to vector<16xi32>
          %shift_right_logical3A_433 = arith.shrui %get3A_422, %shift_right_logical3A_432 : vector<16xi32>
          %swap3A_434 = arith.index_cast %sub3A_251 : i32 to index
          %swap3A_435 = arith.constant 96 : index
          %swap3A_436 = tpu.vector_load %arg16[%swap3A_434, %swap3A_435] {strides = array<i32>} : memref<2x128xi32, #tpu.memory_space<vmem>>, vector<1x16xi32>,
          %swap3A_437 = vector.shape_cast %swap3A_436 : vector<1x16xi32> to vector<16xi32>
          %swap3A_438 = vector.shape_cast %shift_right_logical3A_433 : vector<16xi32> to vector<1x16xi32>
          tpu.vector_store %arg16[%swap3A_434, %swap3A_435], %swap3A_438 {strides = array<i32>} : memref<2x128xi32, #tpu.memory_space<vmem>>, vector<1x16xi32>,
          %get3A_439 = arith.constant 0 : i32
          %get3A_440 = tpu.memref_slice %arg14[%add3A_284, %get3A_439] : memref<80x128xi32, #tpu.memory_space<vmem>> -> memref<1x128xi32, #tpu.memory_space<vmem>>
          %get3A_441 = tpu.memref_squeeze %get3A_440 : memref<1x128xi32, #tpu.memory_space<vmem>> -> memref<128xi32, #tpu.memory_space<vmem>>
          %get3A_442 = arith.constant 112 : index
          %get3A_443 = tpu.vector_load %get3A_441[%get3A_442] {strides = array<i32>} : memref<128xi32, #tpu.memory_space<vmem>>, vector<16xi32>,
          %get3A_444 = vector.shape_cast %get3A_443 : vector<16xi32> to vector<16xi32>
          %and3A_445 = arith.constant 65535 : i32
          %and3A_446 = vector.broadcast %and3A_445 : i32 to vector<16xi32>
          %and3A_447 = arith.andi %get3A_444, %and3A_446 : vector<16xi32>
          %swap3A_448 = arith.index_cast %sub3A_251 : i32 to index
          %swap3A_449 = arith.constant 112 : index
          %swap3A_450 = tpu.vector_load %arg15[%swap3A_448, %swap3A_449] {strides = array<i32>} : memref<2x128xi32, #tpu.memory_space<vmem>>, vector<1x16xi32>,
          %swap3A_451 = vector.shape_cast %swap3A_450 : vector<1x16xi32> to vector<16xi32>
          %swap3A_452 = vector.shape_cast %and3A_447 : vector<16xi32> to vector<1x16xi32>
          tpu.vector_store %arg15[%swap3A_448, %swap3A_449], %swap3A_452 {strides = array<i32>} : memref<2x128xi32, #tpu.memory_space<vmem>>, vector<1x16xi32>,
          %shift_right_logical3A_453 = arith.constant 16 : i32
          %shift_right_logical3A_454 = vector.broadcast %shift_right_logical3A_453 : i32 to vector<16xi32>
          %shift_right_logical3A_455 = arith.shrui %get3A_444, %shift_right_logical3A_454 : vector<16xi32>
          %swap3A_456 = arith.index_cast %sub3A_251 : i32 to index
          %swap3A_457 = arith.constant 112 : index
          %swap3A_458 = tpu.vector_load %arg16[%swap3A_456, %swap3A_457] {strides = array<i32>} : memref<2x128xi32, #tpu.memory_space<vmem>>, vector<1x16xi32>,
          %swap3A_459 = vector.shape_cast %swap3A_458 : vector<1x16xi32> to vector<16xi32>
          %swap3A_460 = vector.shape_cast %shift_right_logical3A_455 : vector<16xi32> to vector<1x16xi32>
          tpu.vector_store %arg16[%swap3A_456, %swap3A_457], %swap3A_460 {strides = array<i32>} : memref<2x128xi32, #tpu.memory_space<vmem>>, vector<1x16xi32>,
          %dma_start3A_461 = arith.constant 0 : i32
          %dma_start3A_462 = arith.constant 0 : i32
          %dma_start3A_463 = tpu.memref_slice %arg17[%sub3A_251, %dma_start3A_461, %dma_start3A_462] : memref<2x128x128xf32, #tpu.memory_space<vmem>> -> memref<1x128x128xf32, #tpu.memory_space<vmem>>
          %dma_start3A_464 = tpu.memref_squeeze %dma_start3A_463 : memref<1x128x128xf32, #tpu.memory_space<vmem>> -> memref<128x128xf32, #tpu.memory_space<vmem>>
          %dma_start3A_465 = arith.constant 0 : i32
          %dma_start3A_466 = tpu.memref_slice %arg15[%sub3A_251, %dma_start3A_465] : memref<2x128xi32, #tpu.memory_space<vmem>> -> memref<1x128xi32, #tpu.memory_space<vmem>>
          %dma_start3A_467 = tpu.memref_squeeze %dma_start3A_466 : memref<1x128xi32, #tpu.memory_space<vmem>> -> memref<128xi32, #tpu.memory_space<vmem>>
          %dma_start3A_468 = arith.constant 0 : i32
          %dma_start3A_469 = arith.constant 0 : i32
          %dma_start3A_470 = tpu.memref_slice %arg3[%dma_start3A_468, %dma_start3A_469] : memref<10000x128xf32, #tpu.memory_space<hbm>> -> memref<10000x128xf32, #tpu.memory_space<hbm>>
          %dma_start3A_471 = tpu.memref_slice %arg19[%sub3A_251] : memref<2x!tpu.dma_semaphore, #tpu.memory_space<semaphore_mem>> -> memref<1x!tpu.dma_semaphore, #tpu.memory_space<semaphore_mem>>
          %dma_start3A_472 = tpu.memref_squeeze %dma_start3A_471 : memref<1x!tpu.dma_semaphore, #tpu.memory_space<semaphore_mem>> -> memref<!tpu.dma_semaphore, #tpu.memory_space<semaphore_mem>>
          tpu.enqueue_indirect_dma source(%dma_start3A_470 : memref<10000x128xf32, #tpu.memory_space<hbm>>) target(%dma_start3A_464 : memref<128x128xf32, #tpu.memory_space<vmem>>) offsets(%dma_start3A_467 : memref<128xi32, #tpu.memory_space<vmem>>) semaphore(%dma_start3A_472 : memref<!tpu.dma_semaphore, #tpu.memory_space<semaphore_mem>>)
        } else {
        }
        %dma_wait3A_261 = arith.constant 0 : i32
        %dma_wait3A_262 = arith.constant 0 : i32
        %dma_wait3A_263 = tpu.memref_slice %arg17[%rem3A_250, %dma_wait3A_261, %dma_wait3A_262] : memref<2x128x128xf32, #tpu.memory_space<vmem>> -> memref<1x128x128xf32, #tpu.memory_space<vmem>>
        %dma_wait3A_264 = tpu.memref_squeeze %dma_wait3A_263 : memref<1x128x128xf32, #tpu.memory_space<vmem>> -> memref<128x128xf32, #tpu.memory_space<vmem>>
        %dma_wait3A_265 = arith.constant 0 : i32
        %dma_wait3A_266 = tpu.memref_slice %arg15[%rem3A_250, %dma_wait3A_265] : memref<2x128xi32, #tpu.memory_space<vmem>> -> memref<1x128xi32, #tpu.memory_space<vmem>>
        %dma_wait3A_267 = tpu.memref_squeeze %dma_wait3A_266 : memref<1x128xi32, #tpu.memory_space<vmem>> -> memref<128xi32, #tpu.memory_space<vmem>>
        %dma_wait3A_268 = arith.constant 0 : i32
        %dma_wait3A_269 = arith.constant 0 : i32
        %dma_wait3A_270 = tpu.memref_slice %arg3[%dma_wait3A_268, %dma_wait3A_269] : memref<10000x128xf32, #tpu.memory_space<hbm>> -> memref<10000x128xf32, #tpu.memory_space<hbm>>
        %dma_wait3A_271 = tpu.memref_slice %arg19[%rem3A_250] : memref<2x!tpu.dma_semaphore, #tpu.memory_space<semaphore_mem>> -> memref<1x!tpu.dma_semaphore, #tpu.memory_space<semaphore_mem>>
        %dma_wait3A_272 = tpu.memref_squeeze %dma_wait3A_271 : memref<1x!tpu.dma_semaphore, #tpu.memory_space<semaphore_mem>> -> memref<!tpu.dma_semaphore, #tpu.memory_space<semaphore_mem>>
        tpu.wait_indirect_dma semaphore(%dma_wait3A_272 : memref<!tpu.dma_semaphore, #tpu.memory_space<semaphore_mem>>) src(%dma_wait3A_270 : memref<10000x128xf32, #tpu.memory_space<hbm>>) dst(%dma_wait3A_264 : memref<128x128xf32, #tpu.memory_space<vmem>>)
        %dma_start3A_273 = arith.constant 0 : i32
        %dma_start3A_274 = arith.constant 0 : i32
        %dma_start3A_275 = tpu.memref_slice %arg17[%rem3A_250, %dma_start3A_273, %dma_start3A_274] : memref<2x128x128xf32, #tpu.memory_space<vmem>> -> memref<1x128x128xf32, #tpu.memory_space<vmem>>
        %dma_start3A_276 = tpu.memref_squeeze %dma_start3A_275 : memref<1x128x128xf32, #tpu.memory_space<vmem>> -> memref<128x128xf32, #tpu.memory_space<vmem>>
        %dma_start3A_277 = arith.constant 0 : i32
        %dma_start3A_278 = tpu.memref_slice %arg16[%rem3A_250, %dma_start3A_277] : memref<2x128xi32, #tpu.memory_space<vmem>> -> memref<1x128xi32, #tpu.memory_space<vmem>>
        %dma_start3A_279 = tpu.memref_squeeze %dma_start3A_278 : memref<1x128xi32, #tpu.memory_space<vmem>> -> memref<128xi32, #tpu.memory_space<vmem>>
        %dma_start3A_280 = arith.constant 0 : i32
        %dma_start3A_281 = arith.constant 0 : i32
        %dma_start3A_282 = tpu.memref_slice %arg12[%dma_start3A_280, %dma_start3A_281] : memref<10112x128xf32, #tpu.memory_space<vmem_shared>> -> memref<10112x128xf32, #tpu.memory_space<vmem_shared>>
        tpu.enqueue_indirect_dma source(%dma_start3A_276 : memref<128x128xf32, #tpu.memory_space<vmem>>) target(%dma_start3A_282 : memref<10112x128xf32, #tpu.memory_space<vmem_shared>>) offsets(%dma_start3A_279 : memref<128xi32, #tpu.memory_space<vmem>>) semaphore(%arg20 : memref<!tpu.dma_semaphore, #tpu.memory_space<semaphore_mem>>) {add = true}
      }
      %scan3A_237 = arith.constant 80 : i32
      %dma_wait3A = arith.constant 1 : i32
      %dma_wait3A_238 = arith.constant 1 : i32
      %dma_wait3A_239 = arith.constant 0 : i32
      %dma_wait3A_240 = arith.constant 0 : i32
      %dma_wait3A_241 = tpu.memref_slice %arg17[%dma_wait3A, %dma_wait3A_239, %dma_wait3A_240] : memref<2x128x128xf32, #tpu.memory_space<vmem>> -> memref<1x128x128xf32, #tpu.memory_space<vmem>>
      %dma_wait3A_242 = tpu.memref_squeeze %dma_wait3A_241 : memref<1x128x128xf32, #tpu.memory_space<vmem>> -> memref<128x128xf32, #tpu.memory_space<vmem>>
      %dma_wait3A_243 = arith.constant 0 : i32
      %dma_wait3A_244 = tpu.memref_slice %arg16[%dma_wait3A_238, %dma_wait3A_243] : memref<2x128xi32, #tpu.memory_space<vmem>> -> memref<1x128xi32, #tpu.memory_space<vmem>>
      %dma_wait3A_245 = tpu.memref_squeeze %dma_wait3A_244 : memref<1x128xi32, #tpu.memory_space<vmem>> -> memref<128xi32, #tpu.memory_space<vmem>>
      %dma_wait3A_246 = arith.constant 0 : i32
      %dma_wait3A_247 = arith.constant 0 : i32
      %dma_wait3A_248 = tpu.memref_slice %arg12[%dma_wait3A_246, %dma_wait3A_247] : memref<10112x128xf32, #tpu.memory_space<vmem_shared>> -> memref<10112x128xf32, #tpu.memory_space<vmem_shared>>
      tpu.wait_indirect_dma semaphore(%arg20 : memref<!tpu.dma_semaphore, #tpu.memory_space<semaphore_mem>>) src(%dma_wait3A_242 : memref<128x128xf32, #tpu.memory_space<vmem>>) dst(%dma_wait3A_248 : memref<10112x128xf32, #tpu.memory_space<vmem_shared>>)
    } else {
    }
    %barrier3A_8 = arith.constant 0 : index
    tpu.barrier barrier_id(%barrier3A_8)
    %mul3A_9 = arith.constant 632 : i32
    %mul3A_10 = arith.muli %arg1, %mul3A_9 : i32
    %mul3A_11 = arith.constant 640 : i32
    %mul3A_12 = arith.muli %arg1, %mul3A_11 : i32
    %eq3A_13 = arith.constant 0 : i32
    %eq3A_14 = arith.cmpi eq, %arg0, %eq3A_13 : i32
    %convert_element_type3A_15 = arith.extui %eq3A_14 : i1 to i32
    %cond3A_16 = arith.constant 0 : i32
    %cond3A_17 = arith.cmpi ne, %convert_element_type3A_15, %cond3A_16 : i32
    scf.if %cond3A_17 {
      "tpu.region"() ({
        %run_scoped3A = tpu.sem_alloc : memref<!tpu.dma_semaphore, #tpu.memory_space<semaphore_mem>>
        %dma_start3A = arith.constant 0 : i32
        %dma_start3A_23 = tpu.memref_slice %arg8[%mul3A_10, %dma_start3A] : memref<10112x128xf32, #tpu.memory_space<hbm>> -> memref<632x128xf32, #tpu.memory_space<hbm>>
        %dma_start3A_24 = arith.constant 0 : i32
        %dma_start3A_25 = tpu.memref_slice %arg12[%mul3A_10, %dma_start3A_24] : memref<10112x128xf32, #tpu.memory_space<vmem_shared>> -> memref<632x128xf32, #tpu.memory_space<vmem_shared>>
        tpu.enqueue_dma source(%dma_start3A_25 : memref<632x128xf32, #tpu.memory_space<vmem_shared>>) target(%dma_start3A_23 : memref<632x128xf32, #tpu.memory_space<hbm>>) target_semaphore(%run_scoped3A : memref<!tpu.dma_semaphore, #tpu.memory_space<semaphore_mem>>)
        %dma_wait3A = arith.constant 0 : i32
        %dma_wait3A_26 = tpu.memref_slice %arg8[%mul3A_10, %dma_wait3A] : memref<10112x128xf32, #tpu.memory_space<hbm>> -> memref<632x128xf32, #tpu.memory_space<hbm>>
        %dma_wait3A_27 = arith.constant 0 : i32
        %dma_wait3A_28 = tpu.memref_slice %arg12[%mul3A_10, %dma_wait3A_27] : memref<10112x128xf32, #tpu.memory_space<vmem_shared>> -> memref<632x128xf32, #tpu.memory_space<vmem_shared>>
        tpu.wait_dma2 semaphore(%run_scoped3A : memref<!tpu.dma_semaphore, #tpu.memory_space<semaphore_mem>>) src(%dma_wait3A_28 : memref<632x128xf32, #tpu.memory_space<vmem_shared>>) dst(%dma_wait3A_26 : memref<632x128xf32, #tpu.memory_space<hbm>>)
        tpu.yield
      }) : () -> ()
    } else {
    }
    %eq3A_18 = arith.constant 1 : i32
    %eq3A_19 = arith.cmpi eq, %arg0, %eq3A_18 : i32
    %convert_element_type3A_20 = arith.extui %eq3A_19 : i1 to i32
    %cond3A_21 = arith.constant 0 : i32
    %cond3A_22 = arith.cmpi ne, %convert_element_type3A_20, %cond3A_21 : i32
    scf.if %cond3A_22 {
      "tpu.region"() ({
        %run_scoped3A = tpu.sem_alloc : memref<!tpu.dma_semaphore, #tpu.memory_space<semaphore_mem>>
        %dma_start3A = arith.constant 0 : i32
        %dma_start3A_23 = tpu.memref_slice %arg9[%mul3A_10, %dma_start3A] : memref<10112x128xf32, #tpu.memory_space<hbm>> -> memref<632x128xf32, #tpu.memory_space<hbm>>
        %dma_start3A_24 = arith.constant 0 : i32
        %dma_start3A_25 = tpu.memref_slice %arg12[%mul3A_10, %dma_start3A_24] : memref<10112x128xf32, #tpu.memory_space<vmem_shared>> -> memref<632x128xf32, #tpu.memory_space<vmem_shared>>
        tpu.enqueue_dma source(%dma_start3A_25 : memref<632x128xf32, #tpu.memory_space<vmem_shared>>) target(%dma_start3A_23 : memref<632x128xf32, #tpu.memory_space<hbm>>) target_semaphore(%run_scoped3A : memref<!tpu.dma_semaphore, #tpu.memory_space<semaphore_mem>>)
        %dma_wait3A = arith.constant 0 : i32
        %dma_wait3A_26 = tpu.memref_slice %arg9[%mul3A_10, %dma_wait3A] : memref<10112x128xf32, #tpu.memory_space<hbm>> -> memref<632x128xf32, #tpu.memory_space<hbm>>
        %dma_wait3A_27 = arith.constant 0 : i32
        %dma_wait3A_28 = tpu.memref_slice %arg12[%mul3A_10, %dma_wait3A_27] : memref<10112x128xf32, #tpu.memory_space<vmem_shared>> -> memref<632x128xf32, #tpu.memory_space<vmem_shared>>
        tpu.wait_dma2 semaphore(%run_scoped3A : memref<!tpu.dma_semaphore, #tpu.memory_space<semaphore_mem>>) src(%dma_wait3A_28 : memref<632x128xf32, #tpu.memory_space<vmem_shared>>) dst(%dma_wait3A_26 : memref<632x128xf32, #tpu.memory_space<hbm>>)
        tpu.yield
      }) : () -> ()
    } else {
    }
    return
  }
}

module attributes {stable_mosaic.version = 14 : i64} {
  func.func @_tc1_body(%arg0: i32, %arg1: memref<512x256xf32, #tpu.memory_space<vmem>>, %arg2: memref<256x512xbf16, #tpu.memory_space<vmem>>, %arg3: memref<1x256xf32, #tpu.memory_space<vmem>>, %arg4: memref<512x256xf32, #tpu.memory_space<vmem>>, %arg5: memref<512x128xf32, #tpu.memory_space<vmem>>, %arg6: memref<512x128xf32, #tpu.memory_space<vmem>>) attributes {dimension_semantics = [#tpu.dimension_semantics<parallel>], iteration_bounds = array<i64: 20>, scalar_prefetch = 0 : i64, scratch_operands = 0 : i64, tpu.core_type = #tpu.core_type<tc>, window_params = [{transform_indices = @transform_0, window_bounds = array<i64: 512, 256>}, {pipeline_mode = #tpu.pipeline_mode<synchronous>, transform_indices = @transform_1, window_bounds = array<i64: 256, 512>}, {pipeline_mode = #tpu.pipeline_mode<synchronous>, transform_indices = @transform_2, window_bounds = array<i64: 1, 256>}, {transform_indices = @transform_3, window_bounds = array<i64: 512, 256>}, {transform_indices = @transform_4, window_bounds = array<i64: 512, 128>}, {transform_indices = @transform_5, window_bounds = array<i64: 512, 128>}]} {
    %get3A = arith.constant 0 : index
    %get3A_0 = arith.constant 0 : index
    %get3A_1 = vector.load %arg1[%get3A, %get3A_0] : memref<512x256xf32, #tpu.memory_space<vmem>>, vector<512x256xf32>
    %convert_element_type3A = arith.truncf %get3A_1 : vector<512x256xf32> to vector<512x256xbf16>
    %get3A_2 = arith.constant 0 : index
    %get3A_3 = arith.constant 0 : index
    %get3A_4 = vector.load %arg2[%get3A_2, %get3A_3] : memref<256x512xbf16, #tpu.memory_space<vmem>>, vector<256x512xbf16>
    %dot_general3A = arith.constant dense<0.000000e+00> : vector<512x512xf32>
    %dot_general3A_5 = tpu.matmul %convert_element_type3A, %get3A_4, %dot_general3A {dimension_numbers = #tpu.dot_dimension_numbers<[1], [0], [0], [1], [0, 0, 1, 1], [], []>, transpose_lhs_hint = false} : vector<512x256xbf16>, vector<256x512xbf16>, vector<512x512xf32> -> vector<512x512xf32>
    %slice3A = vector.extract_strided_slice %dot_general3A_5 {offsets = [0, 0], sizes = [512, 256], strides = [1, 1]} : vector<512x512xf32> to vector<512x256xf32>
    %get3A_6 = arith.constant 0 : index
    %get3A_7 = arith.constant 0 : index
    %get3A_8 = vector.load %arg3[%get3A_6, %get3A_7] : memref<1x256xf32, #tpu.memory_space<vmem>>, vector<1x256xf32>
    %add3A = vector.broadcast %get3A_8 : vector<1x256xf32> to vector<512x256xf32>
    %add3A_9 = arith.addf %slice3A, %add3A : vector<512x256xf32>
    %swap3A = arith.constant 0 : index
    %swap3A_10 = arith.constant 0 : index
    %swap3A_11 = vector.load %arg4[%swap3A, %swap3A_10] : memref<512x256xf32, #tpu.memory_space<vmem>>, vector<512x256xf32>
    tpu.vector_store %arg4[%swap3A, %swap3A_10], %add3A_9 {strides = array<i32>} : memref<512x256xf32, #tpu.memory_space<vmem>>, vector<512x256xf32>,
    %slice3A_12 = vector.extract_strided_slice %dot_general3A_5 {offsets = [0, 256], sizes = [512, 128], strides = [1, 1]} : vector<512x512xf32> to vector<512x128xf32>
    %swap3A_13 = arith.constant 0 : index
    %swap3A_14 = arith.constant 0 : index
    %swap3A_15 = vector.load %arg5[%swap3A_13, %swap3A_14] : memref<512x128xf32, #tpu.memory_space<vmem>>, vector<512x128xf32>
    tpu.vector_store %arg5[%swap3A_13, %swap3A_14], %slice3A_12 {strides = array<i32>} : memref<512x128xf32, #tpu.memory_space<vmem>>, vector<512x128xf32>,
    %slice3A_16 = vector.extract_strided_slice %dot_general3A_5 {offsets = [0, 384], sizes = [512, 128], strides = [1, 1]} : vector<512x512xf32> to vector<512x128xf32>
    %swap3A_17 = arith.constant 0 : index
    %swap3A_18 = arith.constant 0 : index
    %swap3A_19 = vector.load %arg6[%swap3A_17, %swap3A_18] : memref<512x128xf32, #tpu.memory_space<vmem>>, vector<512x128xf32>
    tpu.vector_store %arg6[%swap3A_17, %swap3A_18], %slice3A_16 {strides = array<i32>} : memref<512x128xf32, #tpu.memory_space<vmem>>, vector<512x128xf32>,
    return
  }
  func.func @transform_0(%arg0: i32) -> (i32, i32) {
    %c0_i32 = arith.constant 0 : i32
    %c0_i32_0 = arith.constant 0 : i32
    return %arg0, %c0_i32 : i32, i32
  }
  func.func @transform_1(%arg0: i32) -> (i32, i32) {
    %c0_i32 = arith.constant 0 : i32
    %c0_i32_0 = arith.constant 0 : i32
    %c0_i32_1 = arith.constant 0 : i32
    return %c0_i32, %c0_i32_0 : i32, i32
  }
  func.func @transform_2(%arg0: i32) -> (i32, i32) {
    %c0_i32 = arith.constant 0 : i32
    %c0_i32_0 = arith.constant 0 : i32
    %c0_i32_1 = arith.constant 0 : i32
    return %c0_i32, %c0_i32_0 : i32, i32
  }
  func.func @transform_3(%arg0: i32) -> (i32, i32) {
    %c0_i32 = arith.constant 0 : i32
    %c0_i32_0 = arith.constant 0 : i32
    return %arg0, %c0_i32 : i32, i32
  }
  func.func @transform_4(%arg0: i32) -> (i32, i32) {
    %c0_i32 = arith.constant 0 : i32
    %c0_i32_0 = arith.constant 0 : i32
    return %arg0, %c0_i32 : i32, i32
  }
  func.func @transform_5(%arg0: i32) -> (i32, i32) {
    %c0_i32 = arith.constant 0 : i32
    %c0_i32_0 = arith.constant 0 : i32
    return %arg0, %c0_i32 : i32, i32
  }
}

module attributes {stable_mosaic.version = 14 : i64} {
  func.func @_tc2_body(%arg0: i32, %arg1: memref<512x256xf32, #tpu.memory_space<vmem>>, %arg2: memref<512x128xf32, #tpu.memory_space<vmem>>, %arg3: memref<512x128xf32, #tpu.memory_space<vmem>>, %arg4: memref<512x1xf32, #tpu.memory_space<vmem>>, %arg5: memref<512x1xf32, #tpu.memory_space<vmem>>, %arg6: memref<256x512xbf16, #tpu.memory_space<vmem>>, %arg7: memref<1x256xf32, #tpu.memory_space<vmem>>, %arg8: memref<512x256xf32, #tpu.memory_space<vmem>>, %arg9: memref<512x128xf32, #tpu.memory_space<vmem>>, %arg10: memref<512x128xf32, #tpu.memory_space<vmem>>) attributes {dimension_semantics = [#tpu.dimension_semantics<parallel>], iteration_bounds = array<i64: 20>, scalar_prefetch = 0 : i64, scratch_operands = 0 : i64, tpu.core_type = #tpu.core_type<tc>, window_params = [{transform_indices = @transform_0, window_bounds = array<i64: 512, 256>}, {transform_indices = @transform_1, window_bounds = array<i64: 512, 128>}, {transform_indices = @transform_2, window_bounds = array<i64: 512, 128>}, {transform_indices = @transform_3, window_bounds = array<i64: 512, 1>}, {transform_indices = @transform_4, window_bounds = array<i64: 512, 1>}, {pipeline_mode = #tpu.pipeline_mode<synchronous>, transform_indices = @transform_5, window_bounds = array<i64: 256, 512>}, {pipeline_mode = #tpu.pipeline_mode<synchronous>, transform_indices = @transform_6, window_bounds = array<i64: 1, 256>}, {transform_indices = @transform_7, window_bounds = array<i64: 512, 256>}, {transform_indices = @transform_8, window_bounds = array<i64: 512, 128>}, {transform_indices = @transform_9, window_bounds = array<i64: 512, 128>}]} {
    %get3A = arith.constant 0 : index
    %get3A_0 = arith.constant 0 : index
    %get3A_1 = vector.load %arg4[%get3A, %get3A_0] : memref<512x1xf32, #tpu.memory_space<vmem>>, vector<512x1xf32>
    %get3A_2 = arith.constant 0 : index
    %get3A_3 = arith.constant 0 : index
    %get3A_4 = vector.load %arg5[%get3A_2, %get3A_3] : memref<512x1xf32, #tpu.memory_space<vmem>>, vector<512x1xf32>
    %add3A = arith.addf %get3A_1, %get3A_4 : vector<512x1xf32>
    %max3A = arith.constant 1.000000e+00 : f32
    %max3A_5 = vector.broadcast %max3A : f32 to vector<512x1xf32>
    %max3A_6 = arith.maximumf %add3A, %max3A_5 : vector<512x1xf32>
    %div3A = arith.constant 1.000000e+00 : f32
    %div3A_7 = vector.broadcast %div3A : f32 to vector<512x1xf32>
    %div3A_8 = arith.divf %div3A_7, %max3A_6 : vector<512x1xf32>
    %get3A_9 = arith.constant 0 : index
    %get3A_10 = arith.constant 0 : index
    %get3A_11 = vector.load %arg2[%get3A_9, %get3A_10] : memref<512x128xf32, #tpu.memory_space<vmem>>, vector<512x128xf32>
    %get3A_12 = arith.constant 0 : index
    %get3A_13 = arith.constant 0 : index
    %get3A_14 = vector.load %arg3[%get3A_12, %get3A_13] : memref<512x128xf32, #tpu.memory_space<vmem>>, vector<512x128xf32>
    %concatenate3A = tpu.concatenate %get3A_11, %get3A_14 in 1 : vector<512x128xf32>, vector<512x128xf32> -> vector<512x256xf32>
    %mul3A = vector.broadcast %div3A_8 : vector<512x1xf32> to vector<512x256xf32>
    %mul3A_15 = arith.mulf %concatenate3A, %mul3A : vector<512x256xf32>
    %get3A_16 = arith.constant 0 : index
    %get3A_17 = arith.constant 0 : index
    %get3A_18 = vector.load %arg1[%get3A_16, %get3A_17] : memref<512x256xf32, #tpu.memory_space<vmem>>, vector<512x256xf32>
    %add3A_19 = arith.addf %get3A_18, %mul3A_15 : vector<512x256xf32>
    %max3A_20 = arith.constant 0.000000e+00 : f32
    %max3A_21 = vector.broadcast %max3A_20 : f32 to vector<512x256xf32>
    %max3A_22 = arith.maximumf %add3A_19, %max3A_21 : vector<512x256xf32>
    %convert_element_type3A = arith.truncf %max3A_22 : vector<512x256xf32> to vector<512x256xbf16>
    %get3A_23 = arith.constant 0 : index
    %get3A_24 = arith.constant 0 : index
    %get3A_25 = vector.load %arg6[%get3A_23, %get3A_24] : memref<256x512xbf16, #tpu.memory_space<vmem>>, vector<256x512xbf16>
    %dot_general3A = arith.constant dense<0.000000e+00> : vector<512x512xf32>
    %dot_general3A_26 = tpu.matmul %convert_element_type3A, %get3A_25, %dot_general3A {dimension_numbers = #tpu.dot_dimension_numbers<[1], [0], [0], [1], [0, 0, 1, 1], [], []>, transpose_lhs_hint = false} : vector<512x256xbf16>, vector<256x512xbf16>, vector<512x512xf32> -> vector<512x512xf32>
    %slice3A = vector.extract_strided_slice %dot_general3A_26 {offsets = [0, 0], sizes = [512, 256], strides = [1, 1]} : vector<512x512xf32> to vector<512x256xf32>
    %get3A_27 = arith.constant 0 : index
    %get3A_28 = arith.constant 0 : index
    %get3A_29 = vector.load %arg7[%get3A_27, %get3A_28] : memref<1x256xf32, #tpu.memory_space<vmem>>, vector<1x256xf32>
    %add3A_30 = vector.broadcast %get3A_29 : vector<1x256xf32> to vector<512x256xf32>
    %add3A_31 = arith.addf %slice3A, %add3A_30 : vector<512x256xf32>
    %swap3A = arith.constant 0 : index
    %swap3A_32 = arith.constant 0 : index
    %swap3A_33 = vector.load %arg8[%swap3A, %swap3A_32] : memref<512x256xf32, #tpu.memory_space<vmem>>, vector<512x256xf32>
    tpu.vector_store %arg8[%swap3A, %swap3A_32], %add3A_31 {strides = array<i32>} : memref<512x256xf32, #tpu.memory_space<vmem>>, vector<512x256xf32>,
    %slice3A_34 = vector.extract_strided_slice %dot_general3A_26 {offsets = [0, 256], sizes = [512, 128], strides = [1, 1]} : vector<512x512xf32> to vector<512x128xf32>
    %swap3A_35 = arith.constant 0 : index
    %swap3A_36 = arith.constant 0 : index
    %swap3A_37 = vector.load %arg9[%swap3A_35, %swap3A_36] : memref<512x128xf32, #tpu.memory_space<vmem>>, vector<512x128xf32>
    tpu.vector_store %arg9[%swap3A_35, %swap3A_36], %slice3A_34 {strides = array<i32>} : memref<512x128xf32, #tpu.memory_space<vmem>>, vector<512x128xf32>,
    %slice3A_38 = vector.extract_strided_slice %dot_general3A_26 {offsets = [0, 384], sizes = [512, 128], strides = [1, 1]} : vector<512x512xf32> to vector<512x128xf32>
    %swap3A_39 = arith.constant 0 : index
    %swap3A_40 = arith.constant 0 : index
    %swap3A_41 = vector.load %arg10[%swap3A_39, %swap3A_40] : memref<512x128xf32, #tpu.memory_space<vmem>>, vector<512x128xf32>
    tpu.vector_store %arg10[%swap3A_39, %swap3A_40], %slice3A_38 {strides = array<i32>} : memref<512x128xf32, #tpu.memory_space<vmem>>, vector<512x128xf32>,
    return
  }
  func.func @transform_0(%arg0: i32) -> (i32, i32) {
    %c0_i32 = arith.constant 0 : i32
    %c0_i32_0 = arith.constant 0 : i32
    return %arg0, %c0_i32 : i32, i32
  }
  func.func @transform_1(%arg0: i32) -> (i32, i32) {
    %c0_i32 = arith.constant 0 : i32
    %c0_i32_0 = arith.constant 0 : i32
    return %arg0, %c0_i32 : i32, i32
  }
  func.func @transform_2(%arg0: i32) -> (i32, i32) {
    %c0_i32 = arith.constant 0 : i32
    %c0_i32_0 = arith.constant 0 : i32
    return %arg0, %c0_i32 : i32, i32
  }
  func.func @transform_3(%arg0: i32) -> (i32, i32) {
    %c0_i32 = arith.constant 0 : i32
    %c0_i32_0 = arith.constant 0 : i32
    return %arg0, %c0_i32 : i32, i32
  }
  func.func @transform_4(%arg0: i32) -> (i32, i32) {
    %c0_i32 = arith.constant 0 : i32
    %c0_i32_0 = arith.constant 0 : i32
    return %arg0, %c0_i32 : i32, i32
  }
  func.func @transform_5(%arg0: i32) -> (i32, i32) {
    %c0_i32 = arith.constant 0 : i32
    %c0_i32_0 = arith.constant 0 : i32
    %c0_i32_1 = arith.constant 0 : i32
    return %c0_i32, %c0_i32_0 : i32, i32
  }
  func.func @transform_6(%arg0: i32) -> (i32, i32) {
    %c0_i32 = arith.constant 0 : i32
    %c0_i32_0 = arith.constant 0 : i32
    %c0_i32_1 = arith.constant 0 : i32
    return %c0_i32, %c0_i32_0 : i32, i32
  }
  func.func @transform_7(%arg0: i32) -> (i32, i32) {
    %c0_i32 = arith.constant 0 : i32
    %c0_i32_0 = arith.constant 0 : i32
    return %arg0, %c0_i32 : i32, i32
  }
  func.func @transform_8(%arg0: i32) -> (i32, i32) {
    %c0_i32 = arith.constant 0 : i32
    %c0_i32_0 = arith.constant 0 : i32
    return %arg0, %c0_i32 : i32, i32
  }
  func.func @transform_9(%arg0: i32) -> (i32, i32) {
    %c0_i32 = arith.constant 0 : i32
    %c0_i32_0 = arith.constant 0 : i32
    return %arg0, %c0_i32 : i32, i32
  }
}

module attributes {stable_mosaic.version = 14 : i64} {
  func.func @_tc3_body(%arg0: i32, %arg1: memref<512x256xf32, #tpu.memory_space<vmem>>, %arg2: memref<512x128xf32, #tpu.memory_space<vmem>>, %arg3: memref<512x128xf32, #tpu.memory_space<vmem>>, %arg4: memref<512x1xf32, #tpu.memory_space<vmem>>, %arg5: memref<512x1xf32, #tpu.memory_space<vmem>>, %arg6: memref<512x256xf32, #tpu.memory_space<vmem>>) attributes {dimension_semantics = [#tpu.dimension_semantics<parallel>], iteration_bounds = array<i64: 20>, scalar_prefetch = 0 : i64, scratch_operands = 0 : i64, tpu.core_type = #tpu.core_type<tc>, window_params = [{transform_indices = @transform_0, window_bounds = array<i64: 512, 256>}, {transform_indices = @transform_1, window_bounds = array<i64: 512, 128>}, {transform_indices = @transform_2, window_bounds = array<i64: 512, 128>}, {transform_indices = @transform_3, window_bounds = array<i64: 512, 1>}, {transform_indices = @transform_4, window_bounds = array<i64: 512, 1>}, {transform_indices = @transform_5, window_bounds = array<i64: 512, 256>}]} {
    %get3A = arith.constant 0 : index
    %get3A_0 = arith.constant 0 : index
    %get3A_1 = vector.load %arg4[%get3A, %get3A_0] : memref<512x1xf32, #tpu.memory_space<vmem>>, vector<512x1xf32>
    %get3A_2 = arith.constant 0 : index
    %get3A_3 = arith.constant 0 : index
    %get3A_4 = vector.load %arg5[%get3A_2, %get3A_3] : memref<512x1xf32, #tpu.memory_space<vmem>>, vector<512x1xf32>
    %add3A = arith.addf %get3A_1, %get3A_4 : vector<512x1xf32>
    %max3A = arith.constant 1.000000e+00 : f32
    %max3A_5 = vector.broadcast %max3A : f32 to vector<512x1xf32>
    %max3A_6 = arith.maximumf %add3A, %max3A_5 : vector<512x1xf32>
    %div3A = arith.constant 1.000000e+00 : f32
    %div3A_7 = vector.broadcast %div3A : f32 to vector<512x1xf32>
    %div3A_8 = arith.divf %div3A_7, %max3A_6 : vector<512x1xf32>
    %get3A_9 = arith.constant 0 : index
    %get3A_10 = arith.constant 0 : index
    %get3A_11 = vector.load %arg2[%get3A_9, %get3A_10] : memref<512x128xf32, #tpu.memory_space<vmem>>, vector<512x128xf32>
    %get3A_12 = arith.constant 0 : index
    %get3A_13 = arith.constant 0 : index
    %get3A_14 = vector.load %arg3[%get3A_12, %get3A_13] : memref<512x128xf32, #tpu.memory_space<vmem>>, vector<512x128xf32>
    %concatenate3A = tpu.concatenate %get3A_11, %get3A_14 in 1 : vector<512x128xf32>, vector<512x128xf32> -> vector<512x256xf32>
    %mul3A = vector.broadcast %div3A_8 : vector<512x1xf32> to vector<512x256xf32>
    %mul3A_15 = arith.mulf %concatenate3A, %mul3A : vector<512x256xf32>
    %get3A_16 = arith.constant 0 : index
    %get3A_17 = arith.constant 0 : index
    %get3A_18 = vector.load %arg1[%get3A_16, %get3A_17] : memref<512x256xf32, #tpu.memory_space<vmem>>, vector<512x256xf32>
    %add3A_19 = arith.addf %get3A_18, %mul3A_15 : vector<512x256xf32>
    %swap3A = arith.constant 0 : index
    %swap3A_20 = arith.constant 0 : index
    %swap3A_21 = vector.load %arg6[%swap3A, %swap3A_20] : memref<512x256xf32, #tpu.memory_space<vmem>>, vector<512x256xf32>
    tpu.vector_store %arg6[%swap3A, %swap3A_20], %add3A_19 {strides = array<i32>} : memref<512x256xf32, #tpu.memory_space<vmem>>, vector<512x256xf32>,
    return
  }
  func.func @transform_0(%arg0: i32) -> (i32, i32) {
    %c0_i32 = arith.constant 0 : i32
    %c0_i32_0 = arith.constant 0 : i32
    return %arg0, %c0_i32 : i32, i32
  }
  func.func @transform_1(%arg0: i32) -> (i32, i32) {
    %c0_i32 = arith.constant 0 : i32
    %c0_i32_0 = arith.constant 0 : i32
    return %arg0, %c0_i32 : i32, i32
  }
  func.func @transform_2(%arg0: i32) -> (i32, i32) {
    %c0_i32 = arith.constant 0 : i32
    %c0_i32_0 = arith.constant 0 : i32
    return %arg0, %c0_i32 : i32, i32
  }
  func.func @transform_3(%arg0: i32) -> (i32, i32) {
    %c0_i32 = arith.constant 0 : i32
    %c0_i32_0 = arith.constant 0 : i32
    return %arg0, %c0_i32 : i32, i32
  }
  func.func @transform_4(%arg0: i32) -> (i32, i32) {
    %c0_i32 = arith.constant 0 : i32
    %c0_i32_0 = arith.constant 0 : i32
    return %arg0, %c0_i32 : i32, i32
  }
  func.func @transform_5(%arg0: i32) -> (i32, i32) {
    %c0_i32 = arith.constant 0 : i32
    %c0_i32_0 = arith.constant 0 : i32
    return %arg0, %c0_i32 : i32, i32
  }
}

</mosaic_0001>

<sc_bundles>
// kernel: sage_segment_sum.3.cloned.1.call-start
scs
__scs_entry_jumppad:
0x0: {  	(pc) =	sbr.rel $0x88, $3  }
0x1: {  	(tag) =	ssettag $0x0;
	lr =	simm.s32 $0x1  }
0x2: {  	[smem:$0x3F99] =	sst lr;
	_ =	strace $0xD0000000  }
0x3: {  	_ = 	snop  }
0x4: {  	_ = 	snop  }
0x5: {  	_ = 	snop  }
0x6: {  	_ = 	snop  }
0x7: {  	_ = 	snop  }
__scs_overlays_trampoline_lowered:
0x8: {  	[smem:$0x3FA8] =	sst s0  }
0x9: {  	[smem:$0x3FA9] =	sst s1  }
0xa: {  	[smem:$0x3FAA] =	sst s2  }
0xb: {  	[smem:$0x3FAB] =	sst s3  }
0xc: {  	[smem:$0x3FAC] =	sst s4  }
0xd: {  	[smem:$0x3FAD] =	sst s5  }
0xe: {  	[smem:$0x3FAE] =	sst s6  }
0xf: {  	[smem:$0x3FAF] =	sst s7  }
0x10: {  	[smem:$0x3FB0] =	sst s8  }
0x11: {  	[smem:$0x3FB1] =	sst s9;
	s0 =	simm.s32 @!p0 $0x0  }
0x12: {  	s1 =	sld [smem:$0x3F97];
	s0 =	simm.s32 @p0 $0x1  }
0x13: {  	[smem:$0x3FB2] =	sst s0;
	s0 =	simm.s32 @!p1 $0x0  }
0x14: {  	s2 =	sld [smem:$0x3F96];
	s0 =	simm.s32 @p1 $0x1  }
0x15: {  	[smem:$0x3FB3] =	sst s0;
	s0 =	simm.s32 @!p2 $0x0  }
0x16: {  	s3 =	sld [smem:$0x3FDB];
	s0 =	simm.s32 @p2 $0x1  }
0x17: {  	s4 =	simm.s32 $0x1BF5;
	[smem:$0x3FB5] =	sst s0  }
0x18: {  	s0 =	sld [smem:$0x3F98];
	_ =	swait.ge [sflag:s4], $0x0  }
0x19: {  	s7 =	sld [smem:$0x3F99]  }
0x1a: {  	s8 =	sadd.s32 $0xFFFFE003, lr  }
0x1b: {  	s9 =	sadd.s32 $0xFFFFFEF7, lr;
	s5 =	simm.s32 $0xFFFFFFFF;
	p2 =	slt.u32 s8, $0xFFFFF086  }
0x1c: {  	p1 =	slt.u32 s9, $0xF7A;
	s5 =	simm.s32 @!p2 $0x0  }
0x1d: {  	s5 =	simm.s32 @p1 $0x1;
	p0 =	seq.s32 s7, s2  }
0x1e: {  	s7 =	smul.u32 @!p0 $0xF7A, s2;
	p2 =	seq.s32 @!p0 s5, $0x0  }
0x1f: {  	s9 =	smul.u32 $0xF7A, s1;
	s8 =	simm.s32 @!p0 $0x1BF5;
	p2 =	por !p2, p0  }
0x20: {  	[sflag:s8] =	ssyncset.s32 @!p0 $0xFFFFF086;
	s6 =	sadd.s32 @!p0 s3, s7;
	s7 =	simm.s32 @!p0 $0x108  }
0x21: {  	s3 =	sadd.s32 s3, s9;
	s6 =	sadd.s32 @!p0 $0x88, s6;
	s7 =	simm.s32 @p2 $0x1082  }
0x22: {  	[simem:s7], [sflag:s8] =	dma.local @!p0 [hbm:s6], $0xF7A  }
0x23: {  	s9 =	sor.u32 $0xD0000000, s2;
	s6 =	simm.s32 $0x108;
	_ =	swait.ge @!p0 [sflag:s8], $0x0  }
0x24: {  	s3 =	sadd.s32 $0x88, s3;
	s6 =	simm.s32 @!p1 $0x1082;
	[sflag:s4] =	ssyncset.s32 $0xFFFFF086  }
0x25: {  	[simem:s6], [sflag:s4] =	dma.local [hbm:s3], $0xF7A  }
0x26: {  	[smem:$0x3F99] =	sst s1;
	(tag) =	ssettag s2;
	_ =	strace s9  }
0x27: {  	s1 =	sld [smem:$0x3FA9]  }
0x28: {  	s2 =	sld [smem:$0x3FAA]  }
0x29: {  	s4 =	sld [smem:$0x3FAC]  }
0x2a: {  	p0 =	seq.s32 s5, $0x0;
	s5 =	sld [smem:$0x3FAD]  }
0x2b: {  	s6 =	sld [smem:$0x3FAE]  }
0x2c: {  	s7 =	sld [smem:$0x3FAF]  }
0x2d: {  	s3 =	simm.s32 $0x108;
	s8 =	sld [smem:$0x3FB0]  }
0x2e: {  	s3 =	simm.s32 @!p0 $0x1082;
	s9 =	sld [smem:$0x3FB1]  }
0x2f: {  	lr =	sadd.s32 s0, s3;
	s0 =	sld [smem:$0x3FA8]  }
0x30: {  	s3 =	sld [smem:$0x3FAB]  }
0x31: {  	[smem:$0x3FB4] =	sst s10  }
0x32: {  	s10 =	sld [smem:$0x3FB2];
	_ =	sdelay $0x3  }
0x33: {  	p0 =	seq.s32 s10, $0x1;
	s10 =	sld [smem:$0x3FB4];
	_ =	sdelay $0x3  }
0x34: {  	[smem:$0x3FB4] =	sst s10  }
0x35: {  	s10 =	sld [smem:$0x3FB3];
	_ =	sdelay $0x3  }
0x36: {  	p1 =	seq.s32 s10, $0x1;
	s10 =	sld [smem:$0x3FB4];
	_ =	sdelay $0x3  }
0x37: {  	[smem:$0x3FB4] =	sst s10  }
0x38: {  	s10 =	sld [smem:$0x3FB5]  }
0x39: {  	_ = 	snop;
	(pc) =	sbr.ind lr, $3  }
0x3a: {  	_ = 	snop  }
0x3b: {  	_ = 	snop  }
0x3c: {  	p2 =	seq.s32 s10, $0x1;
	s10 =	sld [smem:$0x3FB4]  }
0x3d: {  	_ =	shalt  }
0x3e: {  	_ =	shalt  }
0x3f: {  	_ =	shalt  }
0x40: {  	_ =	shalt  }
0x41: {  	_ =	shalt  }
0x42: {  	_ =	shalt  }
0x43: {  	_ =	shalt  }
0x44: {  	_ =	shalt  }
0x45: {  	_ =	shalt  }
0x46: {  	_ =	shalt  }
0x47: {  	_ =	shalt  }
0x48: {  	_ =	shalt  }
0x49: {  	_ =	shalt  }
0x4a: {  	_ =	shalt  }
0x4b: {  	_ =	shalt  }
0x4c: {  	_ =	shalt  }
0x4d: {  	_ =	shalt  }
0x4e: {  	_ =	shalt  }
0x4f: {  	_ =	shalt  }
0x50: {  	_ =	shalt  }
0x51: {  	_ =	shalt  }
0x52: {  	_ =	shalt  }
0x53: {  	_ =	shalt  }
0x54: {  	_ =	shalt  }
0x55: {  	_ =	shalt  }
0x56: {  	_ =	shalt  }
0x57: {  	_ =	shalt  }
0x58: {  	_ =	shalt  }
0x59: {  	_ =	shalt  }
0x5a: {  	_ =	shalt  }
0x5b: {  	_ =	shalt  }
0x5c: {  	_ =	shalt  }
0x5d: {  	_ =	shalt  }
0x5e: {  	_ =	shalt  }
0x5f: {  	_ =	shalt  }
0x60: {  	_ =	shalt  }
0x61: {  	_ =	shalt  }
0x62: {  	_ =	shalt  }
0x63: {  	_ =	shalt  }
0x64: {  	_ =	shalt  }
0x65: {  	_ =	shalt  }
0x66: {  	_ =	shalt  }
0x67: {  	_ =	shalt  }
0x68: {  	_ =	shalt  }
0x69: {  	_ =	shalt  }
0x6a: {  	_ =	shalt  }
0x6b: {  	_ =	shalt  }
0x6c: {  	_ =	shalt  }
0x6d: {  	_ =	shalt  }
0x6e: {  	_ =	shalt  }
0x6f: {  	_ =	shalt  }
0x70: {  	_ =	shalt  }
0x71: {  	_ =	shalt  }
0x72: {  	_ =	shalt  }
0x73: {  	_ =	shalt  }
0x74: {  	_ =	shalt  }
0x75: {  	_ =	shalt  }
0x76: {  	_ =	shalt  }
0x77: {  	_ =	shalt  }
0x78: {  	_ =	shalt  }
0x79: {  	_ =	shalt  }
0x7a: {  	_ =	shalt  }
0x7b: {  	_ =	shalt  }
0x7c: {  	_ =	shalt  }
0x7d: {  	_ =	shalt  }
0x7e: {  	_ =	shalt  }
0x7f: {  	_ =	shalt  }
0x80: {  	_ =	shalt  }
0x81: {  	_ =	shalt  }
0x82: {  	_ =	shalt  }
0x83: {  	_ =	shalt  }
0x84: {  	_ =	shalt  }
0x85: {  	_ =	shalt  }
0x86: {  	_ =	shalt  }
0x87: {  	_ =	shalt  }
.Lfunc_end0:
.L_simem_size_0:
called_computation.1_lowered:
.L_overlay_start_0:
0x88: {  	s2 =	sld [smem:$0x3FD9]  }
0x89: {  	s3 =	sld [smem:$0x3FFE];
	_ =	sdelay $0x1  }
0x8a: {  	s1 =	srdreg.scid  }
0x8b: {  	s0 =	sand.u32 $0x1, s1  }
0x8c: {  	s17 =	sshll.u32 s0, $0xA;
	s2 =	sadd.s32 s3, s2  }
0x8d: {  	s2 =	sadd.s32 s2, s17  }
0x8e: {  	[smem:$0x3FC0] =	sst s2  }
0x8f: {  	_ = 	snop  }
0x90: {  	s2 =	sld [smem:$0x3FD0];
	(tm) =	ssettm $0x1  }
0x91: {  	s18 =	sld [smem:$0x3FFB];
	_ =	sdelay $0x3  }
0x92: {  	_ =	strace s18  }
0x93: {  	s3 =	sld [smem:$0x3FFC];
	_ =	sdelay $0x3  }
0x94: {  	_ =	strace s3  }
0x95: {  	s3 =	sld [smem:$0x3FFD];
	_ =	sdelay $0x3  }
0x96: {  	_ =	strace s3  }
0x97: {  	_ =	strace $0x8FFFFFFF  }
0x98: {  	s19 =	sld [smem:$0x3FDB];
	_ =	sdelay $0x1  }
0x99: {  	s4 =	simm.s32 $_scs_section_size  }
0x9a: {  	s5 =	simm.s32 $_size__tile_overlayer_lowered;
	s6 =	simm.s32 $_tile_overlayer_lowered  }
0x9b: {  	s22 =	simm.s32 $0x1BFF;
	s21 =	sshll.u32 s6, $0x1;
	s3 =	sadd.s32 s4, s19  }
0x9c: {  	s7 =	simm.s32 $0x0;
	s20 =	sshll.u32 s5, $0x1;
	s5 =	sadd.s32 s21, s3  }
0x9d: {  	[timem:s7], [sflag:s22] =	dma.local [hbm:s5], s20  }
0x9e: {  	_ =	swait.ge [sflag:s22], s20  }
0x9f: {  	s4 =	ssub.s32 $0x0, s20;
	[sflag:s22] =	ssyncset.done $0x0  }
0xa0: {  	[sflag:s22] =	ssyncadd.s32 s4;
	_ =	sdelay $0x1  }
0xa1: {  	s23 =	simm.s32 $0x1B8B  }
0xa2: {  	_ =	swait.ge [sflag:s23], $0x1  }
0xa3: {  	[sflag:s23] =	ssyncset.done $0x0  }
0xa4: {  	s25 =	simm.s32 $0x1B8E;
	s24 =	sld [smem:$0x3FFE];
	[sflag:s23] =	ssyncadd.s32 $0xFFFFFFFF  }
0xa5: {  	s26 =	simm.s32 $execute0_lowered;
	[smem:$0x3FD2] =	sst s25  }
0xa6: {  	s5 =	sshll.u32 s26, $0x1;
	_ =	strace $0x80000049;
	[dreg:$0x1] =	wrdreg $0xFFFFFFFF  }
0xa7: {  	s28 =	simm.s32 $_size_execute0_lowered;
	s3 =	sadd.s32 s3, s5;
	[dreg:$0x0] =	wrdreg $0x0  }
0xa8: {  	s5 =	sshll.u32 s28, $0x1;
	[dreg:$0x2] =	wrdreg s3  }
0xa9: {  	[dreg:$0x3] =	wrdreg s5  }
0xaa: {  	[dreg:$0x4] =	wrdreg $0xC0  }
0xab: {  	_ =	task [dreg:s7], $0x5FFFF  }
0xac: {  	[dreg:$0x1] =	wrdreg $0xFFFFFFFF  }
0xad: {  	[dreg:$0x0] =	wrdreg $0x60  }
0xae: {  	[dreg:$0x2] =	wrdreg s24  }
0xaf: {  	[dreg:$0x3] =	wrdreg s2  }
0xb0: {  	[dreg:$0x4] =	wrdreg $0x0  }
0xb1: {  	[dreg:$0x5] =	wrdreg $0x9  }
0xb2: {  	_ =	task.clear_ibuf [dreg:s7], $0x6FFFF;
	_ =	strace $0x90000049  }
0xb3: {  	s29 =	simm.s32 $0x9;
	_ =	strace $0x8000004B  }
0xb4: {  	_ =	swait.ge [sflag:s29], $0x1  }
0xb5: {  	[sflag:s29] =	ssyncadd.s32 $0xFFFFFFFF  }
0xb6: {  	_ =	strace $0x9000004B  }
0xb7: {  	_ =	sfence  }
0xb8: {  	s30 =	sld [smem:$0x0];
	_ =	sdelay $0x2  }
0xb9: {  	s31 =	sshll.u32 s1, $0xD;
	s1 =	sshrl.u32 s1, $0x2  }
0xba: {  	s3 =	sand.u32 $0x4000, s31;
	s1 =	sadd.s32 s1, s30  }
0xbb: {  	s0 =	sor.u32 s3, s0;
	s1 =	sshll.u32 s1, $0x11  }
0xbc: {  	s0 =	sor.u32 s1, s0  }
0xbd: {  	s0 =	sadd.s32 $0x8F2B, s0  }
0xbe: {  	[sflag:s0] =	ssyncadd.remote.s32 $0x1  }
0xbf: {  	_ =	sfence.sel $0xFFFF  }
0xc0: {  	[dreg:$0x0] =	wrdreg $0xFFFFFFFF;
	(pc) =	sbr.abs _section_cstart, $3  }
0xc1: {  	[dreg:$0x1] =	wrdreg $0xFFFFFFFF  }
0xc2: {  	_ =	task.clear_ibuf [dreg:s7], $0x2FFFF;
	_ =	strace $0x9FFFFFFF  }
0xc3: {  	(tm) =	ssettm $0x7FFFFFFF  }
tec
execute0_lowered:
.L_overlay_start_1:
0x0: {  	(tag) =	ssettag $0x1  }
0x1: {  	s8 =	rddreg [dreg:$0x0]  }
0x2: {  	s1 =	rddreg [dreg:$0x1]  }
0x3: {  	s2 =	rddreg [dreg:$0x2]  }
0x4: {  	s0 =	rddreg [dreg:$0x3]  }
0x5: {  	s4 =	simm.s32 $0x0;
	s3 =	stileid.u32;
	s6 =	srdreg.scid  }
0x6: {  	s16 =	simm.s32 $0x80;
	s17 =	simm.s32 $0x16400;
	s18 =	simm.s32 $0x16600  }
0x7: {  	s19 =	simm.s32 $0x3;
	s20 =	simm.s32 $0x0;
	[smem:$0x7FF] =	sst s4  }
0x8: {  	s5 =	sadd.s32 $0xD1800, s8;
	s7 =	smul.u32 $0x500, s3;
	s12 =	sand.u32 $0x1, s6  }
0x9: {  	s6 =	sadd.s32 $0xF8A00, s8;
	s10 =	smul.u32 $0x4F000, s3;
	s14 =	sshll.u32 s3, $0x6  }
0xa: {  	_ =	strace $0x8000004A;
	s9 =	ssub.s32 $0x2, s12;
	p0 =	sne.s32 s12, $0x0  }
.Ltmp0:
0xb: {  	s12 =	simm.s32 $0x13C00;
	s14 =	sor.u32 $0x1C04, s14;
	(pc) =	sbr.rel .LBB2_1-.Ltmp0, $4  }
0xc: {  	s11 =	sadd.s32 s7, s8;
	s7 =	sadd.s32 $0x57400, s8;
	s13 =	sshrl.u32 s9, $0x1  }
0xd: {  	s8 =	sadd.s32 $0x11FC00, s8;
	s10 =	sshrl.u32 s10, $0x2;
	s13 =	ssub.s32 s9, s13  }
0xe: {  	s9 =	sadd.s32 $0x3C00, s11;
	s15 =	sadd.s32 s10, s2;
	s10 =	smul.u32 $0x2780, s3  }
0xf: {  	s11 =	smax.u32 s13, $0x1;
	s13 =	simm.s32 $0x4;
	s15 =	sshrl.u32 s15, $0x3  }
.LBB2_11:
0x10: {  	s21 =	smov.u32 s8  }
.LBB2_12:
0x11: {  	_ =	swait.ge [sflag:s19], $0x4000  }
0x12: {  	s20 =	sadd.s32 $0x1, s20;
	[sflag:s19] =	ssyncset.done $0x0  }
0x13: {  	p1 =	sne.s32 s20, s11;
	[sflag:s19] =	ssyncadd.s32 $0xFFFFC000  }
.Ltmp1:
0x14: {  	s21 =	sadd.s32 s21, s10;
	[bflag:$0x0] =	sbarrier.arrive $0xFFFF;
	(pc) =	sbr.rel @!p1 .LBB2_13-.Ltmp1, $4  }
0x15: {  	[hbm:s21], [sflag:s14] =	dma.local [spmem:s15], $0x2780  }
0x16: {  	_ =	swait.ge [sflag:s13], $0x2780  }
0x17: {  	[sflag:s13] =	ssyncset.done $0x0  }
0x18: {  	[sflag:s13] =	ssyncadd.s32 $0xFFFFD880  }
.LBB2_1:
0x19: {  	[tilespmem:s12], [sflag:$0x4] =	stream.linear.gather [hbm4b:s9+s4], $0x2800, $0x38;
	[tilespmem:$0x1E600] =	vst v63  }
0x1a: {  	_ =	swait.ge [sflag:s13], $0x2800  }
0x1b: {  	[sflag:s13] =	ssyncset.done $0x0  }
0x1c: {  	[sflag:s13] =	ssyncadd.s32 $0xFFFFD800  }
0x1d: {  	[spmem:s15], [sflag:s14] =	dma.local [hbm:s7], $0x2780  }
0x1e: {  	_ =	swait.ge [sflag:s13], $0x2780  }
0x1f: {  	[sflag:s13] =	ssyncset.done $0x0  }
0x20: {  	[sflag:s13] =	ssyncadd.s32 $0xFFFFD880  }
0x21: {  	[bflag:$0x0] =	sbarrier.arrive $0xFFFF  }
0x22: {  	v0 =	vld [tilespmem:$0x13C00];
	_ =	sdelay $0x1  }
0x23: {  	v1 =	vld [tilespmem:$0x13C10];
	_ =	sdelay $0x1  }
0x24: {  	v2 =	vld [tilespmem:$0x13C20]  }
0x25: {  	v3 =	vand.u32 $0xFFFF, v0  }
0x26: {  	v45 =	vld [tilespmem:$0x13C30];
	v0 =	vshrl.u32 v0, $0x10;
	[tilespmem:$0x16400] =	vst v3  }
0x27: {  	v46 =	vand.u32 $0xFFFF, v1;
	[tilespmem:$0x16500] =	vst v0  }
0x28: {  	v48 =	vld [tilespmem:$0x13C40];
	v47 =	vshrl.u32 v1, $0x10;
	[tilespmem:$0x16410] =	vst v46  }
0x29: {  	v49 =	vand.u32 $0xFFFF, v2;
	[tilespmem:$0x16510] =	vst v47  }
0x2a: {  	v51 =	vld [tilespmem:$0x13C50];
	v50 =	vshrl.u32 v2, $0x10;
	[tilespmem:$0x16420] =	vst v49  }
0x2b: {  	v52 =	vand.u32 $0xFFFF, v45;
	[tilespmem:$0x16520] =	vst v50  }
0x2c: {  	v54 =	vld [tilespmem:$0x13C60];
	v53 =	vshrl.u32 v45, $0x10;
	[tilespmem:$0x16430] =	vst v52  }
0x2d: {  	v55 =	vand.u32 $0xFFFF, v48;
	[tilespmem:$0x16530] =	vst v53  }
0x2e: {  	v57 =	vld [tilespmem:$0x13C70];
	v56 =	vshrl.u32 v48, $0x10;
	[tilespmem:$0x16440] =	vst v55  }
0x2f: {  	v58 =	vand.u32 $0xFFFF, v51;
	[tilespmem:$0x16540] =	vst v56  }
0x30: {  	v59 =	vshrl.u32 v51, $0x10;
	[tilespmem:$0x16450] =	vst v58  }
.Ltmp2:
0x31: {  	v60 =	vand.u32 $0xFFFF, v54;
	[tilespmem:$0x16550] =	vst v59;
	(pc) =	sbr.rel @p0 .LBB2_7-.Ltmp2, $4  }
0x32: {  	v61 =	vshrl.u32 v54, $0x10;
	[tilespmem:$0x16460] =	vst v60  }
0x33: {  	v62 =	vand.u32 $0xFFFF, v57;
	[tilespmem:$0x16560] =	vst v61  }
0x34: {  	v63 =	vshrl.u32 v57, $0x10;
	[tilespmem:$0x16470] =	vst v62  }
0x35: {  	[tilespmem:$0x16570] =	vst v63  }
.Ltmp3:
0x36: {  	(pc) =	sbr.rel .LBB2_3-.Ltmp3, $3  }
0x37: {  	_ =	sdelay $0x1  }
0x38: {  	[tilespmem:s18], [sflag:$0x1] =	stream.indirect.gather [hbm4b:s5+s16], $0x80, s17, s16, $0xb8;
	[tilespmem:$0x1E600] =	vst v63  }
0x39: {  	s23 =	simm.s32 $0x0  }
.LBB2_5:
0x3a: {  	p1 =	slt.u32 s21, $0x50  }
.Ltmp4:
0x3b: {  	s23 =	sadd.s32 $0x1, s22;
	(pc) =	sbr.rel @!p1 .LBB2_6-.Ltmp4, $4  }
0x3c: {  	s24 =	sshll.u32 s22, $0xE;
	_ =	swait.ge [sflag:s23], $0x4000  }
0x3d: {  	s31 =	sshll.u32 s22, $0x7;
	s24 =	sadd.s32 $0x16600, s24;
	[sflag:s23] =	ssyncset.done $0x0  }
0x3e: {  	s22 =	sor.u32 $0x16500, s31;
	[sflag:s23] =	ssyncadd.s32 $0xFFFFC000;
	s23 =	smov.u32 s21  }
0x3f: {  	[spmem:s2] =	stream.indirect.scatter.add.f32 [tilespmem:s24], [sflag:$0x3], $0x80, s22, s16, $0xb8;
	[tilespmem:$0x1E600] =	vst v63  }
.LBB2_3:
0x40: {  	p1 =	seq.s32 s23, $0x0  }
0x41: {  	p2 =	seq.s32 @!p1 s23, $0x4F  }
0x42: {  	p2 =	por p1, !p2  }
.Ltmp5:
0x43: {  	_ = 	snop;
	(pc) =	sbr.rel @!p2 .LBB2_5-.Ltmp5, $4  }
0x44: {  	s21 =	simm.s32 @!p1 $0x3  }
0x45: {  	_ =	swait.ge @!p1 [sflag:s21], $0x4000  }
0x46: {  	[sflag:s21] =	ssyncset.done @!p1 $0x0  }
0x47: {  	s22 =	sand.u32 $0x1, s23;
	[sflag:s21] =	ssyncadd.s32 @!p1 $0xFFFFC000;
	s21 =	simm.s32 @!p1 $0x50  }
0x48: {  	s21 =	sadd.s32 @!p1 $0x1, s23  }
0x49: {  	s21 =	simm.s32 @p1 $0x1  }
0x4a: {  	s30 =	sshll.u32 s21, $0x7  }
0x4b: {  	s23 =	sand.u32 $0x3FFFFF80, s30  }
0x4c: {  	v0 =	vld [tilespmem:s23+$0x13C00];
	_ =	sdelay $0x3  }
0x4d: {  	s24 =	sxor.u32 $0x1, s22  }
0x4e: {  	s25 =	sshll.u32 s24, $0x7;
	v1 =	vand.u32 $0xFFFF, v0  }
0x4f: {  	v0 =	vshrl.u32 v0, $0x10;
	[tilespmem:s25+$0x16400] =	vst v1  }
0x50: {  	[tilespmem:s25+$0x16500] =	vst v0  }
0x51: {  	v0 =	vld [tilespmem:s23+$0x13C10];
	_ =	sdelay $0x4  }
0x52: {  	v57 =	vand.u32 $0xFFFF, v0  }
0x53: {  	v0 =	vshrl.u32 v0, $0x10;
	[tilespmem:s25+$0x16410] =	vst v57  }
0x54: {  	[tilespmem:s25+$0x16510] =	vst v0  }
0x55: {  	v0 =	vld [tilespmem:s23+$0x13C20];
	_ =	sdelay $0x4  }
0x56: {  	v58 =	vand.u32 $0xFFFF, v0  }
0x57: {  	v0 =	vshrl.u32 v0, $0x10;
	[tilespmem:s25+$0x16420] =	vst v58  }
0x58: {  	[tilespmem:s25+$0x16520] =	vst v0  }
0x59: {  	v0 =	vld [tilespmem:s23+$0x13C30];
	_ =	sdelay $0x4  }
0x5a: {  	v59 =	vand.u32 $0xFFFF, v0  }
0x5b: {  	v0 =	vshrl.u32 v0, $0x10;
	[tilespmem:s25+$0x16430] =	vst v59  }
0x5c: {  	[tilespmem:s25+$0x16530] =	vst v0  }
0x5d: {  	v0 =	vld [tilespmem:s23+$0x13C40];
	_ =	sdelay $0x4  }
0x5e: {  	v60 =	vand.u32 $0xFFFF, v0  }
0x5f: {  	v0 =	vshrl.u32 v0, $0x10;
	[tilespmem:s25+$0x16440] =	vst v60  }
0x60: {  	[tilespmem:s25+$0x16540] =	vst v0  }
0x61: {  	v0 =	vld [tilespmem:s23+$0x13C50];
	_ =	sdelay $0x4  }
0x62: {  	v61 =	vand.u32 $0xFFFF, v0  }
0x63: {  	v0 =	vshrl.u32 v0, $0x10;
	[tilespmem:s25+$0x16450] =	vst v61  }
0x64: {  	[tilespmem:s25+$0x16550] =	vst v0  }
0x65: {  	v0 =	vld [tilespmem:s23+$0x13C60];
	_ =	sdelay $0x4  }
0x66: {  	v62 =	vand.u32 $0xFFFF, v0  }
0x67: {  	v0 =	vshrl.u32 v0, $0x10;
	[tilespmem:s25+$0x16460] =	vst v62  }
0x68: {  	[tilespmem:s25+$0x16560] =	vst v0  }
0x69: {  	v0 =	vld [tilespmem:s23+$0x13C70];
	_ =	sdelay $0x3  }
.Ltmp6:
0x6a: {  	_ = 	snop;
	(pc) =	sbr.rel .LBB2_5-.Ltmp6, $4  }
0x6b: {  	v63 =	vand.u32 $0xFFFF, v0  }
0x6c: {  	s31 =	sshll.u32 s24, $0xE;
	v0 =	vshrl.u32 v0, $0x10;
	[tilespmem:s25+$0x16470] =	vst v63  }
0x6d: {  	s24 =	sadd.s32 $0x1, s24;
	s26 =	sor.u32 $0x16400, s25;
	s23 =	sadd.s32 $0x16600, s31;
	[tilespmem:s25+$0x16570] =	vst v0  }
0x6e: {  	[tilespmem:s23], [sflag:s24] =	stream.indirect.gather [hbm4b:s5+s16], $0x80, s26, s16, $0xb8;
	[tilespmem:$0x1E600] =	vst v63  }
.LBB2_7:
.Ltmp7:
0x6f: {  	(pc) =	sbr.rel .LBB2_8-.Ltmp7, $3  }
0x70: {  	_ =	sdelay $0x1  }
0x71: {  	[tilespmem:s18], [sflag:$0x1] =	stream.indirect.gather [hbm4b:s6+s16], $0x80, s17, s16, $0xb8;
	[tilespmem:$0x1E600] =	vst v63  }
0x72: {  	s23 =	simm.s32 $0x0  }
.LBB2_10:
0x73: {  	p1 =	slt.u32 s21, $0x50  }
.Ltmp8:
0x74: {  	s23 =	sadd.s32 $0x1, s22;
	(pc) =	sbr.rel @!p1 .LBB2_11-.Ltmp8, $4  }
0x75: {  	s24 =	sshll.u32 s22, $0xE;
	_ =	swait.ge [sflag:s23], $0x4000  }
0x76: {  	s31 =	sshll.u32 s22, $0x7;
	s24 =	sadd.s32 $0x16600, s24;
	[sflag:s23] =	ssyncset.done $0x0  }
0x77: {  	s22 =	sor.u32 $0x16500, s31;
	[sflag:s23] =	ssyncadd.s32 $0xFFFFC000;
	s23 =	smov.u32 s21  }
0x78: {  	[spmem:s2] =	stream.indirect.scatter.add.f32 [tilespmem:s24], [sflag:$0x3], $0x80, s22, s16, $0xb8;
	[tilespmem:$0x1E600] =	vst v63  }
.LBB2_8:
0x79: {  	p1 =	seq.s32 s23, $0x0  }
0x7a: {  	p2 =	seq.s32 @!p1 s23, $0x4F  }
0x7b: {  	p2 =	por p1, !p2  }
.Ltmp9:
0x7c: {  	_ = 	snop;
	(pc) =	sbr.rel @!p2 .LBB2_10-.Ltmp9, $4  }
0x7d: {  	s21 =	simm.s32 @!p1 $0x3  }
0x7e: {  	_ =	swait.ge @!p1 [sflag:s21], $0x4000  }
0x7f: {  	[sflag:s21] =	ssyncset.done @!p1 $0x0  }
0x80: {  	s22 =	sand.u32 $0x1, s23;
	[sflag:s21] =	ssyncadd.s32 @!p1 $0xFFFFC000;
	s21 =	simm.s32 @!p1 $0x50  }
0x81: {  	s21 =	sadd.s32 @!p1 $0x1, s23  }
0x82: {  	s21 =	simm.s32 @p1 $0x1  }
0x83: {  	s30 =	sshll.u32 s21, $0x7  }
0x84: {  	s23 =	sand.u32 $0x3FFFFF80, s30  }
0x85: {  	v0 =	vld [tilespmem:s23+$0x13C00];
	_ =	sdelay $0x3  }
0x86: {  	s24 =	sxor.u32 $0x1, s22  }
0x87: {  	s25 =	sshll.u32 s24, $0x7;
	v1 =	vand.u32 $0xFFFF, v0  }
0x88: {  	v0 =	vshrl.u32 v0, $0x10;
	[tilespmem:s25+$0x16400] =	vst v1  }
0x89: {  	[tilespmem:s25+$0x16500] =	vst v0  }
0x8a: {  	v0 =	vld [tilespmem:s23+$0x13C10];
	_ =	sdelay $0x4  }
0x8b: {  	v57 =	vand.u32 $0xFFFF, v0  }
0x8c: {  	v0 =	vshrl.u32 v0, $0x10;
	[tilespmem:s25+$0x16410] =	vst v57  }
0x8d: {  	[tilespmem:s25+$0x16510] =	vst v0  }
0x8e: {  	v0 =	vld [tilespmem:s23+$0x13C20];
	_ =	sdelay $0x4  }
0x8f: {  	v58 =	vand.u32 $0xFFFF, v0  }
0x90: {  	v0 =	vshrl.u32 v0, $0x10;
	[tilespmem:s25+$0x16420] =	vst v58  }
0x91: {  	[tilespmem:s25+$0x16520] =	vst v0  }
0x92: {  	v0 =	vld [tilespmem:s23+$0x13C30];
	_ =	sdelay $0x4  }
0x93: {  	v59 =	vand.u32 $0xFFFF, v0  }
0x94: {  	v0 =	vshrl.u32 v0, $0x10;
	[tilespmem:s25+$0x16430] =	vst v59  }
0x95: {  	[tilespmem:s25+$0x16530] =	vst v0  }
0x96: {  	v0 =	vld [tilespmem:s23+$0x13C40];
	_ =	sdelay $0x4  }
0x97: {  	v60 =	vand.u32 $0xFFFF, v0  }
0x98: {  	v0 =	vshrl.u32 v0, $0x10;
	[tilespmem:s25+$0x16440] =	vst v60  }
0x99: {  	[tilespmem:s25+$0x16540] =	vst v0  }
0x9a: {  	v0 =	vld [tilespmem:s23+$0x13C50];
	_ =	sdelay $0x4  }
0x9b: {  	v61 =	vand.u32 $0xFFFF, v0  }
0x9c: {  	v0 =	vshrl.u32 v0, $0x10;
	[tilespmem:s25+$0x16450] =	vst v61  }
0x9d: {  	[tilespmem:s25+$0x16550] =	vst v0  }
0x9e: {  	v0 =	vld [tilespmem:s23+$0x13C60];
	_ =	sdelay $0x4  }
0x9f: {  	v62 =	vand.u32 $0xFFFF, v0  }
0xa0: {  	v0 =	vshrl.u32 v0, $0x10;
	[tilespmem:s25+$0x16460] =	vst v62  }
0xa1: {  	[tilespmem:s25+$0x16560] =	vst v0  }
0xa2: {  	v0 =	vld [tilespmem:s23+$0x13C70];
	_ =	sdelay $0x3  }
.Ltmp10:
0xa3: {  	_ = 	snop;
	(pc) =	sbr.rel .LBB2_10-.Ltmp10, $4  }
0xa4: {  	v63 =	vand.u32 $0xFFFF, v0  }
0xa5: {  	s31 =	sshll.u32 s24, $0xE;
	v0 =	vshrl.u32 v0, $0x10;
	[tilespmem:s25+$0x16470] =	vst v63  }
0xa6: {  	s24 =	sadd.s32 $0x1, s24;
	s26 =	sor.u32 $0x16400, s25;
	s23 =	sadd.s32 $0x16600, s31;
	[tilespmem:s25+$0x16570] =	vst v0  }
0xa7: {  	[tilespmem:s23], [sflag:s24] =	stream.indirect.gather [hbm4b:s6+s16], $0x80, s26, s16, $0xb8;
	[tilespmem:$0x1E600] =	vst v63  }
.LBB2_6:
.Ltmp11:
0xa8: {  	(pc) =	sbr.rel .LBB2_12-.Ltmp11, $2  }
0xa9: {  	_ =	sdelay $0x2  }
0xaa: {  	s21 =	smov.u32 s1  }
.LBB2_13:
0xab: {  	_ =	sfence.sel $0x180000  }
0xac: {  	[bflag:$0x0] =	sbarrier.arrive $0xFFFF  }
0xad: {  	p0 =	sne.s32 s3, $0x0;
	_ =	strace $0x9000004A  }
0xae: {  	s0 =	sadd.s32 @!p0 $0x100000, s0;
	[bflag:$0x2] =	sbarrier.arrive $0xFFFF  }
0xaf: {  	[sflag:s0] =	ssyncadd.tile.s32 @!p0 $0x1;
	_ =	shalt  }
.Lfunc_end2:
_tile_overlayer_lowered:
.L_overlay_start_2:
0xb0: {  	(tag) =	ssettag $0x2  }
0xb1: {  	s0 =	rddreg [dreg:$0x0];
	s2 =	stileid.u32  }
0xb2: {  	s1 =	rddreg [dreg:$0x1];
	p0 =	sne.s32 s2, $0x0  }
0xb3: {  	s3 =	rddreg [dreg:$0x2];
	[bflag:$0x3] =	sbarrier.arrive $0xFFFF;
	s2 =	simm.s32 @!p0 $0x1C04  }
0xb4: {  	[timem:s3], [sflag:s2] =	dma.local @!p0 [hbm:s0], s1  }
0xb5: {  	s0 =	simm.s32 @!p0 $0x4  }
0xb6: {  	_ =	swait.ge @!p0 [sflag:s0], s1  }
0xb7: {  	s1 =	ssub.s32 @!p0 $0x0, s1;
	[sflag:s0] =	ssyncset.done @!p0 $0x0  }
0xb8: {  	[sflag:s0] =	ssyncadd.s32 @!p0 s1  }
0xb9: {  	[bflag:$0x3] =	sbarrier.arrive $0xFFFF  }
0xba: {  	_ =	shalt  }

// kernel: sage_segment_sum_deg.3.cloned.1.call-start
scs
__scs_entry_jumppad:
0x0: {  	(pc) =	sbr.rel $0x88, $3  }
0x1: {  	(tag) =	ssettag $0x0;
	lr =	simm.s32 $0x1  }
0x2: {  	[smem:$0x3F99] =	sst lr;
	_ =	strace $0xD0000000  }
0x3: {  	_ = 	snop  }
0x4: {  	_ = 	snop  }
0x5: {  	_ = 	snop  }
0x6: {  	_ = 	snop  }
0x7: {  	_ = 	snop  }
__scs_overlays_trampoline_lowered:
0x8: {  	[smem:$0x3FA8] =	sst s0  }
0x9: {  	[smem:$0x3FA9] =	sst s1  }
0xa: {  	[smem:$0x3FAA] =	sst s2  }
0xb: {  	[smem:$0x3FAB] =	sst s3  }
0xc: {  	[smem:$0x3FAC] =	sst s4  }
0xd: {  	[smem:$0x3FAD] =	sst s5  }
0xe: {  	[smem:$0x3FAE] =	sst s6  }
0xf: {  	[smem:$0x3FAF] =	sst s7  }
0x10: {  	[smem:$0x3FB0] =	sst s8  }
0x11: {  	[smem:$0x3FB1] =	sst s9;
	s0 =	simm.s32 @!p0 $0x0  }
0x12: {  	s1 =	sld [smem:$0x3F97];
	s0 =	simm.s32 @p0 $0x1  }
0x13: {  	[smem:$0x3FB2] =	sst s0;
	s0 =	simm.s32 @!p1 $0x0  }
0x14: {  	s2 =	sld [smem:$0x3F96];
	s0 =	simm.s32 @p1 $0x1  }
0x15: {  	[smem:$0x3FB3] =	sst s0;
	s0 =	simm.s32 @!p2 $0x0  }
0x16: {  	s3 =	sld [smem:$0x3FDB];
	s0 =	simm.s32 @p2 $0x1  }
0x17: {  	s4 =	simm.s32 $0x1BF5;
	[smem:$0x3FB5] =	sst s0  }
0x18: {  	s0 =	sld [smem:$0x3F98];
	_ =	swait.ge [sflag:s4], $0x0  }
0x19: {  	s7 =	sld [smem:$0x3F99]  }
0x1a: {  	s8 =	sadd.s32 $0xFFFFE003, lr  }
0x1b: {  	s9 =	sadd.s32 $0xFFFFFEF7, lr;
	s5 =	simm.s32 $0xFFFFFFFF;
	p2 =	slt.u32 s8, $0xFFFFF086  }
0x1c: {  	p1 =	slt.u32 s9, $0xF7A;
	s5 =	simm.s32 @!p2 $0x0  }
0x1d: {  	s5 =	simm.s32 @p1 $0x1;
	p0 =	seq.s32 s7, s2  }
0x1e: {  	s7 =	smul.u32 @!p0 $0xF7A, s2;
	p2 =	seq.s32 @!p0 s5, $0x0  }
0x1f: {  	s9 =	smul.u32 $0xF7A, s1;
	s8 =	simm.s32 @!p0 $0x1BF5;
	p2 =	por !p2, p0  }
0x20: {  	[sflag:s8] =	ssyncset.s32 @!p0 $0xFFFFF086;
	s6 =	sadd.s32 @!p0 s3, s7;
	s7 =	simm.s32 @!p0 $0x108  }
0x21: {  	s3 =	sadd.s32 s3, s9;
	s6 =	sadd.s32 @!p0 $0x88, s6;
	s7 =	simm.s32 @p2 $0x1082  }
0x22: {  	[simem:s7], [sflag:s8] =	dma.local @!p0 [hbm:s6], $0xF7A  }
0x23: {  	s9 =	sor.u32 $0xD0000000, s2;
	s6 =	simm.s32 $0x108;
	_ =	swait.ge @!p0 [sflag:s8], $0x0  }
0x24: {  	s3 =	sadd.s32 $0x88, s3;
	s6 =	simm.s32 @!p1 $0x1082;
	[sflag:s4] =	ssyncset.s32 $0xFFFFF086  }
0x25: {  	[simem:s6], [sflag:s4] =	dma.local [hbm:s3], $0xF7A  }
0x26: {  	[smem:$0x3F99] =	sst s1;
	(tag) =	ssettag s2;
	_ =	strace s9  }
0x27: {  	s1 =	sld [smem:$0x3FA9]  }
0x28: {  	s2 =	sld [smem:$0x3FAA]  }
0x29: {  	s4 =	sld [smem:$0x3FAC]  }
0x2a: {  	p0 =	seq.s32 s5, $0x0;
	s5 =	sld [smem:$0x3FAD]  }
0x2b: {  	s6 =	sld [smem:$0x3FAE]  }
0x2c: {  	s7 =	sld [smem:$0x3FAF]  }
0x2d: {  	s3 =	simm.s32 $0x108;
	s8 =	sld [smem:$0x3FB0]  }
0x2e: {  	s3 =	simm.s32 @!p0 $0x1082;
	s9 =	sld [smem:$0x3FB1]  }
0x2f: {  	lr =	sadd.s32 s0, s3;
	s0 =	sld [smem:$0x3FA8]  }
0x30: {  	s3 =	sld [smem:$0x3FAB]  }
0x31: {  	[smem:$0x3FB4] =	sst s10  }
0x32: {  	s10 =	sld [smem:$0x3FB2];
	_ =	sdelay $0x3  }
0x33: {  	p0 =	seq.s32 s10, $0x1;
	s10 =	sld [smem:$0x3FB4];
	_ =	sdelay $0x3  }
0x34: {  	[smem:$0x3FB4] =	sst s10  }
0x35: {  	s10 =	sld [smem:$0x3FB3];
	_ =	sdelay $0x3  }
0x36: {  	p1 =	seq.s32 s10, $0x1;
	s10 =	sld [smem:$0x3FB4];
	_ =	sdelay $0x3  }
0x37: {  	[smem:$0x3FB4] =	sst s10  }
0x38: {  	s10 =	sld [smem:$0x3FB5]  }
0x39: {  	_ = 	snop;
	(pc) =	sbr.ind lr, $3  }
0x3a: {  	_ = 	snop  }
0x3b: {  	_ = 	snop  }
0x3c: {  	p2 =	seq.s32 s10, $0x1;
	s10 =	sld [smem:$0x3FB4]  }
0x3d: {  	_ =	shalt  }
0x3e: {  	_ =	shalt  }
0x3f: {  	_ =	shalt  }
0x40: {  	_ =	shalt  }
0x41: {  	_ =	shalt  }
0x42: {  	_ =	shalt  }
0x43: {  	_ =	shalt  }
0x44: {  	_ =	shalt  }
0x45: {  	_ =	shalt  }
0x46: {  	_ =	shalt  }
0x47: {  	_ =	shalt  }
0x48: {  	_ =	shalt  }
0x49: {  	_ =	shalt  }
0x4a: {  	_ =	shalt  }
0x4b: {  	_ =	shalt  }
0x4c: {  	_ =	shalt  }
0x4d: {  	_ =	shalt  }
0x4e: {  	_ =	shalt  }
0x4f: {  	_ =	shalt  }
0x50: {  	_ =	shalt  }
0x51: {  	_ =	shalt  }
0x52: {  	_ =	shalt  }
0x53: {  	_ =	shalt  }
0x54: {  	_ =	shalt  }
0x55: {  	_ =	shalt  }
0x56: {  	_ =	shalt  }
0x57: {  	_ =	shalt  }
0x58: {  	_ =	shalt  }
0x59: {  	_ =	shalt  }
0x5a: {  	_ =	shalt  }
0x5b: {  	_ =	shalt  }
0x5c: {  	_ =	shalt  }
0x5d: {  	_ =	shalt  }
0x5e: {  	_ =	shalt  }
0x5f: {  	_ =	shalt  }
0x60: {  	_ =	shalt  }
0x61: {  	_ =	shalt  }
0x62: {  	_ =	shalt  }
0x63: {  	_ =	shalt  }
0x64: {  	_ =	shalt  }
0x65: {  	_ =	shalt  }
0x66: {  	_ =	shalt  }
0x67: {  	_ =	shalt  }
0x68: {  	_ =	shalt  }
0x69: {  	_ =	shalt  }
0x6a: {  	_ =	shalt  }
0x6b: {  	_ =	shalt  }
0x6c: {  	_ =	shalt  }
0x6d: {  	_ =	shalt  }
0x6e: {  	_ =	shalt  }
0x6f: {  	_ =	shalt  }
0x70: {  	_ =	shalt  }
0x71: {  	_ =	shalt  }
0x72: {  	_ =	shalt  }
0x73: {  	_ =	shalt  }
0x74: {  	_ =	shalt  }
0x75: {  	_ =	shalt  }
0x76: {  	_ =	shalt  }
0x77: {  	_ =	shalt  }
0x78: {  	_ =	shalt  }
0x79: {  	_ =	shalt  }
0x7a: {  	_ =	shalt  }
0x7b: {  	_ =	shalt  }
0x7c: {  	_ =	shalt  }
0x7d: {  	_ =	shalt  }
0x7e: {  	_ =	shalt  }
0x7f: {  	_ =	shalt  }
0x80: {  	_ =	shalt  }
0x81: {  	_ =	shalt  }
0x82: {  	_ =	shalt  }
0x83: {  	_ =	shalt  }
0x84: {  	_ =	shalt  }
0x85: {  	_ =	shalt  }
0x86: {  	_ =	shalt  }
0x87: {  	_ =	shalt  }
.Lfunc_end0:
.L_simem_size_0:
called_computation_lowered:
.L_overlay_start_0:
0x88: {  	s2 =	sld [smem:$0x3FD9]  }
0x89: {  	s3 =	sld [smem:$0x3FFE];
	_ =	sdelay $0x1  }
0x8a: {  	s1 =	srdreg.scid  }
0x8b: {  	s0 =	sand.u32 $0x1, s1  }
0x8c: {  	s16 =	sshll.u32 s0, $0xA;
	s2 =	sadd.s32 s3, s2  }
0x8d: {  	s2 =	sadd.s32 s2, s16  }
0x8e: {  	[smem:$0x3FC0] =	sst s2  }
0x8f: {  	_ = 	snop  }
0x90: {  	(tm) =	ssettm $0x1  }
0x91: {  	s17 =	sld [smem:$0x3FFB];
	_ =	sdelay $0x3  }
0x92: {  	_ =	strace s17  }
0x93: {  	s2 =	sld [smem:$0x3FFC];
	_ =	sdelay $0x3  }
0x94: {  	_ =	strace s2  }
0x95: {  	s2 =	sld [smem:$0x3FFD];
	_ =	sdelay $0x3  }
0x96: {  	_ =	strace s2  }
0x97: {  	_ =	strace $0x8FFFFFFF  }
0x98: {  	s18 =	sld [smem:$0x3FDB];
	_ =	sdelay $0x1  }
0x99: {  	s19 =	simm.s32 $_scs_section_size  }
0x9a: {  	s4 =	simm.s32 $_size__tile_overlayer_lowered;
	s5 =	simm.s32 $_tile_overlayer_lowered  }
0x9b: {  	s22 =	simm.s32 $0x1BFF;
	s21 =	sshll.u32 s5, $0x1;
	s2 =	sadd.s32 s19, s18  }
0x9c: {  	s6 =	simm.s32 $0x0;
	s20 =	sshll.u32 s4, $0x1;
	s4 =	sadd.s32 s21, s2  }
0x9d: {  	[timem:s6], [sflag:s22] =	dma.local [hbm:s4], s20  }
0x9e: {  	_ =	swait.ge [sflag:s22], s20  }
0x9f: {  	s3 =	ssub.s32 $0x0, s20;
	[sflag:s22] =	ssyncset.done $0x0  }
0xa0: {  	[sflag:s22] =	ssyncadd.s32 s3;
	_ =	sdelay $0x1  }
0xa1: {  	s23 =	simm.s32 $0x1B8B  }
0xa2: {  	_ =	swait.ge [sflag:s23], $0x1  }
0xa3: {  	[sflag:s23] =	ssyncset.done $0x0  }
0xa4: {  	s25 =	simm.s32 $0x1B8E;
	s24 =	sld [smem:$0x3FFE];
	[sflag:s23] =	ssyncadd.s32 $0xFFFFFFFF  }
0xa5: {  	s26 =	simm.s32 $execute0_lowered;
	[smem:$0x3FD2] =	sst s25  }
0xa6: {  	s4 =	sshll.u32 s26, $0x1;
	_ =	strace $0x80000046;
	[dreg:$0x1] =	wrdreg $0xFFFFFFFF  }
0xa7: {  	s28 =	simm.s32 $_size_execute0_lowered;
	s2 =	sadd.s32 s2, s4;
	[dreg:$0x0] =	wrdreg $0x0  }
0xa8: {  	s4 =	sshll.u32 s28, $0x1;
	[dreg:$0x2] =	wrdreg s2  }
0xa9: {  	[dreg:$0x3] =	wrdreg s4  }
0xaa: {  	[dreg:$0x4] =	wrdreg $0xC0  }
0xab: {  	_ =	task [dreg:s6], $0x5FFFF  }
0xac: {  	[dreg:$0x1] =	wrdreg $0xFFFFFFFF  }
0xad: {  	[dreg:$0x0] =	wrdreg $0x60  }
0xae: {  	[dreg:$0x2] =	wrdreg s24  }
0xaf: {  	[dreg:$0x3] =	wrdreg $0x0  }
0xb0: {  	[dreg:$0x4] =	wrdreg $0x13C000  }
0xb1: {  	[dreg:$0x5] =	wrdreg $0x9  }
0xb2: {  	_ =	task.clear_ibuf [dreg:s6], $0x6FFFF;
	_ =	strace $0x90000046  }
0xb3: {  	s29 =	simm.s32 $0x9;
	_ =	strace $0x80000048  }
0xb4: {  	_ =	swait.ge [sflag:s29], $0x1  }
0xb5: {  	[sflag:s29] =	ssyncadd.s32 $0xFFFFFFFF  }
0xb6: {  	_ =	strace $0x90000048  }
0xb7: {  	_ =	sfence  }
0xb8: {  	s30 =	sld [smem:$0x0];
	_ =	sdelay $0x2  }
0xb9: {  	s31 =	sshll.u32 s1, $0xD;
	s1 =	sshrl.u32 s1, $0x2  }
0xba: {  	s3 =	sand.u32 $0x4000, s31;
	s1 =	sadd.s32 s1, s30  }
0xbb: {  	s0 =	sor.u32 s3, s0;
	s1 =	sshll.u32 s1, $0x11  }
0xbc: {  	s0 =	sor.u32 s1, s0  }
0xbd: {  	s0 =	sadd.s32 $0x8F2B, s0  }
0xbe: {  	[sflag:s0] =	ssyncadd.remote.s32 $0x1  }
0xbf: {  	_ =	sfence.sel $0xFFFF  }
0xc0: {  	[dreg:$0x0] =	wrdreg $0xFFFFFFFF;
	(pc) =	sbr.abs _section_cstart, $3  }
0xc1: {  	[dreg:$0x1] =	wrdreg $0xFFFFFFFF  }
0xc2: {  	_ =	task.clear_ibuf [dreg:s6], $0x2FFFF;
	_ =	strace $0x9FFFFFFF  }
0xc3: {  	(tm) =	ssettm $0x7FFFFFFF  }
tec
execute0_lowered:
.L_overlay_start_1:
0x0: {  	(tag) =	ssettag $0x1  }
0x1: {  	s0 =	rddreg [dreg:$0x0]  }
0x2: {  	s2 =	rddreg [dreg:$0x1]  }
0x3: {  	s3 =	rddreg [dreg:$0x2];
	s4 =	simm.s32 $0x0;
	s10 =	stileid.u32  }
0x4: {  	s12 =	srdreg.scid;
	s19 =	simm.s32 $0x5;
	s28 =	simm.s32 $0x3  }
0x5: {  	s29 =	simm.s32 $0x4;
	s30 =	simm.s32 $0x0;
	[smem:$0x7FF] =	sst s4  }
0x6: {  	s1 =	smul.u32 $0x500, s10;
	s5 =	sadd.s32 $0x8C00, s0;
	s6 =	sadd.s32 $0x2FE00, s0  }
0x7: {  	s7 =	sadd.s32 $0x57400, s0;
	s8 =	sadd.s32 $0x57200, s0;
	s9 =	sadd.s32 $0x57000, s0  }
0x8: {  	s11 =	sadd.s32 $0x5A800, s0;
	s23 =	sadd.s32 $0x82000, s0;
	s18 =	sand.u32 $0x1, s12  }
0x9: {  	s14 =	smul.u32 $0x4F000, s10;
	_ =	strace $0x80000047;
	[dreg:$0x4] =	wrdreg s11  }
0xa: {  	s24 =	sadd.s32 $0x59C00, s0;
	s13 =	sadd.s32 $0x5A200, s0;
	[dreg:$0x5] =	wrdreg s23  }
0xb: {  	s17 =	smul.u32 $0x280, s10;
	s31 =	sshll.u32 s10, $0x6;
	[dreg:$0x6] =	wrdreg s24  }
0xc: {  	s25 =	ssub.s32 $0x2, s18;
	p0 =	sne.s32 s18, $0x0;
	s18 =	simm.s32 $0x13E80  }
0xd: {  	s20 =	sor.u32 $0x1C05, s31;
	s23 =	simm.s32 $0x1E880;
	s24 =	simm.s32 $0x80  }
.Ltmp0:
0xe: {  	s1 =	sadd.s32 s1, s0;
	s15 =	sshrl.u32 s25, $0x1;
	(pc) =	sbr.rel .LBB2_1-.Ltmp0, $4  }
0xf: {  	s16 =	sshrl.u32 s14, $0x2;
	s22 =	sadd.s32 s17, s3;
	s0 =	ssub.s32 s25, s15  }
0x10: {  	s14 =	sadd.s32 $0x3C00, s1;
	s26 =	sadd.s32 s16, s2;
	s15 =	smul.u32 $0x2780, s10  }
0x11: {  	s16 =	sshrl.u32 s17, $0x3;
	s22 =	sshrl.u32 s22, $0x3;
	s25 =	simm.s32 $0x16680  }
0x12: {  	s17 =	smax.u32 s0, $0x1;
	s21 =	sshrl.u32 s26, $0x3;
	s26 =	simm.s32 $0x16880  }
.LBB2_11:
0x13: {  	_ =	swait.ge [sflag:s28], $0x4000  }
0x14: {  	[sflag:s28] =	ssyncset.done $0x0  }
0x15: {  	[sflag:s28] =	ssyncadd.s32 $0xFFFFC000  }
0x16: {  	_ =	swait.ge [sflag:s29], $0x80  }
0x17: {  	[sflag:s29] =	ssyncset.done $0x0  }
0x18: {  	s0 =	smov.u32 s13;
	s1 =	rddreg [dreg:$0x5];
	[sflag:s29] =	ssyncadd.s32 $0xFFFFFF80  }
.LBB2_12:
0x19: {  	s1 =	sadd.s32 s1, s15;
	[bflag:$0x0] =	sbarrier.arrive $0xFFFF  }
0x1a: {  	[hbm:s1], [sflag:s20] =	dma.local [spmem:s21], $0x2780  }
0x1b: {  	s30 =	sadd.s32 $0x1, s30;
	_ =	swait.ge [sflag:s19], $0x2780  }
0x1c: {  	p1 =	sne.s32 s30, s17;
	[sflag:s19] =	ssyncset.done $0x0  }
.Ltmp1:
0x1d: {  	s0 =	sadd.s32 s0, s16;
	[sflag:s19] =	ssyncadd.s32 $0xFFFFD880;
	(pc) =	sbr.rel @!p1 .LBB2_13-.Ltmp1, $4  }
0x1e: {  	[hbm:s0], [sflag:s20] =	dma.local [spmem:s22], $0x50  }
0x1f: {  	_ =	swait.ge [sflag:s19], $0x50  }
0x20: {  	[sflag:s19] =	ssyncset.done $0x0  }
0x21: {  	[sflag:s19] =	ssyncadd.s32 $0xFFFFFFB0  }
.LBB2_1:
0x22: {  	[tilespmem:s18], [sflag:$0x5] =	stream.linear.gather [hbm4b:s14+s4], $0x2800, $0x38;
	[tilespmem:$0x1E900] =	vst v63  }
0x23: {  	_ =	swait.ge [sflag:s19], $0x2800  }
0x24: {  	[sflag:s19] =	ssyncset.done $0x0  }
0x25: {  	[sflag:s19] =	ssyncadd.s32 $0xFFFFD800  }
0x26: {  	[spmem:s21], [sflag:s20] =	dma.local [hbm:s7], $0x2780  }
0x27: {  	_ =	swait.ge [sflag:s19], $0x2780  }
0x28: {  	[sflag:s19] =	ssyncset.done $0x0  }
0x29: {  	[sflag:s19] =	ssyncadd.s32 $0xFFFFD880  }
0x2a: {  	[spmem:s22], [sflag:s20] =	dma.local [hbm:s8], $0x50  }
0x2b: {  	_ =	swait.ge [sflag:s19], $0x50  }
0x2c: {  	[sflag:s19] =	ssyncset.done $0x0  }
0x2d: {  	[sflag:s19] =	ssyncadd.s32 $0xFFFFFFB0  }
0x2e: {  	[tilespmem:s23], [sflag:$0x5] =	stream.linear.gather [hbm4b:s9+s4], $0x80, $0x38;
	[tilespmem:$0x1E900] =	vst v63  }
0x2f: {  	_ =	swait.ge [sflag:s19], $0x80  }
0x30: {  	[sflag:s19] =	ssyncset.done $0x0  }
0x31: {  	[sflag:s19] =	ssyncadd.s32 $0xFFFFFF80  }
0x32: {  	[bflag:$0x0] =	sbarrier.arrive $0xFFFF  }
0x33: {  	v0 =	vld [tilespmem:$0x13E80];
	_ =	sdelay $0x1  }
0x34: {  	v1 =	vld [tilespmem:$0x13E90];
	_ =	sdelay $0x1  }
0x35: {  	v2 =	vld [tilespmem:$0x13EA0]  }
0x36: {  	v3 =	vand.u32 $0xFFFF, v0  }
0x37: {  	v45 =	vld [tilespmem:$0x13EB0];
	v0 =	vshrl.u32 v0, $0x10;
	[tilespmem:$0x16680] =	vst v3  }
0x38: {  	v46 =	vand.u32 $0xFFFF, v1;
	[tilespmem:$0x16780] =	vst v0  }
0x39: {  	v48 =	vld [tilespmem:$0x13EC0];
	v47 =	vshrl.u32 v1, $0x10;
	[tilespmem:$0x16690] =	vst v46  }
0x3a: {  	v49 =	vand.u32 $0xFFFF, v2;
	[tilespmem:$0x16790] =	vst v47  }
0x3b: {  	v51 =	vld [tilespmem:$0x13ED0];
	v50 =	vshrl.u32 v2, $0x10;
	[tilespmem:$0x166A0] =	vst v49  }
0x3c: {  	v52 =	vand.u32 $0xFFFF, v45;
	[tilespmem:$0x167A0] =	vst v50  }
0x3d: {  	v54 =	vld [tilespmem:$0x13EE0];
	v53 =	vshrl.u32 v45, $0x10;
	[tilespmem:$0x166B0] =	vst v52  }
0x3e: {  	v55 =	vand.u32 $0xFFFF, v48;
	[tilespmem:$0x167B0] =	vst v53  }
0x3f: {  	v57 =	vld [tilespmem:$0x13EF0];
	v56 =	vshrl.u32 v48, $0x10;
	[tilespmem:$0x166C0] =	vst v55  }
0x40: {  	v58 =	vand.u32 $0xFFFF, v51;
	[tilespmem:$0x167C0] =	vst v56  }
0x41: {  	v59 =	vshrl.u32 v51, $0x10;
	[tilespmem:$0x166D0] =	vst v58  }
.Ltmp2:
0x42: {  	v60 =	vand.u32 $0xFFFF, v54;
	[tilespmem:$0x167D0] =	vst v59;
	(pc) =	sbr.rel @p0 .LBB2_7-.Ltmp2, $4  }
0x43: {  	v61 =	vshrl.u32 v54, $0x10;
	[tilespmem:$0x166E0] =	vst v60  }
0x44: {  	v62 =	vand.u32 $0xFFFF, v57;
	[tilespmem:$0x167E0] =	vst v61  }
0x45: {  	v63 =	vshrl.u32 v57, $0x10;
	[tilespmem:$0x166F0] =	vst v62  }
0x46: {  	[tilespmem:$0x167F0] =	vst v63  }
.Ltmp3:
0x47: {  	(pc) =	sbr.rel .LBB2_3-.Ltmp3, $3  }
0x48: {  	_ =	sdelay $0x1  }
0x49: {  	[tilespmem:s26], [sflag:$0x1] =	stream.indirect.gather [hbm4b:s5+s24], $0x80, s25, s24, $0xb8;
	[tilespmem:$0x1E900] =	vst v63  }
0x4a: {  	s0 =	simm.s32 $0x0  }
.LBB2_5:
0x4b: {  	s0 =	sadd.s32 $0x1, s31  }
0x4c: {  	s10 =	sshll.u32 s31, $0xE;
	_ =	swait.ge [sflag:s0], $0x4000  }
0x4d: {  	s11 =	sshll.u32 s31, $0x7;
	p1 =	sne.s32 s31, $0x0;
	[sflag:s0] =	ssyncset.done $0x0  }
0x4e: {  	s10 =	sadd.s32 $0x16880, s10;
	[sflag:s0] =	ssyncadd.s32 $0xFFFFC000;
	s0 =	sadd.s32 $0x16780, s11  }
0x4f: {  	[spmem:s2] =	stream.indirect.scatter.add.f32 [tilespmem:s10], [sflag:$0x3], $0x80, s0, s24, $0xb8;
	[tilespmem:$0x1E900] =	vst v63  }
0x50: {  	s11 =	simm.s32 @!p1 $0x1E880;
	s10 =	simm.s32 @!p1 $0x80  }
0x51: {  	[spmem:s3] =	stream.indirect.scatter.add.f32 @!p1 [tilespmem:s11], [sflag:$0x4], $0x1, s0, s10, $0xb8;
	[tilespmem:$0x1E900] =	vst v63  }
0x52: {  	p1 =	slt.u32 s1, $0x50  }
.Ltmp4:
0x53: {  	_ = 	snop;
	(pc) =	sbr.rel @!p1 .LBB2_6-.Ltmp4, $2  }
0x54: {  	_ =	sdelay $0x2  }
0x55: {  	s0 =	smov.u32 s1  }
.LBB2_3:
0x56: {  	p1 =	seq.s32 s0, $0x0  }
0x57: {  	s31 =	sand.u32 $0x1, s0;
	s1 =	simm.s32 @!p1 $0x3;
	p3 =	seq.s32 @!p1 s0, $0x4F  }
0x58: {  	p2 =	seq.s32 @!p1 s31, $0x0;
	_ =	swait.ge @!p1 [sflag:s1], $0x4000;
	p3 =	por p1, !p3  }
.Ltmp5:
0x59: {  	p2 =	por p2, p1;
	[sflag:s1] =	ssyncset.done @!p1 $0x0;
	(pc) =	sbr.rel @!p3 .LBB2_5-.Ltmp5, $4  }
0x5a: {  	[sflag:s1] =	ssyncadd.s32 @!p1 $0xFFFFC000;
	s1 =	simm.s32 @!p2 $0x4  }
0x5b: {  	_ =	swait.ge @!p2 [sflag:s1], $0x80  }
0x5c: {  	[sflag:s1] =	ssyncset.done @!p2 $0x0  }
0x5d: {  	[sflag:s1] =	ssyncadd.s32 @!p2 $0xFFFFFF80;
	s1 =	simm.s32 @!p1 $0x50  }
0x5e: {  	s1 =	sadd.s32 @!p1 $0x1, s0  }
0x5f: {  	s1 =	simm.s32 @p1 $0x1  }
0x60: {  	s12 =	sshll.u32 s1, $0x7  }
0x61: {  	s0 =	sand.u32 $0x3FFFFF80, s12  }
0x62: {  	v0 =	vld [tilespmem:s0+$0x13E80];
	_ =	sdelay $0x3  }
0x63: {  	s10 =	sxor.u32 $0x1, s31  }
0x64: {  	s11 =	sshll.u32 s10, $0x7;
	v1 =	vand.u32 $0xFFFF, v0  }
0x65: {  	v0 =	vshrl.u32 v0, $0x10;
	[tilespmem:s11+$0x16680] =	vst v1  }
0x66: {  	[tilespmem:s11+$0x16780] =	vst v0  }
0x67: {  	v0 =	vld [tilespmem:s0+$0x13E90];
	_ =	sdelay $0x4  }
0x68: {  	v57 =	vand.u32 $0xFFFF, v0  }
0x69: {  	v0 =	vshrl.u32 v0, $0x10;
	[tilespmem:s11+$0x16690] =	vst v57  }
0x6a: {  	[tilespmem:s11+$0x16790] =	vst v0  }
0x6b: {  	v0 =	vld [tilespmem:s0+$0x13EA0];
	_ =	sdelay $0x4  }
0x6c: {  	v58 =	vand.u32 $0xFFFF, v0  }
0x6d: {  	v0 =	vshrl.u32 v0, $0x10;
	[tilespmem:s11+$0x166A0] =	vst v58  }
0x6e: {  	[tilespmem:s11+$0x167A0] =	vst v0  }
0x6f: {  	v0 =	vld [tilespmem:s0+$0x13EB0];
	_ =	sdelay $0x4  }
0x70: {  	v59 =	vand.u32 $0xFFFF, v0  }
0x71: {  	v0 =	vshrl.u32 v0, $0x10;
	[tilespmem:s11+$0x166B0] =	vst v59  }
0x72: {  	[tilespmem:s11+$0x167B0] =	vst v0  }
0x73: {  	v0 =	vld [tilespmem:s0+$0x13EC0];
	_ =	sdelay $0x4  }
0x74: {  	v60 =	vand.u32 $0xFFFF, v0  }
0x75: {  	v0 =	vshrl.u32 v0, $0x10;
	[tilespmem:s11+$0x166C0] =	vst v60  }
0x76: {  	[tilespmem:s11+$0x167C0] =	vst v0  }
0x77: {  	v0 =	vld [tilespmem:s0+$0x13ED0];
	_ =	sdelay $0x4  }
0x78: {  	v61 =	vand.u32 $0xFFFF, v0  }
0x79: {  	v0 =	vshrl.u32 v0, $0x10;
	[tilespmem:s11+$0x166D0] =	vst v61  }
0x7a: {  	[tilespmem:s11+$0x167D0] =	vst v0  }
0x7b: {  	v0 =	vld [tilespmem:s0+$0x13EE0];
	_ =	sdelay $0x4  }
0x7c: {  	v62 =	vand.u32 $0xFFFF, v0  }
0x7d: {  	v0 =	vshrl.u32 v0, $0x10;
	[tilespmem:s11+$0x166E0] =	vst v62  }
0x7e: {  	[tilespmem:s11+$0x167E0] =	vst v0  }
0x7f: {  	v0 =	vld [tilespmem:s0+$0x13EF0];
	_ =	sdelay $0x3  }
.Ltmp6:
0x80: {  	_ = 	snop;
	(pc) =	sbr.rel .LBB2_5-.Ltmp6, $4  }
0x81: {  	v63 =	vand.u32 $0xFFFF, v0  }
0x82: {  	s0 =	sshll.u32 s10, $0xE;
	v0 =	vshrl.u32 v0, $0x10;
	[tilespmem:s11+$0x166F0] =	vst v63  }
0x83: {  	s12 =	sadd.s32 $0x16680, s11;
	s10 =	sadd.s32 $0x1, s10;
	s0 =	sadd.s32 $0x16880, s0;
	[tilespmem:s11+$0x167F0] =	vst v0  }
0x84: {  	[tilespmem:s0], [sflag:s10] =	stream.indirect.gather [hbm4b:s5+s24], $0x80, s12, s24, $0xb8;
	[tilespmem:$0x1E900] =	vst v63  }
.LBB2_7:
.Ltmp7:
0x85: {  	(pc) =	sbr.rel .LBB2_8-.Ltmp7, $3  }
0x86: {  	_ =	sdelay $0x1  }
0x87: {  	[tilespmem:s26], [sflag:$0x1] =	stream.indirect.gather [hbm4b:s6+s24], $0x80, s25, s24, $0xb8;
	[tilespmem:$0x1E900] =	vst v63  }
0x88: {  	s1 =	simm.s32 $0x0  }
.LBB2_10:
0x89: {  	s1 =	sadd.s32 $0x1, s31  }
0x8a: {  	s10 =	sshll.u32 s31, $0xE;
	_ =	swait.ge [sflag:s1], $0x4000  }
0x8b: {  	s11 =	sshll.u32 s31, $0x7;
	p1 =	seq.s32 s31, $0x0;
	[sflag:s1] =	ssyncset.done $0x0  }
0x8c: {  	s10 =	sadd.s32 $0x16880, s10;
	[sflag:s1] =	ssyncadd.s32 $0xFFFFC000;
	s1 =	sadd.s32 $0x16780, s11  }
0x8d: {  	[spmem:s2] =	stream.indirect.scatter.add.f32 [tilespmem:s10], [sflag:$0x3], $0x80, s1, s24, $0xb8;
	[tilespmem:$0x1E900] =	vst v63  }
0x8e: {  	s11 =	simm.s32 @!p1 $0x1E880;
	s10 =	simm.s32 @!p1 $0x80  }
0x8f: {  	[spmem:s3] =	stream.indirect.scatter.add.f32 @!p1 [tilespmem:s11], [sflag:$0x4], $0x1, s1, s10, $0xb8;
	[tilespmem:$0x1E900] =	vst v63  }
0x90: {  	p1 =	slt.u32 s0, $0x50  }
.Ltmp8:
0x91: {  	_ = 	snop;
	(pc) =	sbr.rel @!p1 .LBB2_11-.Ltmp8, $2  }
0x92: {  	_ =	sdelay $0x2  }
0x93: {  	s1 =	smov.u32 s0  }
.LBB2_8:
0x94: {  	p1 =	seq.s32 s1, $0x0  }
0x95: {  	s31 =	sand.u32 $0x1, s1;
	s0 =	simm.s32 @!p1 $0x3;
	p3 =	seq.s32 @!p1 s1, $0x4F  }
0x96: {  	p2 =	sne.s32 @!p1 s31, $0x0;
	_ =	swait.ge @!p1 [sflag:s0], $0x4000;
	p3 =	por p1, !p3  }
.Ltmp9:
0x97: {  	p2 =	por p2, p1;
	[sflag:s0] =	ssyncset.done @!p1 $0x0;
	(pc) =	sbr.rel @!p3 .LBB2_10-.Ltmp9, $4  }
0x98: {  	[sflag:s0] =	ssyncadd.s32 @!p1 $0xFFFFC000;
	s0 =	simm.s32 @!p2 $0x4  }
0x99: {  	_ =	swait.ge @!p2 [sflag:s0], $0x80  }
0x9a: {  	[sflag:s0] =	ssyncset.done @!p2 $0x0  }
0x9b: {  	[sflag:s0] =	ssyncadd.s32 @!p2 $0xFFFFFF80;
	s0 =	simm.s32 @!p1 $0x50  }
0x9c: {  	s0 =	sadd.s32 @!p1 $0x1, s1  }
0x9d: {  	s0 =	simm.s32 @p1 $0x1  }
0x9e: {  	s12 =	sshll.u32 s0, $0x7  }
0x9f: {  	s1 =	sand.u32 $0x3FFFFF80, s12  }
0xa0: {  	v0 =	vld [tilespmem:s1+$0x13E80];
	_ =	sdelay $0x3  }
0xa1: {  	s10 =	sxor.u32 $0x1, s31  }
0xa2: {  	s11 =	sshll.u32 s10, $0x7;
	v1 =	vand.u32 $0xFFFF, v0  }
0xa3: {  	v0 =	vshrl.u32 v0, $0x10;
	[tilespmem:s11+$0x16680] =	vst v1  }
0xa4: {  	[tilespmem:s11+$0x16780] =	vst v0  }
0xa5: {  	v0 =	vld [tilespmem:s1+$0x13E90];
	_ =	sdelay $0x4  }
0xa6: {  	v57 =	vand.u32 $0xFFFF, v0  }
0xa7: {  	v0 =	vshrl.u32 v0, $0x10;
	[tilespmem:s11+$0x16690] =	vst v57  }
0xa8: {  	[tilespmem:s11+$0x16790] =	vst v0  }
0xa9: {  	v0 =	vld [tilespmem:s1+$0x13EA0];
	_ =	sdelay $0x4  }
0xaa: {  	v58 =	vand.u32 $0xFFFF, v0  }
0xab: {  	v0 =	vshrl.u32 v0, $0x10;
	[tilespmem:s11+$0x166A0] =	vst v58  }
0xac: {  	[tilespmem:s11+$0x167A0] =	vst v0  }
0xad: {  	v0 =	vld [tilespmem:s1+$0x13EB0];
	_ =	sdelay $0x4  }
0xae: {  	v59 =	vand.u32 $0xFFFF, v0  }
0xaf: {  	v0 =	vshrl.u32 v0, $0x10;
	[tilespmem:s11+$0x166B0] =	vst v59  }
0xb0: {  	[tilespmem:s11+$0x167B0] =	vst v0  }
0xb1: {  	v0 =	vld [tilespmem:s1+$0x13EC0];
	_ =	sdelay $0x4  }
0xb2: {  	v60 =	vand.u32 $0xFFFF, v0  }
0xb3: {  	v0 =	vshrl.u32 v0, $0x10;
	[tilespmem:s11+$0x166C0] =	vst v60  }
0xb4: {  	[tilespmem:s11+$0x167C0] =	vst v0  }
0xb5: {  	v0 =	vld [tilespmem:s1+$0x13ED0];
	_ =	sdelay $0x4  }
0xb6: {  	v61 =	vand.u32 $0xFFFF, v0  }
0xb7: {  	v0 =	vshrl.u32 v0, $0x10;
	[tilespmem:s11+$0x166D0] =	vst v61  }
0xb8: {  	[tilespmem:s11+$0x167D0] =	vst v0  }
0xb9: {  	v0 =	vld [tilespmem:s1+$0x13EE0];
	_ =	sdelay $0x4  }
0xba: {  	v62 =	vand.u32 $0xFFFF, v0  }
0xbb: {  	v0 =	vshrl.u32 v0, $0x10;
	[tilespmem:s11+$0x166E0] =	vst v62  }
0xbc: {  	[tilespmem:s11+$0x167E0] =	vst v0  }
0xbd: {  	v0 =	vld [tilespmem:s1+$0x13EF0];
	_ =	sdelay $0x3  }
.Ltmp10:
0xbe: {  	_ = 	snop;
	(pc) =	sbr.rel .LBB2_10-.Ltmp10, $4  }
0xbf: {  	v63 =	vand.u32 $0xFFFF, v0  }
0xc0: {  	s1 =	sshll.u32 s10, $0xE;
	v0 =	vshrl.u32 v0, $0x10;
	[tilespmem:s11+$0x166F0] =	vst v63  }
0xc1: {  	s12 =	sadd.s32 $0x16680, s11;
	s10 =	sadd.s32 $0x1, s10;
	s1 =	sadd.s32 $0x16880, s1;
	[tilespmem:s11+$0x167F0] =	vst v0  }
0xc2: {  	[tilespmem:s1], [sflag:s10] =	stream.indirect.gather [hbm4b:s6+s24], $0x80, s12, s24, $0xb8;
	[tilespmem:$0x1E900] =	vst v63  }
.LBB2_6:
.Ltmp11:
0xc3: {  	(pc) =	sbr.rel .LBB2_12-.Ltmp11, $4  }
0xc4: {  	_ = 	snop  }
0xc5: {  	_ =	swait.ge [sflag:s28], $0x4000  }
0xc6: {  	[sflag:s28] =	ssyncset.done $0x0;
	s1 =	rddreg [dreg:$0x4]  }
0xc7: {  	s0 =	rddreg [dreg:$0x6];
	[sflag:s28] =	ssyncadd.s32 $0xFFFFC000  }
.LBB2_13:
0xc8: {  	_ =	sfence.sel $0x180000  }
0xc9: {  	[bflag:$0x0] =	sbarrier.arrive $0xFFFF  }
0xca: {  	_ =	strace $0x90000047  }
0xcb: {  	s0 =	stileid.u32;
	[bflag:$0x2] =	sbarrier.arrive $0xFFFF  }
0xcc: {  	p0 =	sne.s32 s0, $0x0;
	s0 =	rddreg [dreg:$0x3]  }
0xcd: {  	s0 =	sadd.s32 @!p0 $0x100000, s0  }
0xce: {  	[sflag:s0] =	ssyncadd.tile.s32 @!p0 $0x1;
	_ =	shalt  }
.Lfunc_end2:
_tile_overlayer_lowered:
.L_overlay_start_2:
0xcf: {  	(tag) =	ssettag $0x2  }
0xd0: {  	s0 =	rddreg [dreg:$0x0];
	s2 =	stileid.u32  }
0xd1: {  	s1 =	rddreg [dreg:$0x1];
	p0 =	sne.s32 s2, $0x0  }
0xd2: {  	s3 =	rddreg [dreg:$0x2];
	[bflag:$0x3] =	sbarrier.arrive $0xFFFF;
	s2 =	simm.s32 @!p0 $0x1C05  }
0xd3: {  	[timem:s3], [sflag:s2] =	dma.local @!p0 [hbm:s0], s1  }
0xd4: {  	s0 =	simm.s32 @!p0 $0x5  }
0xd5: {  	_ =	swait.ge @!p0 [sflag:s0], s1  }
0xd6: {  	s1 =	ssub.s32 @!p0 $0x0, s1;
	[sflag:s0] =	ssyncset.done @!p0 $0x0  }
0xd7: {  	[sflag:s0] =	ssyncadd.s32 @!p0 s1  }
0xd8: {  	[bflag:$0x3] =	sbarrier.arrive $0xFFFF  }
0xd9: {  	_ =	shalt  }

</sc_bundles>
